<compile_context>
chip_gen: v7x
topology: tpu7x:2x2x1
jax: 0.10.2.dev20260603
libtpu: 0.0.44.dev20260713+nightly
codegen_flags: <defaults>
</compile_context>

<pallas_src>
import functools

import jax
import jax.numpy as jnp
from jax import lax
from jax.experimental import pallas as pl
from jax.experimental.pallas import tpu as pltpu
from jax.experimental.pallas import tpu_sc as plsc

N = 10000
NPAD = 10240
E = 320000
CHUNK = 128
NW = 32
CHUNKS_PER_TILE = 80
GK = 40
EPAD = NW * CHUNKS_PER_TILE * CHUNK
ROWS_PER_TILE = NPAD // 16

_mesh = plsc.VectorSubcoreMesh(core_axis_name="c", subcore_axis_name="s")



def _deg_kernel(dst_hbm, d0_hbm, d1_hbm, dacc, zb, ones_v, dst_v):
    c = lax.axis_index("c")
    s = lax.axis_index("s")
    wid = s * 2 + c

    def zfill(j, carry):
        zb[pl.ds(j * 16, 16)] = jnp.zeros((16,), jnp.float32)
        return carry
    lax.fori_loop(0, ROWS_PER_TILE // 16, zfill, 0)

    def ofill(j, carry):
        ones_v[pl.ds(j * 16, 16)] = jnp.ones((16,), jnp.float32)
        return carry
    lax.fori_loop(0, CHUNK // 16, ofill, 0)

    rbase = s * ROWS_PER_TILE
    pltpu.sync_copy(zb, dacc.at[pl.ds(rbase, ROWS_PER_TILE)])
    plsc.subcore_barrier()

    pltpu.sync_copy(dst_hbm.at[pl.ds(wid * CHUNKS_PER_TILE, CHUNKS_PER_TILE)],
                    dst_v)

    def body(j, carry):
        pltpu.sync_copy(ones_v, dacc.at[dst_v.at[j]], add=True)
        return carry
    lax.fori_loop(0, CHUNKS_PER_TILE, body, 0)

    plsc.subcore_barrier()

    @pl.when(c == 0)
    def _():
        pltpu.sync_copy(dacc.at[pl.ds(rbase, ROWS_PER_TILE)],
                        d0_hbm.at[pl.ds(rbase, ROWS_PER_TILE)])

    @pl.when(c == 1)
    def _():
        pltpu.sync_copy(dacc.at[pl.ds(rbase, ROWS_PER_TILE)],
                        d1_hbm.at[pl.ds(rbase, ROWS_PER_TILE)])


def _degrees(dst2):
    k = functools.partial(
        pl.kernel,
        mesh=_mesh,
        out_type=[jax.ShapeDtypeStruct((NPAD,), jnp.float32),
                  jax.ShapeDtypeStruct((NPAD,), jnp.float32)],
        scratch_types=[
            pltpu.VMEM_SHARED((NPAD,), jnp.float32),
            pltpu.VMEM((ROWS_PER_TILE,), jnp.float32),
            pltpu.VMEM((CHUNK,), jnp.float32),
            pltpu.VMEM((CHUNKS_PER_TILE, CHUNK), jnp.int32),
        ],
    )(_deg_kernel)
    return k(dst2)


def _prop_kernel(y_hbm, src_hbm, dst_hbm, p0_hbm, p1_hbm,
                 acc, src_v, dst_v, rows0, rows1, gsem0, gsem1):
    c = lax.axis_index("c")
    s = lax.axis_index("s")
    wid = s * 2 + c
    rbase = s * ROWS_PER_TILE

    pltpu.sync_copy(y_hbm.at[pl.ds(rbase, ROWS_PER_TILE)],
                    acc.at[pl.ds(rbase, ROWS_PER_TILE)])
    plsc.subcore_barrier()

    def group(g, carry):
        base = wid * CHUNKS_PER_TILE + g * GK
        pltpu.sync_copy(src_hbm.at[pl.ds(base, GK)], src_v)
        pltpu.sync_copy(dst_hbm.at[pl.ds(base, GK)], dst_v)
        pltpu.async_copy(y_hbm.at[src_v.at[0]], rows0, gsem0)

        def body(i, carry2):
            j0 = 2 * i
            pltpu.make_async_copy(y_hbm.at[src_v.at[j0]], rows0, gsem0).wait()
            pltpu.async_copy(y_hbm.at[src_v.at[j0 + 1]], rows1, gsem1)
            pltpu.sync_copy(rows0, acc.at[dst_v.at[j0]], add=True)
            pltpu.make_async_copy(y_hbm.at[src_v.at[j0 + 1]], rows1,
                                  gsem1).wait()

            @pl.when(j0 + 2 < GK)
            def _():
                pltpu.async_copy(y_hbm.at[src_v.at[j0 + 2]], rows0, gsem0)
            pltpu.sync_copy(rows1, acc.at[dst_v.at[j0 + 1]], add=True)
            return carry2
        lax.fori_loop(0, GK // 2, body, 0)
        return carry
    lax.fori_loop(0, CHUNKS_PER_TILE // GK, group, 0)

    plsc.subcore_barrier()

    @pl.when(c == 0)
    def _():
        pltpu.sync_copy(acc.at[pl.ds(rbase, ROWS_PER_TILE)],
                        p0_hbm.at[pl.ds(rbase, ROWS_PER_TILE)])

    @pl.when(c == 1)
    def _():
        pltpu.sync_copy(acc.at[pl.ds(rbase, ROWS_PER_TILE)],
                        p1_hbm.at[pl.ds(rbase, ROWS_PER_TILE)])


def _prop2_kernel(ya_hbm, yb_hbm, src_hbm, dst_hbm, pa_hbm, pb_hbm,
                  acc, src_v, dst_v, rows0, rows1, gsem0, gsem1):
    c = lax.axis_index("c")
    s = lax.axis_index("s")
    rbase = s * ROWS_PER_TILE
    cpt2 = 2 * CHUNKS_PER_TILE

    def run(y_hbm, p_hbm):
        pltpu.sync_copy(y_hbm.at[pl.ds(rbase, ROWS_PER_TILE)],
                        acc.at[pl.ds(rbase, ROWS_PER_TILE)])
        plsc.subcore_barrier()

        def group(g, carry):
            base = s * cpt2 + g * GK
            pltpu.sync_copy(src_hbm.at[pl.ds(base, GK)], src_v)
            pltpu.sync_copy(dst_hbm.at[pl.ds(base, GK)], dst_v)
            pltpu.async_copy(y_hbm.at[src_v.at[0]], rows0, gsem0)

            def body(i, carry2):
                j0 = 2 * i
                pltpu.make_async_copy(y_hbm.at[src_v.at[j0]], rows0,
                                      gsem0).wait()
                pltpu.async_copy(y_hbm.at[src_v.at[j0 + 1]], rows1, gsem1)
                pltpu.sync_copy(rows0, acc.at[dst_v.at[j0]], add=True)
                pltpu.make_async_copy(y_hbm.at[src_v.at[j0 + 1]], rows1,
                                      gsem1).wait()

                @pl.when(j0 + 2 < GK)
                def _():
                    pltpu.async_copy(y_hbm.at[src_v.at[j0 + 2]], rows0, gsem0)
                pltpu.sync_copy(rows1, acc.at[dst_v.at[j0 + 1]], add=True)
                return carry2
            lax.fori_loop(0, GK // 2, body, 0)
            return carry
        lax.fori_loop(0, cpt2 // GK, group, 0)

        plsc.subcore_barrier()
        pltpu.sync_copy(acc.at[pl.ds(rbase, ROWS_PER_TILE)],
                        p_hbm.at[pl.ds(rbase, ROWS_PER_TILE)])

    @pl.when(c == 0)
    def _():
        run(ya_hbm, pa_hbm)

    @pl.when(c == 1)
    def _():
        run(yb_hbm, pb_hbm)


def _propagate2(ya, yb, src2, dst2):
    k = functools.partial(
        pl.kernel,
        mesh=_mesh,
        out_type=[jax.ShapeDtypeStruct((NPAD, 128), jnp.float32),
                  jax.ShapeDtypeStruct((NPAD, 128), jnp.float32)],
        scratch_types=[
            pltpu.VMEM_SHARED((NPAD, 128), jnp.float32),
            pltpu.VMEM((GK, CHUNK), jnp.int32),
            pltpu.VMEM((GK, CHUNK), jnp.int32),
            pltpu.VMEM((CHUNK, 128), jnp.float32),
            pltpu.VMEM((CHUNK, 128), jnp.float32),
            pltpu.SemaphoreType.DMA,
            pltpu.SemaphoreType.DMA,
        ],
    )(_prop2_kernel)
    return k(ya, yb, src2, dst2)


def _propagate(y, src2, dst2):
    k = functools.partial(
        pl.kernel,
        mesh=_mesh,
        out_type=[jax.ShapeDtypeStruct((NPAD, 128), jnp.float32),
                  jax.ShapeDtypeStruct((NPAD, 128), jnp.float32)],
        scratch_types=[
            pltpu.VMEM_SHARED((NPAD, 128), jnp.float32),
            pltpu.VMEM((GK, CHUNK), jnp.int32),
            pltpu.VMEM((GK, CHUNK), jnp.int32),
            pltpu.VMEM((CHUNK, 128), jnp.float32),
            pltpu.VMEM((CHUNK, 128), jnp.float32),
            pltpu.SemaphoreType.DMA,
            pltpu.SemaphoreType.DMA,
        ],
    )(_prop_kernel)
    return k(y, src2, dst2)



_ROWS = 1024
_GRID = NPAD // _ROWS


def _first_body(x_ref, w_ref, d0_ref, d1_ref, y_ref, dinv_ref):
    dinv = lax.rsqrt(d0_ref[...] + d1_ref[...] + 1.0)
    y_ref[...] = dinv * jnp.dot(x_ref[...], w_ref[...],
                                preferred_element_type=jnp.float32)
    dinv_ref[...] = dinv


def _first(x_pad, W1, d0, d1):
    rb = lambda i: (i, 0)
    return pl.pallas_call(
        _first_body,
        grid=(_GRID,),
        in_specs=[
            pl.BlockSpec((_ROWS, 128), rb),
            pl.BlockSpec((128, 128), lambda i: (0, 0)),
            pl.BlockSpec((_ROWS, 1), rb),
            pl.BlockSpec((_ROWS, 1), rb),
        ],
        out_specs=[pl.BlockSpec((_ROWS, 128), rb),
                   pl.BlockSpec((_ROWS, 1), rb)],
        out_shape=[jax.ShapeDtypeStruct((NPAD, 128), jnp.float32),
                   jax.ShapeDtypeStruct((NPAD, 1), jnp.float32)],
    )(x_pad, W1, d0.reshape(NPAD, 1), d1.reshape(NPAD, 1))


def _comb1_body(p0, p1, y, dinv, w_ref, b_ref, out_ref):
    s = p0[...] + p1[...] - y[...]
    h = jnp.maximum(dinv[...] * s + b_ref[...], 0.0)
    out_ref[...] = dinv[...] * jnp.dot(h, w_ref[...],
                                       preferred_element_type=jnp.float32)


def _comb1(p0, p1, y1, dinv, W2, b1):
    rb = lambda i: (i, 0)
    return pl.pallas_call(
        _comb1_body,
        grid=(_GRID,),
        in_specs=[
            pl.BlockSpec((_ROWS, 128), rb),
            pl.BlockSpec((_ROWS, 128), rb),
            pl.BlockSpec((_ROWS, 128), rb),
            pl.BlockSpec((_ROWS, 1), rb),
            pl.BlockSpec((128, 256), lambda i: (0, 0)),
            pl.BlockSpec((1, 128), lambda i: (0, 0)),
        ],
        out_specs=pl.BlockSpec((_ROWS, 256), rb),
        out_shape=jax.ShapeDtypeStruct((NPAD, 256), jnp.float32),
    )(p0, p1, y1, dinv, W2, b1.reshape(1, 128))


def _comb2_body(qa, qb, dinv, w_ref, b_ref, out_ref):
    s = jnp.concatenate([qa[...], qb[...]], axis=1)
    h = jnp.maximum(dinv[...] * s + b_ref[...], 0.0)
    out_ref[...] = dinv[...] * jnp.dot(h, w_ref[...],
                                       preferred_element_type=jnp.float32)


def _comb2(qa, qb, dinv, W3, b2):
    rb = lambda i: (i, 0)
    return pl.pallas_call(
        _comb2_body,
        grid=(_GRID,),
        in_specs=[
            pl.BlockSpec((_ROWS, 128), rb),
            pl.BlockSpec((_ROWS, 128), rb),
            pl.BlockSpec((_ROWS, 1), rb),
            pl.BlockSpec((256, 128), lambda i: (0, 0)),
            pl.BlockSpec((1, 256), lambda i: (0, 0)),
        ],
        out_specs=pl.BlockSpec((_ROWS, 128), rb),
        out_shape=jax.ShapeDtypeStruct((NPAD, 128), jnp.float32),
    )(qa, qb, dinv, W3, b2.reshape(1, 256))


def _final_body(r0, r1, y3, dinv, b_ref, out_ref):
    out_ref[...] = dinv[...] * (r0[...] + r1[...] - y3[...]) + b_ref[...]


def _final(r0, r1, y3, dinv, b3):
    rb = lambda i: (i, 0)
    rows = 1000
    return pl.pallas_call(
        _final_body,
        grid=(N // rows,),
        in_specs=[
            pl.BlockSpec((rows, 128), rb),
            pl.BlockSpec((rows, 128), rb),
            pl.BlockSpec((rows, 128), rb),
            pl.BlockSpec((rows, 1), rb),
            pl.BlockSpec((1, 128), lambda i: (0, 0)),
        ],
        out_specs=pl.BlockSpec((rows, 128), rb),
        out_shape=jax.ShapeDtypeStruct((N, 128), jnp.float32),
    )(r0, r1, y3, dinv, b3.reshape(1, 128))



def kernel(x, edge_index, W1, b1, W2, b2, W3, b3):
    src = edge_index[0].astype(jnp.int32)
    dst = edge_index[1].astype(jnp.int32)
    pad = EPAD - E
    padi = jnp.arange(pad, dtype=jnp.int32)
    srcp = jnp.concatenate([src, padi % N])
    dstp = jnp.concatenate([dst, N + padi % (NPAD - N)])
    src2 = srcp.reshape(EPAD // CHUNK, CHUNK)
    dst2 = dstp.reshape(EPAD // CHUNK, CHUNK)
    x_pad = jnp.pad(x, ((0, NPAD - N), (0, 0)))

    d0, d1 = _degrees(dst2)
    y1, dinv = _first(x_pad, W1, d0, d1)

    p0, p1 = _propagate(y1, src2, dst2)
    y2 = _comb1(p0, p1, y1, dinv, W2, b1)

    qa, qb = _propagate2(y2[:, :128], y2[:, 128:], src2, dst2)
    y3 = _comb2(qa, qb, dinv, W3, b2)

    r0, r1 = _propagate(y3, src2, dst2)
    return _final(r0, r1, y3, dinv, b3)

# --- scband reference (transcript-rebuilt; emitter-appended) ---
"""Pipeline reference for scband-enhanced-link-predictor-21002390077477 (READ-ONLY COPY).

The authoritative reference and input builder live on the scoring server;
editing this copy changes nothing except your own understanding.
"""

import jax, jax.numpy as jnp
import numpy as np

N_NODES = 10000
N_EDGES = 320000
IN_CH = 128
HID = 128
OUT_CH = 128


def setup_inputs(seed: int = 0) -> dict:
    key = jax.random.key(seed)
    ks = jax.random.split(key, 8)
    x = jax.random.normal(ks[0], (N_NODES, IN_CH), dtype=jnp.float32)
    edge_index = jax.random.randint(ks[1], (2, N_EDGES), 0, N_NODES, dtype=jnp.int64)
    # GCNConv params: conv1 (in->hid), conv2 (hid->2*hid), conv3 (2*hid->out)
    def glorot(k, fan_in, fan_out):
        lim = jnp.sqrt(6.0 / (fan_in + fan_out))
        return jax.random.uniform(k, (fan_in, fan_out), minval=-lim, maxval=lim, dtype=jnp.float32)
    W1 = glorot(ks[2], IN_CH, HID)
    b1 = jnp.zeros((HID,), dtype=jnp.float32)
    W2 = glorot(ks[3], HID, HID * 2)
    b2 = jnp.zeros((HID * 2,), dtype=jnp.float32)
    W3 = glorot(ks[4], HID * 2, OUT_CH)
    b3 = jnp.zeros((OUT_CH,), dtype=jnp.float32)
    return {"x": x, "edge_index": edge_index, "W1": W1, "b1": b1, "W2": W2, "b2": b2, "W3": W3, "b3": b3}


def _gcn_conv(x, src, dst, W, b, n):
    # x' = D^{-1/2} (A + I) D^{-1/2} (X W) + b  (PyG GCNConv with add_self_loops)
    h = x @ W
    loop = jnp.arange(n, dtype=src.dtype)
    src_f = jnp.concatenate([src, loop])
    dst_f = jnp.concatenate([dst, loop])
    deg = jnp.zeros((n,), dtype=x.dtype).at[dst_f].add(1.0)
    dinv = jnp.where(deg > 0, jax.lax.rsqrt(deg), 0.0)
    norm = dinv[src_f] * dinv[dst_f]
    msg = h[src_f] * norm[:, None]
    out = jnp.zeros((n, W.shape[1]), dtype=x.dtype).at[dst_f].add(msg)
    return out + b


def reference(x, edge_index, W1, b1, W2, b2, W3, b3):
    n = x.shape[0]
    src, dst = edge_index[0], edge_index[1]
    h = _gcn_conv(x, src, dst, W1, b1, n)
    h = jax.nn.relu(h)
    # dropout is identity in eval mode
    h = _gcn_conv(h, src, dst, W2, b2, n)
    h = jax.nn.relu(h)
    out = _gcn_conv(h, src, dst, W3, b3, n)
    return out

if __name__ == "__main__":
    import jax
    _d = setup_inputs()
    print(jax.jit(kernel)(*tuple(_d.values())))

</pallas_src>

<mosaic_0001>
#map = affine_map<(d0, d1) -> (0, 0)>
#map1 = affine_map<(d0, d1) -> (0)>
module attributes {stable_mosaic.version = 14 : i64} {
  func.func @_deg_kernel(%arg0: i32, %arg1: i32, %arg2: memref<2560x128xi32, #tpu.memory_space<hbm>>, %arg3: memref<10240xf32, #tpu.memory_space<hbm>>, %arg4: memref<10240xf32, #tpu.memory_space<hbm>>, %arg5: memref<10240xf32, #tpu.memory_space<vmem_shared>>, %arg6: memref<640xf32, #tpu.memory_space<vmem>>, %arg7: memref<128xf32, #tpu.memory_space<vmem>>, %arg8: memref<80x128xi32, #tpu.memory_space<vmem>>) attributes {dimension_semantics = [#tpu.dimension_semantics<core_parallel>, #tpu.dimension_semantics<subcore_parallel>], iteration_bounds = array<i64: 2, 16>, scalar_prefetch = 0 : i64, scratch_operands = 4 : i64, tpu.core_type = #tpu.core_type<sc_vector_subcore>, window_params = [{transform_indices = #map}, {transform_indices = #map1}, {transform_indices = #map1}]} {
    %mul3A = arith.constant 2 : i32
    %mul3A_0 = arith.muli %arg1, %mul3A : i32
    %add3A = arith.addi %mul3A_0, %arg0 : i32
    %scan3A = arith.constant 0 : i32
    %scan3A_1 = arith.constant 0 : i32
    %scan3A_2 = arith.constant 40 : i32
    %scan3A_3 = arith.addi %scan3A_1, %scan3A_2 : i32
    %scan3A_4 = arith.constant 1 : i32
    scf.for %scan3A_30 = %scan3A_1 to %scan3A_3 step %scan3A_4  : i32 {
      %broadcast_in_dim3A = arith.constant 0.000000e+00 : f32
      %broadcast_in_dim3A_31 = vector.broadcast %broadcast_in_dim3A : f32 to vector<16xf32>
      %mul3A_32 = arith.constant 16 : i32
      %mul3A_33 = arith.muli %scan3A_30, %mul3A_32 : i32
      %swap3A = arith.index_cast %mul3A_33 : i32 to index
      %swap3A_34 = tpu.vector_load %arg6[%swap3A] {strides = array<i32>} : memref<640xf32, #tpu.memory_space<vmem>>, vector<16xf32>,
      %swap3A_35 = vector.shape_cast %swap3A_34 : vector<16xf32> to vector<16xf32>
      %swap3A_36 = vector.shape_cast %broadcast_in_dim3A_31 : vector<16xf32> to vector<16xf32>
      tpu.vector_store %arg6[%swap3A], %swap3A_36 {strides = array<i32>} : memref<640xf32, #tpu.memory_space<vmem>>, vector<16xf32>,
    }
    %scan3A_5 = arith.constant 40 : i32
    %scan3A_6 = arith.constant 0 : i32
    %scan3A_7 = arith.constant 0 : i32
    %scan3A_8 = arith.constant 8 : i32
    %scan3A_9 = arith.addi %scan3A_7, %scan3A_8 : i32
    %scan3A_10 = arith.constant 1 : i32
    scf.for %scan3A_30 = %scan3A_7 to %scan3A_9 step %scan3A_10  : i32 {
      %broadcast_in_dim3A = arith.constant 1.000000e+00 : f32
      %broadcast_in_dim3A_31 = vector.broadcast %broadcast_in_dim3A : f32 to vector<16xf32>
      %mul3A_32 = arith.constant 16 : i32
      %mul3A_33 = arith.muli %scan3A_30, %mul3A_32 : i32
      %swap3A = arith.index_cast %mul3A_33 : i32 to index
      %swap3A_34 = tpu.vector_load %arg7[%swap3A] {strides = array<i32>} : memref<128xf32, #tpu.memory_space<vmem>>, vector<16xf32>,
      %swap3A_35 = vector.shape_cast %swap3A_34 : vector<16xf32> to vector<16xf32>
      %swap3A_36 = vector.shape_cast %broadcast_in_dim3A_31 : vector<16xf32> to vector<16xf32>
      tpu.vector_store %arg7[%swap3A], %swap3A_36 {strides = array<i32>} : memref<128xf32, #tpu.memory_space<vmem>>, vector<16xf32>,
    }
    %scan3A_11 = arith.constant 8 : i32
    %mul3A_12 = arith.constant 640 : i32
    %mul3A_13 = arith.muli %arg1, %mul3A_12 : i32
    "tpu.region"() ({
      %run_scoped3A = tpu.sem_alloc : memref<!tpu.dma_semaphore, #tpu.memory_space<semaphore_mem>>
      %dma_start3A = tpu.memref_slice %arg5[%mul3A_13] : memref<10240xf32, #tpu.memory_space<vmem_shared>> -> memref<640xf32, #tpu.memory_space<vmem_shared>>
      %dma_start3A_30 = tpu.memref_slice %arg5[%mul3A_13] : memref<10240xf32, #tpu.memory_space<vmem_shared>> -> memref<640xf32, #tpu.memory_space<vmem_shared>>
      tpu.enqueue_dma source(%arg6 : memref<640xf32, #tpu.memory_space<vmem>>) target(%dma_start3A_30 : memref<640xf32, #tpu.memory_space<vmem_shared>>) target_semaphore(%run_scoped3A : memref<!tpu.dma_semaphore, #tpu.memory_space<semaphore_mem>>)
      %dma_wait3A = tpu.memref_slice %arg5[%mul3A_13] : memref<10240xf32, #tpu.memory_space<vmem_shared>> -> memref<640xf32, #tpu.memory_space<vmem_shared>>
      %dma_wait3A_31 = tpu.memref_slice %arg5[%mul3A_13] : memref<10240xf32, #tpu.memory_space<vmem_shared>> -> memref<640xf32, #tpu.memory_space<vmem_shared>>
      tpu.wait_dma2 semaphore(%run_scoped3A : memref<!tpu.dma_semaphore, #tpu.memory_space<semaphore_mem>>) src(%arg6 : memref<640xf32, #tpu.memory_space<vmem>>) dst(%dma_wait3A_31 : memref<640xf32, #tpu.memory_space<vmem_shared>>)
      tpu.yield
    }) : () -> ()
    %barrier3A = arith.constant 0 : index
    tpu.barrier barrier_id(%barrier3A)
    %mul3A_14 = arith.constant 80 : i32
    %mul3A_15 = arith.muli %add3A, %mul3A_14 : i32
    "tpu.region"() ({
      %run_scoped3A = tpu.sem_alloc : memref<!tpu.dma_semaphore, #tpu.memory_space<semaphore_mem>>
      %dma_start3A = arith.constant 0 : i32
      %dma_start3A_30 = tpu.memref_slice %arg2[%mul3A_15, %dma_start3A] : memref<2560x128xi32, #tpu.memory_space<hbm>> -> memref<80x128xi32, #tpu.memory_space<hbm>>
      %dma_start3A_31 = arith.constant 0 : i32
      %dma_start3A_32 = tpu.memref_slice %arg2[%mul3A_15, %dma_start3A_31] : memref<2560x128xi32, #tpu.memory_space<hbm>> -> memref<80x128xi32, #tpu.memory_space<hbm>>
      tpu.enqueue_dma source(%dma_start3A_32 : memref<80x128xi32, #tpu.memory_space<hbm>>) target(%arg8 : memref<80x128xi32, #tpu.memory_space<vmem>>) target_semaphore(%run_scoped3A : memref<!tpu.dma_semaphore, #tpu.memory_space<semaphore_mem>>)
      %dma_wait3A = arith.constant 0 : i32
      %dma_wait3A_33 = tpu.memref_slice %arg2[%mul3A_15, %dma_wait3A] : memref<2560x128xi32, #tpu.memory_space<hbm>> -> memref<80x128xi32, #tpu.memory_space<hbm>>
      %dma_wait3A_34 = arith.constant 0 : i32
      %dma_wait3A_35 = tpu.memref_slice %arg2[%mul3A_15, %dma_wait3A_34] : memref<2560x128xi32, #tpu.memory_space<hbm>> -> memref<80x128xi32, #tpu.memory_space<hbm>>
      tpu.wait_dma2 semaphore(%run_scoped3A : memref<!tpu.dma_semaphore, #tpu.memory_space<semaphore_mem>>) src(%dma_wait3A_35 : memref<80x128xi32, #tpu.memory_space<hbm>>) dst(%arg8 : memref<80x128xi32, #tpu.memory_space<vmem>>)
      tpu.yield
    }) : () -> ()
    %scan3A_16 = arith.constant 0 : i32
    %scan3A_17 = arith.constant 0 : i32
    %scan3A_18 = arith.constant 80 : i32
    %scan3A_19 = arith.addi %scan3A_17, %scan3A_18 : i32
    %scan3A_20 = arith.constant 1 : i32
    scf.for %scan3A_30 = %scan3A_17 to %scan3A_19 step %scan3A_20  : i32 {
      "tpu.region"() ({
        %run_scoped3A = tpu.sem_alloc : memref<!tpu.dma_semaphore, #tpu.memory_space<semaphore_mem>>
        %dma_start3A = arith.constant 0 : i32
        %dma_start3A_31 = tpu.memref_slice %arg8[%scan3A_30, %dma_start3A] : memref<80x128xi32, #tpu.memory_space<vmem>> -> memref<1x128xi32, #tpu.memory_space<vmem>>
        %dma_start3A_32 = tpu.memref_squeeze %dma_start3A_31 : memref<1x128xi32, #tpu.memory_space<vmem>> -> memref<128xi32, #tpu.memory_space<vmem>>
        %dma_start3A_33 = arith.constant 0 : i32
        %dma_start3A_34 = tpu.memref_slice %arg5[%dma_start3A_33] : memref<10240xf32, #tpu.memory_space<vmem_shared>> -> memref<10240xf32, #tpu.memory_space<vmem_shared>>
        tpu.enqueue_indirect_dma source(%arg7 : memref<128xf32, #tpu.memory_space<vmem>>) target(%dma_start3A_34 : memref<10240xf32, #tpu.memory_space<vmem_shared>>) offsets(%dma_start3A_32 : memref<128xi32, #tpu.memory_space<vmem>>) semaphore(%run_scoped3A : memref<!tpu.dma_semaphore, #tpu.memory_space<semaphore_mem>>) {add = true}
        %dma_wait3A = arith.constant 0 : i32
        %dma_wait3A_35 = tpu.memref_slice %arg8[%scan3A_30, %dma_wait3A] : memref<80x128xi32, #tpu.memory_space<vmem>> -> memref<1x128xi32, #tpu.memory_space<vmem>>
        %dma_wait3A_36 = tpu.memref_squeeze %dma_wait3A_35 : memref<1x128xi32, #tpu.memory_space<vmem>> -> memref<128xi32, #tpu.memory_space<vmem>>
        %dma_wait3A_37 = arith.constant 0 : i32
        %dma_wait3A_38 = tpu.memref_slice %arg5[%dma_wait3A_37] : memref<10240xf32, #tpu.memory_space<vmem_shared>> -> memref<10240xf32, #tpu.memory_space<vmem_shared>>
        tpu.wait_indirect_dma semaphore(%run_scoped3A : memref<!tpu.dma_semaphore, #tpu.memory_space<semaphore_mem>>) src(%arg7 : memref<128xf32, #tpu.memory_space<vmem>>) dst(%dma_wait3A_38 : memref<10240xf32, #tpu.memory_space<vmem_shared>>)
        tpu.yield
      }) : () -> ()
    }
    %scan3A_21 = arith.constant 80 : i32
    %barrier3A_22 = arith.constant 0 : index
    tpu.barrier barrier_id(%barrier3A_22)
    %eq3A = arith.constant 0 : i32
    %eq3A_23 = arith.cmpi eq, %arg0, %eq3A : i32
    %convert_element_type3A = arith.extui %eq3A_23 : i1 to i32
    %cond3A = arith.constant 0 : i32
    %cond3A_24 = arith.cmpi ne, %convert_element_type3A, %cond3A : i32
    scf.if %cond3A_24 {
      "tpu.region"() ({
        %run_scoped3A = tpu.sem_alloc : memref<!tpu.dma_semaphore, #tpu.memory_space<semaphore_mem>>
        %dma_start3A = tpu.memref_slice %arg3[%mul3A_13] : memref<10240xf32, #tpu.memory_space<hbm>> -> memref<640xf32, #tpu.memory_space<hbm>>
        %dma_start3A_30 = tpu.memref_slice %arg5[%mul3A_13] : memref<10240xf32, #tpu.memory_space<vmem_shared>> -> memref<640xf32, #tpu.memory_space<vmem_shared>>
        tpu.enqueue_dma source(%dma_start3A_30 : memref<640xf32, #tpu.memory_space<vmem_shared>>) target(%dma_start3A : memref<640xf32, #tpu.memory_space<hbm>>) target_semaphore(%run_scoped3A : memref<!tpu.dma_semaphore, #tpu.memory_space<semaphore_mem>>)
        %dma_wait3A = tpu.memref_slice %arg3[%mul3A_13] : memref<10240xf32, #tpu.memory_space<hbm>> -> memref<640xf32, #tpu.memory_space<hbm>>
        %dma_wait3A_31 = tpu.memref_slice %arg5[%mul3A_13] : memref<10240xf32, #tpu.memory_space<vmem_shared>> -> memref<640xf32, #tpu.memory_space<vmem_shared>>
        tpu.wait_dma2 semaphore(%run_scoped3A : memref<!tpu.dma_semaphore, #tpu.memory_space<semaphore_mem>>) src(%dma_wait3A_31 : memref<640xf32, #tpu.memory_space<vmem_shared>>) dst(%dma_wait3A : memref<640xf32, #tpu.memory_space<hbm>>)
        tpu.yield
      }) : () -> ()
    } else {
    }
    %eq3A_25 = arith.constant 1 : i32
    %eq3A_26 = arith.cmpi eq, %arg0, %eq3A_25 : i32
    %convert_element_type3A_27 = arith.extui %eq3A_26 : i1 to i32
    %cond3A_28 = arith.constant 0 : i32
    %cond3A_29 = arith.cmpi ne, %convert_element_type3A_27, %cond3A_28 : i32
    scf.if %cond3A_29 {
      "tpu.region"() ({
        %run_scoped3A = tpu.sem_alloc : memref<!tpu.dma_semaphore, #tpu.memory_space<semaphore_mem>>
        %dma_start3A = tpu.memref_slice %arg4[%mul3A_13] : memref<10240xf32, #tpu.memory_space<hbm>> -> memref<640xf32, #tpu.memory_space<hbm>>
        %dma_start3A_30 = tpu.memref_slice %arg5[%mul3A_13] : memref<10240xf32, #tpu.memory_space<vmem_shared>> -> memref<640xf32, #tpu.memory_space<vmem_shared>>
        tpu.enqueue_dma source(%dma_start3A_30 : memref<640xf32, #tpu.memory_space<vmem_shared>>) target(%dma_start3A : memref<640xf32, #tpu.memory_space<hbm>>) target_semaphore(%run_scoped3A : memref<!tpu.dma_semaphore, #tpu.memory_space<semaphore_mem>>)
        %dma_wait3A = tpu.memref_slice %arg4[%mul3A_13] : memref<10240xf32, #tpu.memory_space<hbm>> -> memref<640xf32, #tpu.memory_space<hbm>>
        %dma_wait3A_31 = tpu.memref_slice %arg5[%mul3A_13] : memref<10240xf32, #tpu.memory_space<vmem_shared>> -> memref<640xf32, #tpu.memory_space<vmem_shared>>
        tpu.wait_dma2 semaphore(%run_scoped3A : memref<!tpu.dma_semaphore, #tpu.memory_space<semaphore_mem>>) src(%dma_wait3A_31 : memref<640xf32, #tpu.memory_space<vmem_shared>>) dst(%dma_wait3A : memref<640xf32, #tpu.memory_space<hbm>>)
        tpu.yield
      }) : () -> ()
    } else {
    }
    return
  }
}

#map = affine_map<(d0, d1) -> (0, 0)>
module attributes {stable_mosaic.version = 14 : i64} {
  func.func @_prop_kernel(%arg0: i32, %arg1: i32, %arg2: memref<10240x128xf32, #tpu.memory_space<hbm>>, %arg3: memref<2560x128xi32, #tpu.memory_space<hbm>>, %arg4: memref<2560x128xi32, #tpu.memory_space<hbm>>, %arg5: memref<10240x128xf32, #tpu.memory_space<hbm>>, %arg6: memref<10240x128xf32, #tpu.memory_space<hbm>>, %arg7: memref<10240x128xf32, #tpu.memory_space<vmem_shared>>, %arg8: memref<40x128xi32, #tpu.memory_space<vmem>>, %arg9: memref<40x128xi32, #tpu.memory_space<vmem>>, %arg10: memref<128x128xf32, #tpu.memory_space<vmem>>, %arg11: memref<128x128xf32, #tpu.memory_space<vmem>>, %arg12: memref<!tpu.dma_semaphore, #tpu.memory_space<semaphore_mem>>, %arg13: memref<!tpu.dma_semaphore, #tpu.memory_space<semaphore_mem>>) attributes {dimension_semantics = [#tpu.dimension_semantics<core_parallel>, #tpu.dimension_semantics<subcore_parallel>], iteration_bounds = array<i64: 2, 16>, scalar_prefetch = 0 : i64, scratch_operands = 7 : i64, tpu.core_type = #tpu.core_type<sc_vector_subcore>, window_params = [{transform_indices = #map}, {transform_indices = #map}, {transform_indices = #map}, {transform_indices = #map}, {transform_indices = #map}]} {
    %mul3A = arith.constant 2 : i32
    %mul3A_0 = arith.muli %arg1, %mul3A : i32
    %add3A = arith.addi %mul3A_0, %arg0 : i32
    %mul3A_1 = arith.constant 640 : i32
    %mul3A_2 = arith.muli %arg1, %mul3A_1 : i32
    "tpu.region"() ({
      %run_scoped3A = tpu.sem_alloc : memref<!tpu.dma_semaphore, #tpu.memory_space<semaphore_mem>>
      %dma_start3A = arith.constant 0 : i32
      %dma_start3A_16 = tpu.memref_slice %arg7[%mul3A_2, %dma_start3A] : memref<10240x128xf32, #tpu.memory_space<vmem_shared>> -> memref<640x128xf32, #tpu.memory_space<vmem_shared>>
      %dma_start3A_17 = arith.constant 0 : i32
      %dma_start3A_18 = tpu.memref_slice %arg2[%mul3A_2, %dma_start3A_17] : memref<10240x128xf32, #tpu.memory_space<hbm>> -> memref<640x128xf32, #tpu.memory_space<hbm>>
      tpu.enqueue_dma source(%dma_start3A_18 : memref<640x128xf32, #tpu.memory_space<hbm>>) target(%dma_start3A_16 : memref<640x128xf32, #tpu.memory_space<vmem_shared>>) target_semaphore(%run_scoped3A : memref<!tpu.dma_semaphore, #tpu.memory_space<semaphore_mem>>)
      %dma_wait3A = arith.constant 0 : i32
      %dma_wait3A_19 = tpu.memref_slice %arg7[%mul3A_2, %dma_wait3A] : memref<10240x128xf32, #tpu.memory_space<vmem_shared>> -> memref<640x128xf32, #tpu.memory_space<vmem_shared>>
      %dma_wait3A_20 = arith.constant 0 : i32
      %dma_wait3A_21 = tpu.memref_slice %arg2[%mul3A_2, %dma_wait3A_20] : memref<10240x128xf32, #tpu.memory_space<hbm>> -> memref<640x128xf32, #tpu.memory_space<hbm>>
      tpu.wait_dma2 semaphore(%run_scoped3A : memref<!tpu.dma_semaphore, #tpu.memory_space<semaphore_mem>>) src(%dma_wait3A_21 : memref<640x128xf32, #tpu.memory_space<hbm>>) dst(%dma_wait3A_19 : memref<640x128xf32, #tpu.memory_space<vmem_shared>>)
      tpu.yield
    }) : () -> ()
    %barrier3A = arith.constant 0 : index
    tpu.barrier barrier_id(%barrier3A)
    %scan3A = arith.constant 0 : i32
    %scan3A_3 = arith.constant 0 : i32
    %scan3A_4 = arith.constant 2 : i32
    %scan3A_5 = arith.addi %scan3A_3, %scan3A_4 : i32
    %scan3A_6 = arith.constant 1 : i32
    scf.for %scan3A_16 = %scan3A_3 to %scan3A_5 step %scan3A_6  : i32 {
      %mul3A_17 = arith.constant 80 : i32
      %mul3A_18 = arith.muli %add3A, %mul3A_17 : i32
      %mul3A_19 = arith.constant 40 : i32
      %mul3A_20 = arith.muli %scan3A_16, %mul3A_19 : i32
      %add3A_21 = arith.addi %mul3A_18, %mul3A_20 : i32
      "tpu.region"() ({
        %run_scoped3A = tpu.sem_alloc : memref<!tpu.dma_semaphore, #tpu.memory_space<semaphore_mem>>
        %dma_start3A_34 = arith.constant 0 : i32
        %dma_start3A_35 = tpu.memref_slice %arg3[%add3A_21, %dma_start3A_34] : memref<2560x128xi32, #tpu.memory_space<hbm>> -> memref<40x128xi32, #tpu.memory_space<hbm>>
        %dma_start3A_36 = arith.constant 0 : i32
        %dma_start3A_37 = tpu.memref_slice %arg3[%add3A_21, %dma_start3A_36] : memref<2560x128xi32, #tpu.memory_space<hbm>> -> memref<40x128xi32, #tpu.memory_space<hbm>>
        tpu.enqueue_dma source(%dma_start3A_37 : memref<40x128xi32, #tpu.memory_space<hbm>>) target(%arg8 : memref<40x128xi32, #tpu.memory_space<vmem>>) target_semaphore(%run_scoped3A : memref<!tpu.dma_semaphore, #tpu.memory_space<semaphore_mem>>)
        %dma_wait3A = arith.constant 0 : i32
        %dma_wait3A_38 = tpu.memref_slice %arg3[%add3A_21, %dma_wait3A] : memref<2560x128xi32, #tpu.memory_space<hbm>> -> memref<40x128xi32, #tpu.memory_space<hbm>>
        %dma_wait3A_39 = arith.constant 0 : i32
        %dma_wait3A_40 = tpu.memref_slice %arg3[%add3A_21, %dma_wait3A_39] : memref<2560x128xi32, #tpu.memory_space<hbm>> -> memref<40x128xi32, #tpu.memory_space<hbm>>
        tpu.wait_dma2 semaphore(%run_scoped3A : memref<!tpu.dma_semaphore, #tpu.memory_space<semaphore_mem>>) src(%dma_wait3A_40 : memref<40x128xi32, #tpu.memory_space<hbm>>) dst(%arg8 : memref<40x128xi32, #tpu.memory_space<vmem>>)
        tpu.yield
      }) : () -> ()
      "tpu.region"() ({
        %run_scoped3A = tpu.sem_alloc : memref<!tpu.dma_semaphore, #tpu.memory_space<semaphore_mem>>
        %dma_start3A_34 = arith.constant 0 : i32
        %dma_start3A_35 = tpu.memref_slice %arg4[%add3A_21, %dma_start3A_34] : memref<2560x128xi32, #tpu.memory_space<hbm>> -> memref<40x128xi32, #tpu.memory_space<hbm>>
        %dma_start3A_36 = arith.constant 0 : i32
        %dma_start3A_37 = tpu.memref_slice %arg4[%add3A_21, %dma_start3A_36] : memref<2560x128xi32, #tpu.memory_space<hbm>> -> memref<40x128xi32, #tpu.memory_space<hbm>>
        tpu.enqueue_dma source(%dma_start3A_37 : memref<40x128xi32, #tpu.memory_space<hbm>>) target(%arg9 : memref<40x128xi32, #tpu.memory_space<vmem>>) target_semaphore(%run_scoped3A : memref<!tpu.dma_semaphore, #tpu.memory_space<semaphore_mem>>)
        %dma_wait3A = arith.constant 0 : i32
        %dma_wait3A_38 = tpu.memref_slice %arg4[%add3A_21, %dma_wait3A] : memref<2560x128xi32, #tpu.memory_space<hbm>> -> memref<40x128xi32, #tpu.memory_space<hbm>>
        %dma_wait3A_39 = arith.constant 0 : i32
        %dma_wait3A_40 = tpu.memref_slice %arg4[%add3A_21, %dma_wait3A_39] : memref<2560x128xi32, #tpu.memory_space<hbm>> -> memref<40x128xi32, #tpu.memory_space<hbm>>
        tpu.wait_dma2 semaphore(%run_scoped3A : memref<!tpu.dma_semaphore, #tpu.memory_space<semaphore_mem>>) src(%dma_wait3A_40 : memref<40x128xi32, #tpu.memory_space<hbm>>) dst(%arg9 : memref<40x128xi32, #tpu.memory_space<vmem>>)
        tpu.yield
      }) : () -> ()
      %dma_start3A = arith.constant 0 : i32
      %dma_start3A_22 = arith.constant 0 : i32
      %dma_start3A_23 = tpu.memref_slice %arg8[%dma_start3A, %dma_start3A_22] : memref<40x128xi32, #tpu.memory_space<vmem>> -> memref<1x128xi32, #tpu.memory_space<vmem>>
      %dma_start3A_24 = tpu.memref_squeeze %dma_start3A_23 : memref<1x128xi32, #tpu.memory_space<vmem>> -> memref<128xi32, #tpu.memory_space<vmem>>
      %dma_start3A_25 = arith.constant 0 : i32
      %dma_start3A_26 = arith.constant 0 : i32
      %dma_start3A_27 = tpu.memref_slice %arg2[%dma_start3A_25, %dma_start3A_26] : memref<10240x128xf32, #tpu.memory_space<hbm>> -> memref<10240x128xf32, #tpu.memory_space<hbm>>
      tpu.enqueue_indirect_dma source(%dma_start3A_27 : memref<10240x128xf32, #tpu.memory_space<hbm>>) target(%arg10 : memref<128x128xf32, #tpu.memory_space<vmem>>) offsets(%dma_start3A_24 : memref<128xi32, #tpu.memory_space<vmem>>) semaphore(%arg12 : memref<!tpu.dma_semaphore, #tpu.memory_space<semaphore_mem>>)
      %scan3A_28 = arith.constant 0 : i32
      %scan3A_29 = arith.constant 0 : i32
      %scan3A_30 = arith.constant 20 : i32
      %scan3A_31 = arith.addi %scan3A_29, %scan3A_30 : i32
      %scan3A_32 = arith.constant 1 : i32
      scf.for %scan3A_34 = %scan3A_29 to %scan3A_31 step %scan3A_32  : i32 {
        %mul3A_35 = arith.constant 2 : i32
        %mul3A_36 = arith.muli %mul3A_35, %scan3A_34 : i32
        %dma_wait3A = arith.constant 0 : i32
        %dma_wait3A_37 = tpu.memref_slice %arg8[%mul3A_36, %dma_wait3A] : memref<40x128xi32, #tpu.memory_space<vmem>> -> memref<1x128xi32, #tpu.memory_space<vmem>>
        %dma_wait3A_38 = tpu.memref_squeeze %dma_wait3A_37 : memref<1x128xi32, #tpu.memory_space<vmem>> -> memref<128xi32, #tpu.memory_space<vmem>>
        %dma_wait3A_39 = arith.constant 0 : i32
        %dma_wait3A_40 = arith.constant 0 : i32
        %dma_wait3A_41 = tpu.memref_slice %arg2[%dma_wait3A_39, %dma_wait3A_40] : memref<10240x128xf32, #tpu.memory_space<hbm>> -> memref<10240x128xf32, #tpu.memory_space<hbm>>
        tpu.wait_indirect_dma semaphore(%arg12 : memref<!tpu.dma_semaphore, #tpu.memory_space<semaphore_mem>>) src(%dma_wait3A_41 : memref<10240x128xf32, #tpu.memory_space<hbm>>) dst(%arg10 : memref<128x128xf32, #tpu.memory_space<vmem>>)
        %add3A_42 = arith.constant 1 : i32
        %add3A_43 = arith.addi %mul3A_36, %add3A_42 : i32
        %dma_start3A_44 = arith.constant 0 : i32
        %dma_start3A_45 = tpu.memref_slice %arg8[%add3A_43, %dma_start3A_44] : memref<40x128xi32, #tpu.memory_space<vmem>> -> memref<1x128xi32, #tpu.memory_space<vmem>>
        %dma_start3A_46 = tpu.memref_squeeze %dma_start3A_45 : memref<1x128xi32, #tpu.memory_space<vmem>> -> memref<128xi32, #tpu.memory_space<vmem>>
        %dma_start3A_47 = arith.constant 0 : i32
        %dma_start3A_48 = arith.constant 0 : i32
        %dma_start3A_49 = tpu.memref_slice %arg2[%dma_start3A_47, %dma_start3A_48] : memref<10240x128xf32, #tpu.memory_space<hbm>> -> memref<10240x128xf32, #tpu.memory_space<hbm>>
        tpu.enqueue_indirect_dma source(%dma_start3A_49 : memref<10240x128xf32, #tpu.memory_space<hbm>>) target(%arg11 : memref<128x128xf32, #tpu.memory_space<vmem>>) offsets(%dma_start3A_46 : memref<128xi32, #tpu.memory_space<vmem>>) semaphore(%arg13 : memref<!tpu.dma_semaphore, #tpu.memory_space<semaphore_mem>>)
        "tpu.region"() ({
          %run_scoped3A = tpu.sem_alloc : memref<!tpu.dma_semaphore, #tpu.memory_space<semaphore_mem>>
          %dma_start3A_66 = arith.constant 0 : i32
          %dma_start3A_67 = tpu.memref_slice %arg9[%mul3A_36, %dma_start3A_66] : memref<40x128xi32, #tpu.memory_space<vmem>> -> memref<1x128xi32, #tpu.memory_space<vmem>>
          %dma_start3A_68 = tpu.memref_squeeze %dma_start3A_67 : memref<1x128xi32, #tpu.memory_space<vmem>> -> memref<128xi32, #tpu.memory_space<vmem>>
          %dma_start3A_69 = arith.constant 0 : i32
          %dma_start3A_70 = arith.constant 0 : i32
          %dma_start3A_71 = tpu.memref_slice %arg7[%dma_start3A_69, %dma_start3A_70] : memref<10240x128xf32, #tpu.memory_space<vmem_shared>> -> memref<10240x128xf32, #tpu.memory_space<vmem_shared>>
          tpu.enqueue_indirect_dma source(%arg10 : memref<128x128xf32, #tpu.memory_space<vmem>>) target(%dma_start3A_71 : memref<10240x128xf32, #tpu.memory_space<vmem_shared>>) offsets(%dma_start3A_68 : memref<128xi32, #tpu.memory_space<vmem>>) semaphore(%run_scoped3A : memref<!tpu.dma_semaphore, #tpu.memory_space<semaphore_mem>>) {add = true}
          %dma_wait3A_72 = arith.constant 0 : i32
          %dma_wait3A_73 = tpu.memref_slice %arg9[%mul3A_36, %dma_wait3A_72] : memref<40x128xi32, #tpu.memory_space<vmem>> -> memref<1x128xi32, #tpu.memory_space<vmem>>
          %dma_wait3A_74 = tpu.memref_squeeze %dma_wait3A_73 : memref<1x128xi32, #tpu.memory_space<vmem>> -> memref<128xi32, #tpu.memory_space<vmem>>
          %dma_wait3A_75 = arith.constant 0 : i32
          %dma_wait3A_76 = arith.constant 0 : i32
          %dma_wait3A_77 = tpu.memref_slice %arg7[%dma_wait3A_75, %dma_wait3A_76] : memref<10240x128xf32, #tpu.memory_space<vmem_shared>> -> memref<10240x128xf32, #tpu.memory_space<vmem_shared>>
          tpu.wait_indirect_dma semaphore(%run_scoped3A : memref<!tpu.dma_semaphore, #tpu.memory_space<semaphore_mem>>) src(%arg10 : memref<128x128xf32, #tpu.memory_space<vmem>>) dst(%dma_wait3A_77 : memref<10240x128xf32, #tpu.memory_space<vmem_shared>>)
          tpu.yield
        }) : () -> ()
        %add3A_50 = arith.constant 1 : i32
        %add3A_51 = arith.addi %mul3A_36, %add3A_50 : i32
        %dma_wait3A_52 = arith.constant 0 : i32
        %dma_wait3A_53 = tpu.memref_slice %arg8[%add3A_51, %dma_wait3A_52] : memref<40x128xi32, #tpu.memory_space<vmem>> -> memref<1x128xi32, #tpu.memory_space<vmem>>
        %dma_wait3A_54 = tpu.memref_squeeze %dma_wait3A_53 : memref<1x128xi32, #tpu.memory_space<vmem>> -> memref<128xi32, #tpu.memory_space<vmem>>
        %dma_wait3A_55 = arith.constant 0 : i32
        %dma_wait3A_56 = arith.constant 0 : i32
        %dma_wait3A_57 = tpu.memref_slice %arg2[%dma_wait3A_55, %dma_wait3A_56] : memref<10240x128xf32, #tpu.memory_space<hbm>> -> memref<10240x128xf32, #tpu.memory_space<hbm>>
        tpu.wait_indirect_dma semaphore(%arg13 : memref<!tpu.dma_semaphore, #tpu.memory_space<semaphore_mem>>) src(%dma_wait3A_57 : memref<10240x128xf32, #tpu.memory_space<hbm>>) dst(%arg11 : memref<128x128xf32, #tpu.memory_space<vmem>>)
        %add3A_58 = arith.constant 2 : i32
        %add3A_59 = arith.addi %mul3A_36, %add3A_58 : i32
        %lt3A = arith.constant 40 : i32
        %lt3A_60 = arith.cmpi slt, %add3A_59, %lt3A : i32
        %convert_element_type3A_61 = arith.extui %lt3A_60 : i1 to i32
        %cond3A_62 = arith.constant 0 : i32
        %cond3A_63 = arith.cmpi ne, %convert_element_type3A_61, %cond3A_62 : i32
        scf.if %cond3A_63 {
          %add3A_66 = arith.constant 2 : i32
          %add3A_67 = arith.addi %mul3A_36, %add3A_66 : i32
          %dma_start3A_68 = arith.constant 0 : i32
          %dma_start3A_69 = tpu.memref_slice %arg8[%add3A_67, %dma_start3A_68] : memref<40x128xi32, #tpu.memory_space<vmem>> -> memref<1x128xi32, #tpu.memory_space<vmem>>
          %dma_start3A_70 = tpu.memref_squeeze %dma_start3A_69 : memref<1x128xi32, #tpu.memory_space<vmem>> -> memref<128xi32, #tpu.memory_space<vmem>>
          %dma_start3A_71 = arith.constant 0 : i32
          %dma_start3A_72 = arith.constant 0 : i32
          %dma_start3A_73 = tpu.memref_slice %arg2[%dma_start3A_71, %dma_start3A_72] : memref<10240x128xf32, #tpu.memory_space<hbm>> -> memref<10240x128xf32, #tpu.memory_space<hbm>>
          tpu.enqueue_indirect_dma source(%dma_start3A_73 : memref<10240x128xf32, #tpu.memory_space<hbm>>) target(%arg10 : memref<128x128xf32, #tpu.memory_space<vmem>>) offsets(%dma_start3A_70 : memref<128xi32, #tpu.memory_space<vmem>>) semaphore(%arg12 : memref<!tpu.dma_semaphore, #tpu.memory_space<semaphore_mem>>)
        } else {
        }
        %add3A_64 = arith.constant 1 : i32
        %add3A_65 = arith.addi %mul3A_36, %add3A_64 : i32
        "tpu.region"() ({
          %run_scoped3A = tpu.sem_alloc : memref<!tpu.dma_semaphore, #tpu.memory_space<semaphore_mem>>
          %dma_start3A_66 = arith.constant 0 : i32
          %dma_start3A_67 = tpu.memref_slice %arg9[%add3A_65, %dma_start3A_66] : memref<40x128xi32, #tpu.memory_space<vmem>> -> memref<1x128xi32, #tpu.memory_space<vmem>>
          %dma_start3A_68 = tpu.memref_squeeze %dma_start3A_67 : memref<1x128xi32, #tpu.memory_space<vmem>> -> memref<128xi32, #tpu.memory_space<vmem>>
          %dma_start3A_69 = arith.constant 0 : i32
          %dma_start3A_70 = arith.constant 0 : i32
          %dma_start3A_71 = tpu.memref_slice %arg7[%dma_start3A_69, %dma_start3A_70] : memref<10240x128xf32, #tpu.memory_space<vmem_shared>> -> memref<10240x128xf32, #tpu.memory_space<vmem_shared>>
          tpu.enqueue_indirect_dma source(%arg11 : memref<128x128xf32, #tpu.memory_space<vmem>>) target(%dma_start3A_71 : memref<10240x128xf32, #tpu.memory_space<vmem_shared>>) offsets(%dma_start3A_68 : memref<128xi32, #tpu.memory_space<vmem>>) semaphore(%run_scoped3A : memref<!tpu.dma_semaphore, #tpu.memory_space<semaphore_mem>>) {add = true}
          %dma_wait3A_72 = arith.constant 0 : i32
          %dma_wait3A_73 = tpu.memref_slice %arg9[%add3A_65, %dma_wait3A_72] : memref<40x128xi32, #tpu.memory_space<vmem>> -> memref<1x128xi32, #tpu.memory_space<vmem>>
          %dma_wait3A_74 = tpu.memref_squeeze %dma_wait3A_73 : memref<1x128xi32, #tpu.memory_space<vmem>> -> memref<128xi32, #tpu.memory_space<vmem>>
          %dma_wait3A_75 = arith.constant 0 : i32
          %dma_wait3A_76 = arith.constant 0 : i32
          %dma_wait3A_77 = tpu.memref_slice %arg7[%dma_wait3A_75, %dma_wait3A_76] : memref<10240x128xf32, #tpu.memory_space<vmem_shared>> -> memref<10240x128xf32, #tpu.memory_space<vmem_shared>>
          tpu.wait_indirect_dma semaphore(%run_scoped3A : memref<!tpu.dma_semaphore, #tpu.memory_space<semaphore_mem>>) src(%arg11 : memref<128x128xf32, #tpu.memory_space<vmem>>) dst(%dma_wait3A_77 : memref<10240x128xf32, #tpu.memory_space<vmem_shared>>)
          tpu.yield
        }) : () -> ()
      }
      %scan3A_33 = arith.constant 20 : i32
    }
    %scan3A_7 = arith.constant 2 : i32
    %barrier3A_8 = arith.constant 0 : index
    tpu.barrier barrier_id(%barrier3A_8)
    %eq3A = arith.constant 0 : i32
    %eq3A_9 = arith.cmpi eq, %arg0, %eq3A : i32
    %convert_element_type3A = arith.extui %eq3A_9 : i1 to i32
    %cond3A = arith.constant 0 : i32
    %cond3A_10 = arith.cmpi ne, %convert_element_type3A, %cond3A : i32
    scf.if %cond3A_10 {
      "tpu.region"() ({
        %run_scoped3A = tpu.sem_alloc : memref<!tpu.dma_semaphore, #tpu.memory_space<semaphore_mem>>
        %dma_start3A = arith.constant 0 : i32
        %dma_start3A_16 = tpu.memref_slice %arg5[%mul3A_2, %dma_start3A] : memref<10240x128xf32, #tpu.memory_space<hbm>> -> memref<640x128xf32, #tpu.memory_space<hbm>>
        %dma_start3A_17 = arith.constant 0 : i32
        %dma_start3A_18 = tpu.memref_slice %arg7[%mul3A_2, %dma_start3A_17] : memref<10240x128xf32, #tpu.memory_space<vmem_shared>> -> memref<640x128xf32, #tpu.memory_space<vmem_shared>>
        tpu.enqueue_dma source(%dma_start3A_18 : memref<640x128xf32, #tpu.memory_space<vmem_shared>>) target(%dma_start3A_16 : memref<640x128xf32, #tpu.memory_space<hbm>>) target_semaphore(%run_scoped3A : memref<!tpu.dma_semaphore, #tpu.memory_space<semaphore_mem>>)
        %dma_wait3A = arith.constant 0 : i32
        %dma_wait3A_19 = tpu.memref_slice %arg5[%mul3A_2, %dma_wait3A] : memref<10240x128xf32, #tpu.memory_space<hbm>> -> memref<640x128xf32, #tpu.memory_space<hbm>>
        %dma_wait3A_20 = arith.constant 0 : i32
        %dma_wait3A_21 = tpu.memref_slice %arg7[%mul3A_2, %dma_wait3A_20] : memref<10240x128xf32, #tpu.memory_space<vmem_shared>> -> memref<640x128xf32, #tpu.memory_space<vmem_shared>>
        tpu.wait_dma2 semaphore(%run_scoped3A : memref<!tpu.dma_semaphore, #tpu.memory_space<semaphore_mem>>) src(%dma_wait3A_21 : memref<640x128xf32, #tpu.memory_space<vmem_shared>>) dst(%dma_wait3A_19 : memref<640x128xf32, #tpu.memory_space<hbm>>)
        tpu.yield
      }) : () -> ()
    } else {
    }
    %eq3A_11 = arith.constant 1 : i32
    %eq3A_12 = arith.cmpi eq, %arg0, %eq3A_11 : i32
    %convert_element_type3A_13 = arith.extui %eq3A_12 : i1 to i32
    %cond3A_14 = arith.constant 0 : i32
    %cond3A_15 = arith.cmpi ne, %convert_element_type3A_13, %cond3A_14 : i32
    scf.if %cond3A_15 {
      "tpu.region"() ({
        %run_scoped3A = tpu.sem_alloc : memref<!tpu.dma_semaphore, #tpu.memory_space<semaphore_mem>>
        %dma_start3A = arith.constant 0 : i32
        %dma_start3A_16 = tpu.memref_slice %arg6[%mul3A_2, %dma_start3A] : memref<10240x128xf32, #tpu.memory_space<hbm>> -> memref<640x128xf32, #tpu.memory_space<hbm>>
        %dma_start3A_17 = arith.constant 0 : i32
        %dma_start3A_18 = tpu.memref_slice %arg7[%mul3A_2, %dma_start3A_17] : memref<10240x128xf32, #tpu.memory_space<vmem_shared>> -> memref<640x128xf32, #tpu.memory_space<vmem_shared>>
        tpu.enqueue_dma source(%dma_start3A_18 : memref<640x128xf32, #tpu.memory_space<vmem_shared>>) target(%dma_start3A_16 : memref<640x128xf32, #tpu.memory_space<hbm>>) target_semaphore(%run_scoped3A : memref<!tpu.dma_semaphore, #tpu.memory_space<semaphore_mem>>)
        %dma_wait3A = arith.constant 0 : i32
        %dma_wait3A_19 = tpu.memref_slice %arg6[%mul3A_2, %dma_wait3A] : memref<10240x128xf32, #tpu.memory_space<hbm>> -> memref<640x128xf32, #tpu.memory_space<hbm>>
        %dma_wait3A_20 = arith.constant 0 : i32
        %dma_wait3A_21 = tpu.memref_slice %arg7[%mul3A_2, %dma_wait3A_20] : memref<10240x128xf32, #tpu.memory_space<vmem_shared>> -> memref<640x128xf32, #tpu.memory_space<vmem_shared>>
        tpu.wait_dma2 semaphore(%run_scoped3A : memref<!tpu.dma_semaphore, #tpu.memory_space<semaphore_mem>>) src(%dma_wait3A_21 : memref<640x128xf32, #tpu.memory_space<vmem_shared>>) dst(%dma_wait3A_19 : memref<640x128xf32, #tpu.memory_space<hbm>>)
        tpu.yield
      }) : () -> ()
    } else {
    }
    return
  }
}

#map = affine_map<(d0, d1) -> (0, 0)>
module attributes {stable_mosaic.version = 14 : i64} {
  func.func @_prop2_kernel(%arg0: i32, %arg1: i32, %arg2: memref<10240x128xf32, #tpu.memory_space<hbm>>, %arg3: memref<10240x128xf32, #tpu.memory_space<hbm>>, %arg4: memref<2560x128xi32, #tpu.memory_space<hbm>>, %arg5: memref<2560x128xi32, #tpu.memory_space<hbm>>, %arg6: memref<10240x128xf32, #tpu.memory_space<hbm>>, %arg7: memref<10240x128xf32, #tpu.memory_space<hbm>>, %arg8: memref<10240x128xf32, #tpu.memory_space<vmem_shared>>, %arg9: memref<40x128xi32, #tpu.memory_space<vmem>>, %arg10: memref<40x128xi32, #tpu.memory_space<vmem>>, %arg11: memref<128x128xf32, #tpu.memory_space<vmem>>, %arg12: memref<128x128xf32, #tpu.memory_space<vmem>>, %arg13: memref<!tpu.dma_semaphore, #tpu.memory_space<semaphore_mem>>, %arg14: memref<!tpu.dma_semaphore, #tpu.memory_space<semaphore_mem>>) attributes {dimension_semantics = [#tpu.dimension_semantics<core_parallel>, #tpu.dimension_semantics<subcore_parallel>], iteration_bounds = array<i64: 2, 16>, scalar_prefetch = 0 : i64, scratch_operands = 7 : i64, tpu.core_type = #tpu.core_type<sc_vector_subcore>, window_params = [{transform_indices = #map}, {transform_indices = #map}, {transform_indices = #map}, {transform_indices = #map}, {transform_indices = #map}, {transform_indices = #map}]} {
    %mul3A = arith.constant 640 : i32
    %mul3A_0 = arith.muli %arg1, %mul3A : i32
    %eq3A = arith.constant 0 : i32
    %eq3A_1 = arith.cmpi eq, %arg0, %eq3A : i32
    %convert_element_type3A = arith.extui %eq3A_1 : i1 to i32
    %cond3A = arith.constant 0 : i32
    %cond3A_2 = arith.cmpi ne, %convert_element_type3A, %cond3A : i32
    scf.if %cond3A_2 {
      "tpu.region"() ({
        %run_scoped3A = tpu.sem_alloc : memref<!tpu.dma_semaphore, #tpu.memory_space<semaphore_mem>>
        %dma_start3A = arith.constant 0 : i32
        %dma_start3A_14 = tpu.memref_slice %arg8[%mul3A_0, %dma_start3A] : memref<10240x128xf32, #tpu.memory_space<vmem_shared>> -> memref<640x128xf32, #tpu.memory_space<vmem_shared>>
        %dma_start3A_15 = arith.constant 0 : i32
        %dma_start3A_16 = tpu.memref_slice %arg2[%mul3A_0, %dma_start3A_15] : memref<10240x128xf32, #tpu.memory_space<hbm>> -> memref<640x128xf32, #tpu.memory_space<hbm>>
        tpu.enqueue_dma source(%dma_start3A_16 : memref<640x128xf32, #tpu.memory_space<hbm>>) target(%dma_start3A_14 : memref<640x128xf32, #tpu.memory_space<vmem_shared>>) target_semaphore(%run_scoped3A : memref<!tpu.dma_semaphore, #tpu.memory_space<semaphore_mem>>)
        %dma_wait3A = arith.constant 0 : i32
        %dma_wait3A_17 = tpu.memref_slice %arg8[%mul3A_0, %dma_wait3A] : memref<10240x128xf32, #tpu.memory_space<vmem_shared>> -> memref<640x128xf32, #tpu.memory_space<vmem_shared>>
        %dma_wait3A_18 = arith.constant 0 : i32
        %dma_wait3A_19 = tpu.memref_slice %arg2[%mul3A_0, %dma_wait3A_18] : memref<10240x128xf32, #tpu.memory_space<hbm>> -> memref<640x128xf32, #tpu.memory_space<hbm>>
        tpu.wait_dma2 semaphore(%run_scoped3A : memref<!tpu.dma_semaphore, #tpu.memory_space<semaphore_mem>>) src(%dma_wait3A_19 : memref<640x128xf32, #tpu.memory_space<hbm>>) dst(%dma_wait3A_17 : memref<640x128xf32, #tpu.memory_space<vmem_shared>>)
        tpu.yield
      }) : () -> ()
      %barrier3A = arith.constant 0 : index
      tpu.barrier barrier_id(%barrier3A)
      %scan3A = arith.constant 0 : i32
      %scan3A_8 = arith.constant 0 : i32
      %scan3A_9 = arith.constant 4 : i32
      %scan3A_10 = arith.addi %scan3A_8, %scan3A_9 : i32
      %scan3A_11 = arith.constant 1 : i32
      scf.for %scan3A_14 = %scan3A_8 to %scan3A_10 step %scan3A_11  : i32 {
        %mul3A_15 = arith.constant 160 : i32
        %mul3A_16 = arith.muli %arg1, %mul3A_15 : i32
        %mul3A_17 = arith.constant 40 : i32
        %mul3A_18 = arith.muli %scan3A_14, %mul3A_17 : i32
        %add3A = arith.addi %mul3A_16, %mul3A_18 : i32
        "tpu.region"() ({
          %run_scoped3A = tpu.sem_alloc : memref<!tpu.dma_semaphore, #tpu.memory_space<semaphore_mem>>
          %dma_start3A_31 = arith.constant 0 : i32
          %dma_start3A_32 = tpu.memref_slice %arg4[%add3A, %dma_start3A_31] : memref<2560x128xi32, #tpu.memory_space<hbm>> -> memref<40x128xi32, #tpu.memory_space<hbm>>
          %dma_start3A_33 = arith.constant 0 : i32
          %dma_start3A_34 = tpu.memref_slice %arg4[%add3A, %dma_start3A_33] : memref<2560x128xi32, #tpu.memory_space<hbm>> -> memref<40x128xi32, #tpu.memory_space<hbm>>
          tpu.enqueue_dma source(%dma_start3A_34 : memref<40x128xi32, #tpu.memory_space<hbm>>) target(%arg9 : memref<40x128xi32, #tpu.memory_space<vmem>>) target_semaphore(%run_scoped3A : memref<!tpu.dma_semaphore, #tpu.memory_space<semaphore_mem>>)
          %dma_wait3A = arith.constant 0 : i32
          %dma_wait3A_35 = tpu.memref_slice %arg4[%add3A, %dma_wait3A] : memref<2560x128xi32, #tpu.memory_space<hbm>> -> memref<40x128xi32, #tpu.memory_space<hbm>>
          %dma_wait3A_36 = arith.constant 0 : i32
          %dma_wait3A_37 = tpu.memref_slice %arg4[%add3A, %dma_wait3A_36] : memref<2560x128xi32, #tpu.memory_space<hbm>> -> memref<40x128xi32, #tpu.memory_space<hbm>>
          tpu.wait_dma2 semaphore(%run_scoped3A : memref<!tpu.dma_semaphore, #tpu.memory_space<semaphore_mem>>) src(%dma_wait3A_37 : memref<40x128xi32, #tpu.memory_space<hbm>>) dst(%arg9 : memref<40x128xi32, #tpu.memory_space<vmem>>)
          tpu.yield
        }) : () -> ()
        "tpu.region"() ({
          %run_scoped3A = tpu.sem_alloc : memref<!tpu.dma_semaphore, #tpu.memory_space<semaphore_mem>>
          %dma_start3A_31 = arith.constant 0 : i32
          %dma_start3A_32 = tpu.memref_slice %arg5[%add3A, %dma_start3A_31] : memref<2560x128xi32, #tpu.memory_space<hbm>> -> memref<40x128xi32, #tpu.memory_space<hbm>>
          %dma_start3A_33 = arith.constant 0 : i32
          %dma_start3A_34 = tpu.memref_slice %arg5[%add3A, %dma_start3A_33] : memref<2560x128xi32, #tpu.memory_space<hbm>> -> memref<40x128xi32, #tpu.memory_space<hbm>>
          tpu.enqueue_dma source(%dma_start3A_34 : memref<40x128xi32, #tpu.memory_space<hbm>>) target(%arg10 : memref<40x128xi32, #tpu.memory_space<vmem>>) target_semaphore(%run_scoped3A : memref<!tpu.dma_semaphore, #tpu.memory_space<semaphore_mem>>)
          %dma_wait3A = arith.constant 0 : i32
          %dma_wait3A_35 = tpu.memref_slice %arg5[%add3A, %dma_wait3A] : memref<2560x128xi32, #tpu.memory_space<hbm>> -> memref<40x128xi32, #tpu.memory_space<hbm>>
          %dma_wait3A_36 = arith.constant 0 : i32
          %dma_wait3A_37 = tpu.memref_slice %arg5[%add3A, %dma_wait3A_36] : memref<2560x128xi32, #tpu.memory_space<hbm>> -> memref<40x128xi32, #tpu.memory_space<hbm>>
          tpu.wait_dma2 semaphore(%run_scoped3A : memref<!tpu.dma_semaphore, #tpu.memory_space<semaphore_mem>>) src(%dma_wait3A_37 : memref<40x128xi32, #tpu.memory_space<hbm>>) dst(%arg10 : memref<40x128xi32, #tpu.memory_space<vmem>>)
          tpu.yield
        }) : () -> ()
        %dma_start3A = arith.constant 0 : i32
        %dma_start3A_19 = arith.constant 0 : i32
        %dma_start3A_20 = tpu.memref_slice %arg9[%dma_start3A, %dma_start3A_19] : memref<40x128xi32, #tpu.memory_space<vmem>> -> memref<1x128xi32, #tpu.memory_space<vmem>>
        %dma_start3A_21 = tpu.memref_squeeze %dma_start3A_20 : memref<1x128xi32, #tpu.memory_space<vmem>> -> memref<128xi32, #tpu.memory_space<vmem>>
        %dma_start3A_22 = arith.constant 0 : i32
        %dma_start3A_23 = arith.constant 0 : i32
        %dma_start3A_24 = tpu.memref_slice %arg2[%dma_start3A_22, %dma_start3A_23] : memref<10240x128xf32, #tpu.memory_space<hbm>> -> memref<10240x128xf32, #tpu.memory_space<hbm>>
        tpu.enqueue_indirect_dma source(%dma_start3A_24 : memref<10240x128xf32, #tpu.memory_space<hbm>>) target(%arg11 : memref<128x128xf32, #tpu.memory_space<vmem>>) offsets(%dma_start3A_21 : memref<128xi32, #tpu.memory_space<vmem>>) semaphore(%arg13 : memref<!tpu.dma_semaphore, #tpu.memory_space<semaphore_mem>>)
        %scan3A_25 = arith.constant 0 : i32
        %scan3A_26 = arith.constant 0 : i32
        %scan3A_27 = arith.constant 20 : i32
        %scan3A_28 = arith.addi %scan3A_26, %scan3A_27 : i32
        %scan3A_29 = arith.constant 1 : i32
        scf.for %scan3A_31 = %scan3A_26 to %scan3A_28 step %scan3A_29  : i32 {
          %mul3A_32 = arith.constant 2 : i32
          %mul3A_33 = arith.muli %mul3A_32, %scan3A_31 : i32
          %dma_wait3A = arith.constant 0 : i32
          %dma_wait3A_34 = tpu.memref_slice %arg9[%mul3A_33, %dma_wait3A] : memref<40x128xi32, #tpu.memory_space<vmem>> -> memref<1x128xi32, #tpu.memory_space<vmem>>
          %dma_wait3A_35 = tpu.memref_squeeze %dma_wait3A_34 : memref<1x128xi32, #tpu.memory_space<vmem>> -> memref<128xi32, #tpu.memory_space<vmem>>
          %dma_wait3A_36 = arith.constant 0 : i32
          %dma_wait3A_37 = arith.constant 0 : i32
          %dma_wait3A_38 = tpu.memref_slice %arg2[%dma_wait3A_36, %dma_wait3A_37] : memref<10240x128xf32, #tpu.memory_space<hbm>> -> memref<10240x128xf32, #tpu.memory_space<hbm>>
          tpu.wait_indirect_dma semaphore(%arg13 : memref<!tpu.dma_semaphore, #tpu.memory_space<semaphore_mem>>) src(%dma_wait3A_38 : memref<10240x128xf32, #tpu.memory_space<hbm>>) dst(%arg11 : memref<128x128xf32, #tpu.memory_space<vmem>>)
          %add3A_39 = arith.constant 1 : i32
          %add3A_40 = arith.addi %mul3A_33, %add3A_39 : i32
          %dma_start3A_41 = arith.constant 0 : i32
          %dma_start3A_42 = tpu.memref_slice %arg9[%add3A_40, %dma_start3A_41] : memref<40x128xi32, #tpu.memory_space<vmem>> -> memref<1x128xi32, #tpu.memory_space<vmem>>
          %dma_start3A_43 = tpu.memref_squeeze %dma_start3A_42 : memref<1x128xi32, #tpu.memory_space<vmem>> -> memref<128xi32, #tpu.memory_space<vmem>>
          %dma_start3A_44 = arith.constant 0 : i32
          %dma_start3A_45 = arith.constant 0 : i32
          %dma_start3A_46 = tpu.memref_slice %arg2[%dma_start3A_44, %dma_start3A_45] : memref<10240x128xf32, #tpu.memory_space<hbm>> -> memref<10240x128xf32, #tpu.memory_space<hbm>>
          tpu.enqueue_indirect_dma source(%dma_start3A_46 : memref<10240x128xf32, #tpu.memory_space<hbm>>) target(%arg12 : memref<128x128xf32, #tpu.memory_space<vmem>>) offsets(%dma_start3A_43 : memref<128xi32, #tpu.memory_space<vmem>>) semaphore(%arg14 : memref<!tpu.dma_semaphore, #tpu.memory_space<semaphore_mem>>)
          "tpu.region"() ({
            %run_scoped3A = tpu.sem_alloc : memref<!tpu.dma_semaphore, #tpu.memory_space<semaphore_mem>>
            %dma_start3A_63 = arith.constant 0 : i32
            %dma_start3A_64 = tpu.memref_slice %arg10[%mul3A_33, %dma_start3A_63] : memref<40x128xi32, #tpu.memory_space<vmem>> -> memref<1x128xi32, #tpu.memory_space<vmem>>
            %dma_start3A_65 = tpu.memref_squeeze %dma_start3A_64 : memref<1x128xi32, #tpu.memory_space<vmem>> -> memref<128xi32, #tpu.memory_space<vmem>>
            %dma_start3A_66 = arith.constant 0 : i32
            %dma_start3A_67 = arith.constant 0 : i32
            %dma_start3A_68 = tpu.memref_slice %arg8[%dma_start3A_66, %dma_start3A_67] : memref<10240x128xf32, #tpu.memory_space<vmem_shared>> -> memref<10240x128xf32, #tpu.memory_space<vmem_shared>>
            tpu.enqueue_indirect_dma source(%arg11 : memref<128x128xf32, #tpu.memory_space<vmem>>) target(%dma_start3A_68 : memref<10240x128xf32, #tpu.memory_space<vmem_shared>>) offsets(%dma_start3A_65 : memref<128xi32, #tpu.memory_space<vmem>>) semaphore(%run_scoped3A : memref<!tpu.dma_semaphore, #tpu.memory_space<semaphore_mem>>) {add = true}
            %dma_wait3A_69 = arith.constant 0 : i32
            %dma_wait3A_70 = tpu.memref_slice %arg10[%mul3A_33, %dma_wait3A_69] : memref<40x128xi32, #tpu.memory_space<vmem>> -> memref<1x128xi32, #tpu.memory_space<vmem>>
            %dma_wait3A_71 = tpu.memref_squeeze %dma_wait3A_70 : memref<1x128xi32, #tpu.memory_space<vmem>> -> memref<128xi32, #tpu.memory_space<vmem>>
            %dma_wait3A_72 = arith.constant 0 : i32
            %dma_wait3A_73 = arith.constant 0 : i32
            %dma_wait3A_74 = tpu.memref_slice %arg8[%dma_wait3A_72, %dma_wait3A_73] : memref<10240x128xf32, #tpu.memory_space<vmem_shared>> -> memref<10240x128xf32, #tpu.memory_space<vmem_shared>>
            tpu.wait_indirect_dma semaphore(%run_scoped3A : memref<!tpu.dma_semaphore, #tpu.memory_space<semaphore_mem>>) src(%arg11 : memref<128x128xf32, #tpu.memory_space<vmem>>) dst(%dma_wait3A_74 : memref<10240x128xf32, #tpu.memory_space<vmem_shared>>)
            tpu.yield
          }) : () -> ()
          %add3A_47 = arith.constant 1 : i32
          %add3A_48 = arith.addi %mul3A_33, %add3A_47 : i32
          %dma_wait3A_49 = arith.constant 0 : i32
          %dma_wait3A_50 = tpu.memref_slice %arg9[%add3A_48, %dma_wait3A_49] : memref<40x128xi32, #tpu.memory_space<vmem>> -> memref<1x128xi32, #tpu.memory_space<vmem>>
          %dma_wait3A_51 = tpu.memref_squeeze %dma_wait3A_50 : memref<1x128xi32, #tpu.memory_space<vmem>> -> memref<128xi32, #tpu.memory_space<vmem>>
          %dma_wait3A_52 = arith.constant 0 : i32
          %dma_wait3A_53 = arith.constant 0 : i32
          %dma_wait3A_54 = tpu.memref_slice %arg2[%dma_wait3A_52, %dma_wait3A_53] : memref<10240x128xf32, #tpu.memory_space<hbm>> -> memref<10240x128xf32, #tpu.memory_space<hbm>>
          tpu.wait_indirect_dma semaphore(%arg14 : memref<!tpu.dma_semaphore, #tpu.memory_space<semaphore_mem>>) src(%dma_wait3A_54 : memref<10240x128xf32, #tpu.memory_space<hbm>>) dst(%arg12 : memref<128x128xf32, #tpu.memory_space<vmem>>)
          %add3A_55 = arith.constant 2 : i32
          %add3A_56 = arith.addi %mul3A_33, %add3A_55 : i32
          %lt3A = arith.constant 40 : i32
          %lt3A_57 = arith.cmpi slt, %add3A_56, %lt3A : i32
          %convert_element_type3A_58 = arith.extui %lt3A_57 : i1 to i32
          %cond3A_59 = arith.constant 0 : i32
          %cond3A_60 = arith.cmpi ne, %convert_element_type3A_58, %cond3A_59 : i32
          scf.if %cond3A_60 {
            %add3A_63 = arith.constant 2 : i32
            %add3A_64 = arith.addi %mul3A_33, %add3A_63 : i32
            %dma_start3A_65 = arith.constant 0 : i32
            %dma_start3A_66 = tpu.memref_slice %arg9[%add3A_64, %dma_start3A_65] : memref<40x128xi32, #tpu.memory_space<vmem>> -> memref<1x128xi32, #tpu.memory_space<vmem>>
            %dma_start3A_67 = tpu.memref_squeeze %dma_start3A_66 : memref<1x128xi32, #tpu.memory_space<vmem>> -> memref<128xi32, #tpu.memory_space<vmem>>
            %dma_start3A_68 = arith.constant 0 : i32
            %dma_start3A_69 = arith.constant 0 : i32
            %dma_start3A_70 = tpu.memref_slice %arg2[%dma_start3A_68, %dma_start3A_69] : memref<10240x128xf32, #tpu.memory_space<hbm>> -> memref<10240x128xf32, #tpu.memory_space<hbm>>
            tpu.enqueue_indirect_dma source(%dma_start3A_70 : memref<10240x128xf32, #tpu.memory_space<hbm>>) target(%arg11 : memref<128x128xf32, #tpu.memory_space<vmem>>) offsets(%dma_start3A_67 : memref<128xi32, #tpu.memory_space<vmem>>) semaphore(%arg13 : memref<!tpu.dma_semaphore, #tpu.memory_space<semaphore_mem>>)
          } else {
          }
          %add3A_61 = arith.constant 1 : i32
          %add3A_62 = arith.addi %mul3A_33, %add3A_61 : i32
          "tpu.region"() ({
            %run_scoped3A = tpu.sem_alloc : memref<!tpu.dma_semaphore, #tpu.memory_space<semaphore_mem>>
            %dma_start3A_63 = arith.constant 0 : i32
            %dma_start3A_64 = tpu.memref_slice %arg10[%add3A_62, %dma_start3A_63] : memref<40x128xi32, #tpu.memory_space<vmem>> -> memref<1x128xi32, #tpu.memory_space<vmem>>
            %dma_start3A_65 = tpu.memref_squeeze %dma_start3A_64 : memref<1x128xi32, #tpu.memory_space<vmem>> -> memref<128xi32, #tpu.memory_space<vmem>>
            %dma_start3A_66 = arith.constant 0 : i32
            %dma_start3A_67 = arith.constant 0 : i32
            %dma_start3A_68 = tpu.memref_slice %arg8[%dma_start3A_66, %dma_start3A_67] : memref<10240x128xf32, #tpu.memory_space<vmem_shared>> -> memref<10240x128xf32, #tpu.memory_space<vmem_shared>>
            tpu.enqueue_indirect_dma source(%arg12 : memref<128x128xf32, #tpu.memory_space<vmem>>) target(%dma_start3A_68 : memref<10240x128xf32, #tpu.memory_space<vmem_shared>>) offsets(%dma_start3A_65 : memref<128xi32, #tpu.memory_space<vmem>>) semaphore(%run_scoped3A : memref<!tpu.dma_semaphore, #tpu.memory_space<semaphore_mem>>) {add = true}
            %dma_wait3A_69 = arith.constant 0 : i32
            %dma_wait3A_70 = tpu.memref_slice %arg10[%add3A_62, %dma_wait3A_69] : memref<40x128xi32, #tpu.memory_space<vmem>> -> memref<1x128xi32, #tpu.memory_space<vmem>>
            %dma_wait3A_71 = tpu.memref_squeeze %dma_wait3A_70 : memref<1x128xi32, #tpu.memory_space<vmem>> -> memref<128xi32, #tpu.memory_space<vmem>>
            %dma_wait3A_72 = arith.constant 0 : i32
            %dma_wait3A_73 = arith.constant 0 : i32
            %dma_wait3A_74 = tpu.memref_slice %arg8[%dma_wait3A_72, %dma_wait3A_73] : memref<10240x128xf32, #tpu.memory_space<vmem_shared>> -> memref<10240x128xf32, #tpu.memory_space<vmem_shared>>
            tpu.wait_indirect_dma semaphore(%run_scoped3A : memref<!tpu.dma_semaphore, #tpu.memory_space<semaphore_mem>>) src(%arg12 : memref<128x128xf32, #tpu.memory_space<vmem>>) dst(%dma_wait3A_74 : memref<10240x128xf32, #tpu.memory_space<vmem_shared>>)
            tpu.yield
          }) : () -> ()
        }
        %scan3A_30 = arith.constant 20 : i32
      }
      %scan3A_12 = arith.constant 4 : i32
      %barrier3A_13 = arith.constant 0 : index
      tpu.barrier barrier_id(%barrier3A_13)
      "tpu.region"() ({
        %run_scoped3A = tpu.sem_alloc : memref<!tpu.dma_semaphore, #tpu.memory_space<semaphore_mem>>
        %dma_start3A = arith.constant 0 : i32
        %dma_start3A_14 = tpu.memref_slice %arg6[%mul3A_0, %dma_start3A] : memref<10240x128xf32, #tpu.memory_space<hbm>> -> memref<640x128xf32, #tpu.memory_space<hbm>>
        %dma_start3A_15 = arith.constant 0 : i32
        %dma_start3A_16 = tpu.memref_slice %arg8[%mul3A_0, %dma_start3A_15] : memref<10240x128xf32, #tpu.memory_space<vmem_shared>> -> memref<640x128xf32, #tpu.memory_space<vmem_shared>>
        tpu.enqueue_dma source(%dma_start3A_16 : memref<640x128xf32, #tpu.memory_space<vmem_shared>>) target(%dma_start3A_14 : memref<640x128xf32, #tpu.memory_space<hbm>>) target_semaphore(%run_scoped3A : memref<!tpu.dma_semaphore, #tpu.memory_space<semaphore_mem>>)
        %dma_wait3A = arith.constant 0 : i32
        %dma_wait3A_17 = tpu.memref_slice %arg6[%mul3A_0, %dma_wait3A] : memref<10240x128xf32, #tpu.memory_space<hbm>> -> memref<640x128xf32, #tpu.memory_space<hbm>>
        %dma_wait3A_18 = arith.constant 0 : i32
        %dma_wait3A_19 = tpu.memref_slice %arg8[%mul3A_0, %dma_wait3A_18] : memref<10240x128xf32, #tpu.memory_space<vmem_shared>> -> memref<640x128xf32, #tpu.memory_space<vmem_shared>>
        tpu.wait_dma2 semaphore(%run_scoped3A : memref<!tpu.dma_semaphore, #tpu.memory_space<semaphore_mem>>) src(%dma_wait3A_19 : memref<640x128xf32, #tpu.memory_space<vmem_shared>>) dst(%dma_wait3A_17 : memref<640x128xf32, #tpu.memory_space<hbm>>)
        tpu.yield
      }) : () -> ()
    } else {
    }
    %eq3A_3 = arith.constant 1 : i32
    %eq3A_4 = arith.cmpi eq, %arg0, %eq3A_3 : i32
    %convert_element_type3A_5 = arith.extui %eq3A_4 : i1 to i32
    %cond3A_6 = arith.constant 0 : i32
    %cond3A_7 = arith.cmpi ne, %convert_element_type3A_5, %cond3A_6 : i32
    scf.if %cond3A_7 {
      "tpu.region"() ({
        %run_scoped3A = tpu.sem_alloc : memref<!tpu.dma_semaphore, #tpu.memory_space<semaphore_mem>>
        %dma_start3A = arith.constant 0 : i32
        %dma_start3A_14 = tpu.memref_slice %arg8[%mul3A_0, %dma_start3A] : memref<10240x128xf32, #tpu.memory_space<vmem_shared>> -> memref<640x128xf32, #tpu.memory_space<vmem_shared>>
        %dma_start3A_15 = arith.constant 0 : i32
        %dma_start3A_16 = tpu.memref_slice %arg3[%mul3A_0, %dma_start3A_15] : memref<10240x128xf32, #tpu.memory_space<hbm>> -> memref<640x128xf32, #tpu.memory_space<hbm>>
        tpu.enqueue_dma source(%dma_start3A_16 : memref<640x128xf32, #tpu.memory_space<hbm>>) target(%dma_start3A_14 : memref<640x128xf32, #tpu.memory_space<vmem_shared>>) target_semaphore(%run_scoped3A : memref<!tpu.dma_semaphore, #tpu.memory_space<semaphore_mem>>)
        %dma_wait3A = arith.constant 0 : i32
        %dma_wait3A_17 = tpu.memref_slice %arg8[%mul3A_0, %dma_wait3A] : memref<10240x128xf32, #tpu.memory_space<vmem_shared>> -> memref<640x128xf32, #tpu.memory_space<vmem_shared>>
        %dma_wait3A_18 = arith.constant 0 : i32
        %dma_wait3A_19 = tpu.memref_slice %arg3[%mul3A_0, %dma_wait3A_18] : memref<10240x128xf32, #tpu.memory_space<hbm>> -> memref<640x128xf32, #tpu.memory_space<hbm>>
        tpu.wait_dma2 semaphore(%run_scoped3A : memref<!tpu.dma_semaphore, #tpu.memory_space<semaphore_mem>>) src(%dma_wait3A_19 : memref<640x128xf32, #tpu.memory_space<hbm>>) dst(%dma_wait3A_17 : memref<640x128xf32, #tpu.memory_space<vmem_shared>>)
        tpu.yield
      }) : () -> ()
      %barrier3A = arith.constant 0 : index
      tpu.barrier barrier_id(%barrier3A)
      %scan3A = arith.constant 0 : i32
      %scan3A_8 = arith.constant 0 : i32
      %scan3A_9 = arith.constant 4 : i32
      %scan3A_10 = arith.addi %scan3A_8, %scan3A_9 : i32
      %scan3A_11 = arith.constant 1 : i32
      scf.for %scan3A_14 = %scan3A_8 to %scan3A_10 step %scan3A_11  : i32 {
        %mul3A_15 = arith.constant 160 : i32
        %mul3A_16 = arith.muli %arg1, %mul3A_15 : i32
        %mul3A_17 = arith.constant 40 : i32
        %mul3A_18 = arith.muli %scan3A_14, %mul3A_17 : i32
        %add3A = arith.addi %mul3A_16, %mul3A_18 : i32
        "tpu.region"() ({
          %run_scoped3A = tpu.sem_alloc : memref<!tpu.dma_semaphore, #tpu.memory_space<semaphore_mem>>
          %dma_start3A_31 = arith.constant 0 : i32
          %dma_start3A_32 = tpu.memref_slice %arg4[%add3A, %dma_start3A_31] : memref<2560x128xi32, #tpu.memory_space<hbm>> -> memref<40x128xi32, #tpu.memory_space<hbm>>
          %dma_start3A_33 = arith.constant 0 : i32
          %dma_start3A_34 = tpu.memref_slice %arg4[%add3A, %dma_start3A_33] : memref<2560x128xi32, #tpu.memory_space<hbm>> -> memref<40x128xi32, #tpu.memory_space<hbm>>
          tpu.enqueue_dma source(%dma_start3A_34 : memref<40x128xi32, #tpu.memory_space<hbm>>) target(%arg9 : memref<40x128xi32, #tpu.memory_space<vmem>>) target_semaphore(%run_scoped3A : memref<!tpu.dma_semaphore, #tpu.memory_space<semaphore_mem>>)
          %dma_wait3A = arith.constant 0 : i32
          %dma_wait3A_35 = tpu.memref_slice %arg4[%add3A, %dma_wait3A] : memref<2560x128xi32, #tpu.memory_space<hbm>> -> memref<40x128xi32, #tpu.memory_space<hbm>>
          %dma_wait3A_36 = arith.constant 0 : i32
          %dma_wait3A_37 = tpu.memref_slice %arg4[%add3A, %dma_wait3A_36] : memref<2560x128xi32, #tpu.memory_space<hbm>> -> memref<40x128xi32, #tpu.memory_space<hbm>>
          tpu.wait_dma2 semaphore(%run_scoped3A : memref<!tpu.dma_semaphore, #tpu.memory_space<semaphore_mem>>) src(%dma_wait3A_37 : memref<40x128xi32, #tpu.memory_space<hbm>>) dst(%arg9 : memref<40x128xi32, #tpu.memory_space<vmem>>)
          tpu.yield
        }) : () -> ()
        "tpu.region"() ({
          %run_scoped3A = tpu.sem_alloc : memref<!tpu.dma_semaphore, #tpu.memory_space<semaphore_mem>>
          %dma_start3A_31 = arith.constant 0 : i32
          %dma_start3A_32 = tpu.memref_slice %arg5[%add3A, %dma_start3A_31] : memref<2560x128xi32, #tpu.memory_space<hbm>> -> memref<40x128xi32, #tpu.memory_space<hbm>>
          %dma_start3A_33 = arith.constant 0 : i32
          %dma_start3A_34 = tpu.memref_slice %arg5[%add3A, %dma_start3A_33] : memref<2560x128xi32, #tpu.memory_space<hbm>> -> memref<40x128xi32, #tpu.memory_space<hbm>>
          tpu.enqueue_dma source(%dma_start3A_34 : memref<40x128xi32, #tpu.memory_space<hbm>>) target(%arg10 : memref<40x128xi32, #tpu.memory_space<vmem>>) target_semaphore(%run_scoped3A : memref<!tpu.dma_semaphore, #tpu.memory_space<semaphore_mem>>)
          %dma_wait3A = arith.constant 0 : i32
          %dma_wait3A_35 = tpu.memref_slice %arg5[%add3A, %dma_wait3A] : memref<2560x128xi32, #tpu.memory_space<hbm>> -> memref<40x128xi32, #tpu.memory_space<hbm>>
          %dma_wait3A_36 = arith.constant 0 : i32
          %dma_wait3A_37 = tpu.memref_slice %arg5[%add3A, %dma_wait3A_36] : memref<2560x128xi32, #tpu.memory_space<hbm>> -> memref<40x128xi32, #tpu.memory_space<hbm>>
          tpu.wait_dma2 semaphore(%run_scoped3A : memref<!tpu.dma_semaphore, #tpu.memory_space<semaphore_mem>>) src(%dma_wait3A_37 : memref<40x128xi32, #tpu.memory_space<hbm>>) dst(%arg10 : memref<40x128xi32, #tpu.memory_space<vmem>>)
          tpu.yield
        }) : () -> ()
        %dma_start3A = arith.constant 0 : i32
        %dma_start3A_19 = arith.constant 0 : i32
        %dma_start3A_20 = tpu.memref_slice %arg9[%dma_start3A, %dma_start3A_19] : memref<40x128xi32, #tpu.memory_space<vmem>> -> memref<1x128xi32, #tpu.memory_space<vmem>>
        %dma_start3A_21 = tpu.memref_squeeze %dma_start3A_20 : memref<1x128xi32, #tpu.memory_space<vmem>> -> memref<128xi32, #tpu.memory_space<vmem>>
        %dma_start3A_22 = arith.constant 0 : i32
        %dma_start3A_23 = arith.constant 0 : i32
        %dma_start3A_24 = tpu.memref_slice %arg3[%dma_start3A_22, %dma_start3A_23] : memref<10240x128xf32, #tpu.memory_space<hbm>> -> memref<10240x128xf32, #tpu.memory_space<hbm>>
        tpu.enqueue_indirect_dma source(%dma_start3A_24 : memref<10240x128xf32, #tpu.memory_space<hbm>>) target(%arg11 : memref<128x128xf32, #tpu.memory_space<vmem>>) offsets(%dma_start3A_21 : memref<128xi32, #tpu.memory_space<vmem>>) semaphore(%arg13 : memref<!tpu.dma_semaphore, #tpu.memory_space<semaphore_mem>>)
        %scan3A_25 = arith.constant 0 : i32
        %scan3A_26 = arith.constant 0 : i32
        %scan3A_27 = arith.constant 20 : i32
        %scan3A_28 = arith.addi %scan3A_26, %scan3A_27 : i32
        %scan3A_29 = arith.constant 1 : i32
        scf.for %scan3A_31 = %scan3A_26 to %scan3A_28 step %scan3A_29  : i32 {
          %mul3A_32 = arith.constant 2 : i32
          %mul3A_33 = arith.muli %mul3A_32, %scan3A_31 : i32
          %dma_wait3A = arith.constant 0 : i32
          %dma_wait3A_34 = tpu.memref_slice %arg9[%mul3A_33, %dma_wait3A] : memref<40x128xi32, #tpu.memory_space<vmem>> -> memref<1x128xi32, #tpu.memory_space<vmem>>
          %dma_wait3A_35 = tpu.memref_squeeze %dma_wait3A_34 : memref<1x128xi32, #tpu.memory_space<vmem>> -> memref<128xi32, #tpu.memory_space<vmem>>
          %dma_wait3A_36 = arith.constant 0 : i32
          %dma_wait3A_37 = arith.constant 0 : i32
          %dma_wait3A_38 = tpu.memref_slice %arg3[%dma_wait3A_36, %dma_wait3A_37] : memref<10240x128xf32, #tpu.memory_space<hbm>> -> memref<10240x128xf32, #tpu.memory_space<hbm>>
          tpu.wait_indirect_dma semaphore(%arg13 : memref<!tpu.dma_semaphore, #tpu.memory_space<semaphore_mem>>) src(%dma_wait3A_38 : memref<10240x128xf32, #tpu.memory_space<hbm>>) dst(%arg11 : memref<128x128xf32, #tpu.memory_space<vmem>>)
          %add3A_39 = arith.constant 1 : i32
          %add3A_40 = arith.addi %mul3A_33, %add3A_39 : i32
          %dma_start3A_41 = arith.constant 0 : i32
          %dma_start3A_42 = tpu.memref_slice %arg9[%add3A_40, %dma_start3A_41] : memref<40x128xi32, #tpu.memory_space<vmem>> -> memref<1x128xi32, #tpu.memory_space<vmem>>
          %dma_start3A_43 = tpu.memref_squeeze %dma_start3A_42 : memref<1x128xi32, #tpu.memory_space<vmem>> -> memref<128xi32, #tpu.memory_space<vmem>>
          %dma_start3A_44 = arith.constant 0 : i32
          %dma_start3A_45 = arith.constant 0 : i32
          %dma_start3A_46 = tpu.memref_slice %arg3[%dma_start3A_44, %dma_start3A_45] : memref<10240x128xf32, #tpu.memory_space<hbm>> -> memref<10240x128xf32, #tpu.memory_space<hbm>>
          tpu.enqueue_indirect_dma source(%dma_start3A_46 : memref<10240x128xf32, #tpu.memory_space<hbm>>) target(%arg12 : memref<128x128xf32, #tpu.memory_space<vmem>>) offsets(%dma_start3A_43 : memref<128xi32, #tpu.memory_space<vmem>>) semaphore(%arg14 : memref<!tpu.dma_semaphore, #tpu.memory_space<semaphore_mem>>)
          "tpu.region"() ({
            %run_scoped3A = tpu.sem_alloc : memref<!tpu.dma_semaphore, #tpu.memory_space<semaphore_mem>>
            %dma_start3A_63 = arith.constant 0 : i32
            %dma_start3A_64 = tpu.memref_slice %arg10[%mul3A_33, %dma_start3A_63] : memref<40x128xi32, #tpu.memory_space<vmem>> -> memref<1x128xi32, #tpu.memory_space<vmem>>
            %dma_start3A_65 = tpu.memref_squeeze %dma_start3A_64 : memref<1x128xi32, #tpu.memory_space<vmem>> -> memref<128xi32, #tpu.memory_space<vmem>>
            %dma_start3A_66 = arith.constant 0 : i32
            %dma_start3A_67 = arith.constant 0 : i32
            %dma_start3A_68 = tpu.memref_slice %arg8[%dma_start3A_66, %dma_start3A_67] : memref<10240x128xf32, #tpu.memory_space<vmem_shared>> -> memref<10240x128xf32, #tpu.memory_space<vmem_shared>>
            tpu.enqueue_indirect_dma source(%arg11 : memref<128x128xf32, #tpu.memory_space<vmem>>) target(%dma_start3A_68 : memref<10240x128xf32, #tpu.memory_space<vmem_shared>>) offsets(%dma_start3A_65 : memref<128xi32, #tpu.memory_space<vmem>>) semaphore(%run_scoped3A : memref<!tpu.dma_semaphore, #tpu.memory_space<semaphore_mem>>) {add = true}
            %dma_wait3A_69 = arith.constant 0 : i32
            %dma_wait3A_70 = tpu.memref_slice %arg10[%mul3A_33, %dma_wait3A_69] : memref<40x128xi32, #tpu.memory_space<vmem>> -> memref<1x128xi32, #tpu.memory_space<vmem>>
            %dma_wait3A_71 = tpu.memref_squeeze %dma_wait3A_70 : memref<1x128xi32, #tpu.memory_space<vmem>> -> memref<128xi32, #tpu.memory_space<vmem>>
            %dma_wait3A_72 = arith.constant 0 : i32
            %dma_wait3A_73 = arith.constant 0 : i32
            %dma_wait3A_74 = tpu.memref_slice %arg8[%dma_wait3A_72, %dma_wait3A_73] : memref<10240x128xf32, #tpu.memory_space<vmem_shared>> -> memref<10240x128xf32, #tpu.memory_space<vmem_shared>>
            tpu.wait_indirect_dma semaphore(%run_scoped3A : memref<!tpu.dma_semaphore, #tpu.memory_space<semaphore_mem>>) src(%arg11 : memref<128x128xf32, #tpu.memory_space<vmem>>) dst(%dma_wait3A_74 : memref<10240x128xf32, #tpu.memory_space<vmem_shared>>)
            tpu.yield
          }) : () -> ()
          %add3A_47 = arith.constant 1 : i32
          %add3A_48 = arith.addi %mul3A_33, %add3A_47 : i32
          %dma_wait3A_49 = arith.constant 0 : i32
          %dma_wait3A_50 = tpu.memref_slice %arg9[%add3A_48, %dma_wait3A_49] : memref<40x128xi32, #tpu.memory_space<vmem>> -> memref<1x128xi32, #tpu.memory_space<vmem>>
          %dma_wait3A_51 = tpu.memref_squeeze %dma_wait3A_50 : memref<1x128xi32, #tpu.memory_space<vmem>> -> memref<128xi32, #tpu.memory_space<vmem>>
          %dma_wait3A_52 = arith.constant 0 : i32
          %dma_wait3A_53 = arith.constant 0 : i32
          %dma_wait3A_54 = tpu.memref_slice %arg3[%dma_wait3A_52, %dma_wait3A_53] : memref<10240x128xf32, #tpu.memory_space<hbm>> -> memref<10240x128xf32, #tpu.memory_space<hbm>>
          tpu.wait_indirect_dma semaphore(%arg14 : memref<!tpu.dma_semaphore, #tpu.memory_space<semaphore_mem>>) src(%dma_wait3A_54 : memref<10240x128xf32, #tpu.memory_space<hbm>>) dst(%arg12 : memref<128x128xf32, #tpu.memory_space<vmem>>)
          %add3A_55 = arith.constant 2 : i32
          %add3A_56 = arith.addi %mul3A_33, %add3A_55 : i32
          %lt3A = arith.constant 40 : i32
          %lt3A_57 = arith.cmpi slt, %add3A_56, %lt3A : i32
          %convert_element_type3A_58 = arith.extui %lt3A_57 : i1 to i32
          %cond3A_59 = arith.constant 0 : i32
          %cond3A_60 = arith.cmpi ne, %convert_element_type3A_58, %cond3A_59 : i32
          scf.if %cond3A_60 {
            %add3A_63 = arith.constant 2 : i32
            %add3A_64 = arith.addi %mul3A_33, %add3A_63 : i32
            %dma_start3A_65 = arith.constant 0 : i32
            %dma_start3A_66 = tpu.memref_slice %arg9[%add3A_64, %dma_start3A_65] : memref<40x128xi32, #tpu.memory_space<vmem>> -> memref<1x128xi32, #tpu.memory_space<vmem>>
            %dma_start3A_67 = tpu.memref_squeeze %dma_start3A_66 : memref<1x128xi32, #tpu.memory_space<vmem>> -> memref<128xi32, #tpu.memory_space<vmem>>
            %dma_start3A_68 = arith.constant 0 : i32
            %dma_start3A_69 = arith.constant 0 : i32
            %dma_start3A_70 = tpu.memref_slice %arg3[%dma_start3A_68, %dma_start3A_69] : memref<10240x128xf32, #tpu.memory_space<hbm>> -> memref<10240x128xf32, #tpu.memory_space<hbm>>
            tpu.enqueue_indirect_dma source(%dma_start3A_70 : memref<10240x128xf32, #tpu.memory_space<hbm>>) target(%arg11 : memref<128x128xf32, #tpu.memory_space<vmem>>) offsets(%dma_start3A_67 : memref<128xi32, #tpu.memory_space<vmem>>) semaphore(%arg13 : memref<!tpu.dma_semaphore, #tpu.memory_space<semaphore_mem>>)
          } else {
          }
          %add3A_61 = arith.constant 1 : i32
          %add3A_62 = arith.addi %mul3A_33, %add3A_61 : i32
          "tpu.region"() ({
            %run_scoped3A = tpu.sem_alloc : memref<!tpu.dma_semaphore, #tpu.memory_space<semaphore_mem>>
            %dma_start3A_63 = arith.constant 0 : i32
            %dma_start3A_64 = tpu.memref_slice %arg10[%add3A_62, %dma_start3A_63] : memref<40x128xi32, #tpu.memory_space<vmem>> -> memref<1x128xi32, #tpu.memory_space<vmem>>
            %dma_start3A_65 = tpu.memref_squeeze %dma_start3A_64 : memref<1x128xi32, #tpu.memory_space<vmem>> -> memref<128xi32, #tpu.memory_space<vmem>>
            %dma_start3A_66 = arith.constant 0 : i32
            %dma_start3A_67 = arith.constant 0 : i32
            %dma_start3A_68 = tpu.memref_slice %arg8[%dma_start3A_66, %dma_start3A_67] : memref<10240x128xf32, #tpu.memory_space<vmem_shared>> -> memref<10240x128xf32, #tpu.memory_space<vmem_shared>>
            tpu.enqueue_indirect_dma source(%arg12 : memref<128x128xf32, #tpu.memory_space<vmem>>) target(%dma_start3A_68 : memref<10240x128xf32, #tpu.memory_space<vmem_shared>>) offsets(%dma_start3A_65 : memref<128xi32, #tpu.memory_space<vmem>>) semaphore(%run_scoped3A : memref<!tpu.dma_semaphore, #tpu.memory_space<semaphore_mem>>) {add = true}
            %dma_wait3A_69 = arith.constant 0 : i32
            %dma_wait3A_70 = tpu.memref_slice %arg10[%add3A_62, %dma_wait3A_69] : memref<40x128xi32, #tpu.memory_space<vmem>> -> memref<1x128xi32, #tpu.memory_space<vmem>>
            %dma_wait3A_71 = tpu.memref_squeeze %dma_wait3A_70 : memref<1x128xi32, #tpu.memory_space<vmem>> -> memref<128xi32, #tpu.memory_space<vmem>>
            %dma_wait3A_72 = arith.constant 0 : i32
            %dma_wait3A_73 = arith.constant 0 : i32
            %dma_wait3A_74 = tpu.memref_slice %arg8[%dma_wait3A_72, %dma_wait3A_73] : memref<10240x128xf32, #tpu.memory_space<vmem_shared>> -> memref<10240x128xf32, #tpu.memory_space<vmem_shared>>
            tpu.wait_indirect_dma semaphore(%run_scoped3A : memref<!tpu.dma_semaphore, #tpu.memory_space<semaphore_mem>>) src(%arg12 : memref<128x128xf32, #tpu.memory_space<vmem>>) dst(%dma_wait3A_74 : memref<10240x128xf32, #tpu.memory_space<vmem_shared>>)
            tpu.yield
          }) : () -> ()
        }
        %scan3A_30 = arith.constant 20 : i32
      }
      %scan3A_12 = arith.constant 4 : i32
      %barrier3A_13 = arith.constant 0 : index
      tpu.barrier barrier_id(%barrier3A_13)
      "tpu.region"() ({
        %run_scoped3A = tpu.sem_alloc : memref<!tpu.dma_semaphore, #tpu.memory_space<semaphore_mem>>
        %dma_start3A = arith.constant 0 : i32
        %dma_start3A_14 = tpu.memref_slice %arg7[%mul3A_0, %dma_start3A] : memref<10240x128xf32, #tpu.memory_space<hbm>> -> memref<640x128xf32, #tpu.memory_space<hbm>>
        %dma_start3A_15 = arith.constant 0 : i32
        %dma_start3A_16 = tpu.memref_slice %arg8[%mul3A_0, %dma_start3A_15] : memref<10240x128xf32, #tpu.memory_space<vmem_shared>> -> memref<640x128xf32, #tpu.memory_space<vmem_shared>>
        tpu.enqueue_dma source(%dma_start3A_16 : memref<640x128xf32, #tpu.memory_space<vmem_shared>>) target(%dma_start3A_14 : memref<640x128xf32, #tpu.memory_space<hbm>>) target_semaphore(%run_scoped3A : memref<!tpu.dma_semaphore, #tpu.memory_space<semaphore_mem>>)
        %dma_wait3A = arith.constant 0 : i32
        %dma_wait3A_17 = tpu.memref_slice %arg7[%mul3A_0, %dma_wait3A] : memref<10240x128xf32, #tpu.memory_space<hbm>> -> memref<640x128xf32, #tpu.memory_space<hbm>>
        %dma_wait3A_18 = arith.constant 0 : i32
        %dma_wait3A_19 = tpu.memref_slice %arg8[%mul3A_0, %dma_wait3A_18] : memref<10240x128xf32, #tpu.memory_space<vmem_shared>> -> memref<640x128xf32, #tpu.memory_space<vmem_shared>>
        tpu.wait_dma2 semaphore(%run_scoped3A : memref<!tpu.dma_semaphore, #tpu.memory_space<semaphore_mem>>) src(%dma_wait3A_19 : memref<640x128xf32, #tpu.memory_space<vmem_shared>>) dst(%dma_wait3A_17 : memref<640x128xf32, #tpu.memory_space<hbm>>)
        tpu.yield
      }) : () -> ()
    } else {
    }
    return
  }
}

#map = affine_map<(d0, d1) -> (0, 0)>
module attributes {stable_mosaic.version = 14 : i64} {
  func.func @_prop_kernel(%arg0: i32, %arg1: i32, %arg2: memref<10240x128xf32, #tpu.memory_space<hbm>>, %arg3: memref<2560x128xi32, #tpu.memory_space<hbm>>, %arg4: memref<2560x128xi32, #tpu.memory_space<hbm>>, %arg5: memref<10240x128xf32, #tpu.memory_space<hbm>>, %arg6: memref<10240x128xf32, #tpu.memory_space<hbm>>, %arg7: memref<10240x128xf32, #tpu.memory_space<vmem_shared>>, %arg8: memref<40x128xi32, #tpu.memory_space<vmem>>, %arg9: memref<40x128xi32, #tpu.memory_space<vmem>>, %arg10: memref<128x128xf32, #tpu.memory_space<vmem>>, %arg11: memref<128x128xf32, #tpu.memory_space<vmem>>, %arg12: memref<!tpu.dma_semaphore, #tpu.memory_space<semaphore_mem>>, %arg13: memref<!tpu.dma_semaphore, #tpu.memory_space<semaphore_mem>>) attributes {dimension_semantics = [#tpu.dimension_semantics<core_parallel>, #tpu.dimension_semantics<subcore_parallel>], iteration_bounds = array<i64: 2, 16>, scalar_prefetch = 0 : i64, scratch_operands = 7 : i64, tpu.core_type = #tpu.core_type<sc_vector_subcore>, window_params = [{transform_indices = #map}, {transform_indices = #map}, {transform_indices = #map}, {transform_indices = #map}, {transform_indices = #map}]} {
    %mul3A = arith.constant 2 : i32
    %mul3A_0 = arith.muli %arg1, %mul3A : i32
    %add3A = arith.addi %mul3A_0, %arg0 : i32
    %mul3A_1 = arith.constant 640 : i32
    %mul3A_2 = arith.muli %arg1, %mul3A_1 : i32
    "tpu.region"() ({
      %run_scoped3A = tpu.sem_alloc : memref<!tpu.dma_semaphore, #tpu.memory_space<semaphore_mem>>
      %dma_start3A = arith.constant 0 : i32
      %dma_start3A_16 = tpu.memref_slice %arg7[%mul3A_2, %dma_start3A] : memref<10240x128xf32, #tpu.memory_space<vmem_shared>> -> memref<640x128xf32, #tpu.memory_space<vmem_shared>>
      %dma_start3A_17 = arith.constant 0 : i32
      %dma_start3A_18 = tpu.memref_slice %arg2[%mul3A_2, %dma_start3A_17] : memref<10240x128xf32, #tpu.memory_space<hbm>> -> memref<640x128xf32, #tpu.memory_space<hbm>>
      tpu.enqueue_dma source(%dma_start3A_18 : memref<640x128xf32, #tpu.memory_space<hbm>>) target(%dma_start3A_16 : memref<640x128xf32, #tpu.memory_space<vmem_shared>>) target_semaphore(%run_scoped3A : memref<!tpu.dma_semaphore, #tpu.memory_space<semaphore_mem>>)
      %dma_wait3A = arith.constant 0 : i32
      %dma_wait3A_19 = tpu.memref_slice %arg7[%mul3A_2, %dma_wait3A] : memref<10240x128xf32, #tpu.memory_space<vmem_shared>> -> memref<640x128xf32, #tpu.memory_space<vmem_shared>>
      %dma_wait3A_20 = arith.constant 0 : i32
      %dma_wait3A_21 = tpu.memref_slice %arg2[%mul3A_2, %dma_wait3A_20] : memref<10240x128xf32, #tpu.memory_space<hbm>> -> memref<640x128xf32, #tpu.memory_space<hbm>>
      tpu.wait_dma2 semaphore(%run_scoped3A : memref<!tpu.dma_semaphore, #tpu.memory_space<semaphore_mem>>) src(%dma_wait3A_21 : memref<640x128xf32, #tpu.memory_space<hbm>>) dst(%dma_wait3A_19 : memref<640x128xf32, #tpu.memory_space<vmem_shared>>)
      tpu.yield
    }) : () -> ()
    %barrier3A = arith.constant 0 : index
    tpu.barrier barrier_id(%barrier3A)
    %scan3A = arith.constant 0 : i32
    %scan3A_3 = arith.constant 0 : i32
    %scan3A_4 = arith.constant 2 : i32
    %scan3A_5 = arith.addi %scan3A_3, %scan3A_4 : i32
    %scan3A_6 = arith.constant 1 : i32
    scf.for %scan3A_16 = %scan3A_3 to %scan3A_5 step %scan3A_6  : i32 {
      %mul3A_17 = arith.constant 80 : i32
      %mul3A_18 = arith.muli %add3A, %mul3A_17 : i32
      %mul3A_19 = arith.constant 40 : i32
      %mul3A_20 = arith.muli %scan3A_16, %mul3A_19 : i32
      %add3A_21 = arith.addi %mul3A_18, %mul3A_20 : i32
      "tpu.region"() ({
        %run_scoped3A = tpu.sem_alloc : memref<!tpu.dma_semaphore, #tpu.memory_space<semaphore_mem>>
        %dma_start3A_34 = arith.constant 0 : i32
        %dma_start3A_35 = tpu.memref_slice %arg3[%add3A_21, %dma_start3A_34] : memref<2560x128xi32, #tpu.memory_space<hbm>> -> memref<40x128xi32, #tpu.memory_space<hbm>>
        %dma_start3A_36 = arith.constant 0 : i32
        %dma_start3A_37 = tpu.memref_slice %arg3[%add3A_21, %dma_start3A_36] : memref<2560x128xi32, #tpu.memory_space<hbm>> -> memref<40x128xi32, #tpu.memory_space<hbm>>
        tpu.enqueue_dma source(%dma_start3A_37 : memref<40x128xi32, #tpu.memory_space<hbm>>) target(%arg8 : memref<40x128xi32, #tpu.memory_space<vmem>>) target_semaphore(%run_scoped3A : memref<!tpu.dma_semaphore, #tpu.memory_space<semaphore_mem>>)
        %dma_wait3A = arith.constant 0 : i32
        %dma_wait3A_38 = tpu.memref_slice %arg3[%add3A_21, %dma_wait3A] : memref<2560x128xi32, #tpu.memory_space<hbm>> -> memref<40x128xi32, #tpu.memory_space<hbm>>
        %dma_wait3A_39 = arith.constant 0 : i32
        %dma_wait3A_40 = tpu.memref_slice %arg3[%add3A_21, %dma_wait3A_39] : memref<2560x128xi32, #tpu.memory_space<hbm>> -> memref<40x128xi32, #tpu.memory_space<hbm>>
        tpu.wait_dma2 semaphore(%run_scoped3A : memref<!tpu.dma_semaphore, #tpu.memory_space<semaphore_mem>>) src(%dma_wait3A_40 : memref<40x128xi32, #tpu.memory_space<hbm>>) dst(%arg8 : memref<40x128xi32, #tpu.memory_space<vmem>>)
        tpu.yield
      }) : () -> ()
      "tpu.region"() ({
        %run_scoped3A = tpu.sem_alloc : memref<!tpu.dma_semaphore, #tpu.memory_space<semaphore_mem>>
        %dma_start3A_34 = arith.constant 0 : i32
        %dma_start3A_35 = tpu.memref_slice %arg4[%add3A_21, %dma_start3A_34] : memref<2560x128xi32, #tpu.memory_space<hbm>> -> memref<40x128xi32, #tpu.memory_space<hbm>>
        %dma_start3A_36 = arith.constant 0 : i32
        %dma_start3A_37 = tpu.memref_slice %arg4[%add3A_21, %dma_start3A_36] : memref<2560x128xi32, #tpu.memory_space<hbm>> -> memref<40x128xi32, #tpu.memory_space<hbm>>
        tpu.enqueue_dma source(%dma_start3A_37 : memref<40x128xi32, #tpu.memory_space<hbm>>) target(%arg9 : memref<40x128xi32, #tpu.memory_space<vmem>>) target_semaphore(%run_scoped3A : memref<!tpu.dma_semaphore, #tpu.memory_space<semaphore_mem>>)
        %dma_wait3A = arith.constant 0 : i32
        %dma_wait3A_38 = tpu.memref_slice %arg4[%add3A_21, %dma_wait3A] : memref<2560x128xi32, #tpu.memory_space<hbm>> -> memref<40x128xi32, #tpu.memory_space<hbm>>
        %dma_wait3A_39 = arith.constant 0 : i32
        %dma_wait3A_40 = tpu.memref_slice %arg4[%add3A_21, %dma_wait3A_39] : memref<2560x128xi32, #tpu.memory_space<hbm>> -> memref<40x128xi32, #tpu.memory_space<hbm>>
        tpu.wait_dma2 semaphore(%run_scoped3A : memref<!tpu.dma_semaphore, #tpu.memory_space<semaphore_mem>>) src(%dma_wait3A_40 : memref<40x128xi32, #tpu.memory_space<hbm>>) dst(%arg9 : memref<40x128xi32, #tpu.memory_space<vmem>>)
        tpu.yield
      }) : () -> ()
      %dma_start3A = arith.constant 0 : i32
      %dma_start3A_22 = arith.constant 0 : i32
      %dma_start3A_23 = tpu.memref_slice %arg8[%dma_start3A, %dma_start3A_22] : memref<40x128xi32, #tpu.memory_space<vmem>> -> memref<1x128xi32, #tpu.memory_space<vmem>>
      %dma_start3A_24 = tpu.memref_squeeze %dma_start3A_23 : memref<1x128xi32, #tpu.memory_space<vmem>> -> memref<128xi32, #tpu.memory_space<vmem>>
      %dma_start3A_25 = arith.constant 0 : i32
      %dma_start3A_26 = arith.constant 0 : i32
      %dma_start3A_27 = tpu.memref_slice %arg2[%dma_start3A_25, %dma_start3A_26] : memref<10240x128xf32, #tpu.memory_space<hbm>> -> memref<10240x128xf32, #tpu.memory_space<hbm>>
      tpu.enqueue_indirect_dma source(%dma_start3A_27 : memref<10240x128xf32, #tpu.memory_space<hbm>>) target(%arg10 : memref<128x128xf32, #tpu.memory_space<vmem>>) offsets(%dma_start3A_24 : memref<128xi32, #tpu.memory_space<vmem>>) semaphore(%arg12 : memref<!tpu.dma_semaphore, #tpu.memory_space<semaphore_mem>>)
      %scan3A_28 = arith.constant 0 : i32
      %scan3A_29 = arith.constant 0 : i32
      %scan3A_30 = arith.constant 20 : i32
      %scan3A_31 = arith.addi %scan3A_29, %scan3A_30 : i32
      %scan3A_32 = arith.constant 1 : i32
      scf.for %scan3A_34 = %scan3A_29 to %scan3A_31 step %scan3A_32  : i32 {
        %mul3A_35 = arith.constant 2 : i32
        %mul3A_36 = arith.muli %mul3A_35, %scan3A_34 : i32
        %dma_wait3A = arith.constant 0 : i32
        %dma_wait3A_37 = tpu.memref_slice %arg8[%mul3A_36, %dma_wait3A] : memref<40x128xi32, #tpu.memory_space<vmem>> -> memref<1x128xi32, #tpu.memory_space<vmem>>
        %dma_wait3A_38 = tpu.memref_squeeze %dma_wait3A_37 : memref<1x128xi32, #tpu.memory_space<vmem>> -> memref<128xi32, #tpu.memory_space<vmem>>
        %dma_wait3A_39 = arith.constant 0 : i32
        %dma_wait3A_40 = arith.constant 0 : i32
        %dma_wait3A_41 = tpu.memref_slice %arg2[%dma_wait3A_39, %dma_wait3A_40] : memref<10240x128xf32, #tpu.memory_space<hbm>> -> memref<10240x128xf32, #tpu.memory_space<hbm>>
        tpu.wait_indirect_dma semaphore(%arg12 : memref<!tpu.dma_semaphore, #tpu.memory_space<semaphore_mem>>) src(%dma_wait3A_41 : memref<10240x128xf32, #tpu.memory_space<hbm>>) dst(%arg10 : memref<128x128xf32, #tpu.memory_space<vmem>>)
        %add3A_42 = arith.constant 1 : i32
        %add3A_43 = arith.addi %mul3A_36, %add3A_42 : i32
        %dma_start3A_44 = arith.constant 0 : i32
        %dma_start3A_45 = tpu.memref_slice %arg8[%add3A_43, %dma_start3A_44] : memref<40x128xi32, #tpu.memory_space<vmem>> -> memref<1x128xi32, #tpu.memory_space<vmem>>
        %dma_start3A_46 = tpu.memref_squeeze %dma_start3A_45 : memref<1x128xi32, #tpu.memory_space<vmem>> -> memref<128xi32, #tpu.memory_space<vmem>>
        %dma_start3A_47 = arith.constant 0 : i32
        %dma_start3A_48 = arith.constant 0 : i32
        %dma_start3A_49 = tpu.memref_slice %arg2[%dma_start3A_47, %dma_start3A_48] : memref<10240x128xf32, #tpu.memory_space<hbm>> -> memref<10240x128xf32, #tpu.memory_space<hbm>>
        tpu.enqueue_indirect_dma source(%dma_start3A_49 : memref<10240x128xf32, #tpu.memory_space<hbm>>) target(%arg11 : memref<128x128xf32, #tpu.memory_space<vmem>>) offsets(%dma_start3A_46 : memref<128xi32, #tpu.memory_space<vmem>>) semaphore(%arg13 : memref<!tpu.dma_semaphore, #tpu.memory_space<semaphore_mem>>)
        "tpu.region"() ({
          %run_scoped3A = tpu.sem_alloc : memref<!tpu.dma_semaphore, #tpu.memory_space<semaphore_mem>>
          %dma_start3A_66 = arith.constant 0 : i32
          %dma_start3A_67 = tpu.memref_slice %arg9[%mul3A_36, %dma_start3A_66] : memref<40x128xi32, #tpu.memory_space<vmem>> -> memref<1x128xi32, #tpu.memory_space<vmem>>
          %dma_start3A_68 = tpu.memref_squeeze %dma_start3A_67 : memref<1x128xi32, #tpu.memory_space<vmem>> -> memref<128xi32, #tpu.memory_space<vmem>>
          %dma_start3A_69 = arith.constant 0 : i32
          %dma_start3A_70 = arith.constant 0 : i32
          %dma_start3A_71 = tpu.memref_slice %arg7[%dma_start3A_69, %dma_start3A_70] : memref<10240x128xf32, #tpu.memory_space<vmem_shared>> -> memref<10240x128xf32, #tpu.memory_space<vmem_shared>>
          tpu.enqueue_indirect_dma source(%arg10 : memref<128x128xf32, #tpu.memory_space<vmem>>) target(%dma_start3A_71 : memref<10240x128xf32, #tpu.memory_space<vmem_shared>>) offsets(%dma_start3A_68 : memref<128xi32, #tpu.memory_space<vmem>>) semaphore(%run_scoped3A : memref<!tpu.dma_semaphore, #tpu.memory_space<semaphore_mem>>) {add = true}
          %dma_wait3A_72 = arith.constant 0 : i32
          %dma_wait3A_73 = tpu.memref_slice %arg9[%mul3A_36, %dma_wait3A_72] : memref<40x128xi32, #tpu.memory_space<vmem>> -> memref<1x128xi32, #tpu.memory_space<vmem>>
          %dma_wait3A_74 = tpu.memref_squeeze %dma_wait3A_73 : memref<1x128xi32, #tpu.memory_space<vmem>> -> memref<128xi32, #tpu.memory_space<vmem>>
          %dma_wait3A_75 = arith.constant 0 : i32
          %dma_wait3A_76 = arith.constant 0 : i32
          %dma_wait3A_77 = tpu.memref_slice %arg7[%dma_wait3A_75, %dma_wait3A_76] : memref<10240x128xf32, #tpu.memory_space<vmem_shared>> -> memref<10240x128xf32, #tpu.memory_space<vmem_shared>>
          tpu.wait_indirect_dma semaphore(%run_scoped3A : memref<!tpu.dma_semaphore, #tpu.memory_space<semaphore_mem>>) src(%arg10 : memref<128x128xf32, #tpu.memory_space<vmem>>) dst(%dma_wait3A_77 : memref<10240x128xf32, #tpu.memory_space<vmem_shared>>)
          tpu.yield
        }) : () -> ()
        %add3A_50 = arith.constant 1 : i32
        %add3A_51 = arith.addi %mul3A_36, %add3A_50 : i32
        %dma_wait3A_52 = arith.constant 0 : i32
        %dma_wait3A_53 = tpu.memref_slice %arg8[%add3A_51, %dma_wait3A_52] : memref<40x128xi32, #tpu.memory_space<vmem>> -> memref<1x128xi32, #tpu.memory_space<vmem>>
        %dma_wait3A_54 = tpu.memref_squeeze %dma_wait3A_53 : memref<1x128xi32, #tpu.memory_space<vmem>> -> memref<128xi32, #tpu.memory_space<vmem>>
        %dma_wait3A_55 = arith.constant 0 : i32
        %dma_wait3A_56 = arith.constant 0 : i32
        %dma_wait3A_57 = tpu.memref_slice %arg2[%dma_wait3A_55, %dma_wait3A_56] : memref<10240x128xf32, #tpu.memory_space<hbm>> -> memref<10240x128xf32, #tpu.memory_space<hbm>>
        tpu.wait_indirect_dma semaphore(%arg13 : memref<!tpu.dma_semaphore, #tpu.memory_space<semaphore_mem>>) src(%dma_wait3A_57 : memref<10240x128xf32, #tpu.memory_space<hbm>>) dst(%arg11 : memref<128x128xf32, #tpu.memory_space<vmem>>)
        %add3A_58 = arith.constant 2 : i32
        %add3A_59 = arith.addi %mul3A_36, %add3A_58 : i32
        %lt3A = arith.constant 40 : i32
        %lt3A_60 = arith.cmpi slt, %add3A_59, %lt3A : i32
        %convert_element_type3A_61 = arith.extui %lt3A_60 : i1 to i32
        %cond3A_62 = arith.constant 0 : i32
        %cond3A_63 = arith.cmpi ne, %convert_element_type3A_61, %cond3A_62 : i32
        scf.if %cond3A_63 {
          %add3A_66 = arith.constant 2 : i32
          %add3A_67 = arith.addi %mul3A_36, %add3A_66 : i32
          %dma_start3A_68 = arith.constant 0 : i32
          %dma_start3A_69 = tpu.memref_slice %arg8[%add3A_67, %dma_start3A_68] : memref<40x128xi32, #tpu.memory_space<vmem>> -> memref<1x128xi32, #tpu.memory_space<vmem>>
          %dma_start3A_70 = tpu.memref_squeeze %dma_start3A_69 : memref<1x128xi32, #tpu.memory_space<vmem>> -> memref<128xi32, #tpu.memory_space<vmem>>
          %dma_start3A_71 = arith.constant 0 : i32
          %dma_start3A_72 = arith.constant 0 : i32
          %dma_start3A_73 = tpu.memref_slice %arg2[%dma_start3A_71, %dma_start3A_72] : memref<10240x128xf32, #tpu.memory_space<hbm>> -> memref<10240x128xf32, #tpu.memory_space<hbm>>
          tpu.enqueue_indirect_dma source(%dma_start3A_73 : memref<10240x128xf32, #tpu.memory_space<hbm>>) target(%arg10 : memref<128x128xf32, #tpu.memory_space<vmem>>) offsets(%dma_start3A_70 : memref<128xi32, #tpu.memory_space<vmem>>) semaphore(%arg12 : memref<!tpu.dma_semaphore, #tpu.memory_space<semaphore_mem>>)
        } else {
        }
        %add3A_64 = arith.constant 1 : i32
        %add3A_65 = arith.addi %mul3A_36, %add3A_64 : i32
        "tpu.region"() ({
          %run_scoped3A = tpu.sem_alloc : memref<!tpu.dma_semaphore, #tpu.memory_space<semaphore_mem>>
          %dma_start3A_66 = arith.constant 0 : i32
          %dma_start3A_67 = tpu.memref_slice %arg9[%add3A_65, %dma_start3A_66] : memref<40x128xi32, #tpu.memory_space<vmem>> -> memref<1x128xi32, #tpu.memory_space<vmem>>
          %dma_start3A_68 = tpu.memref_squeeze %dma_start3A_67 : memref<1x128xi32, #tpu.memory_space<vmem>> -> memref<128xi32, #tpu.memory_space<vmem>>
          %dma_start3A_69 = arith.constant 0 : i32
          %dma_start3A_70 = arith.constant 0 : i32
          %dma_start3A_71 = tpu.memref_slice %arg7[%dma_start3A_69, %dma_start3A_70] : memref<10240x128xf32, #tpu.memory_space<vmem_shared>> -> memref<10240x128xf32, #tpu.memory_space<vmem_shared>>
          tpu.enqueue_indirect_dma source(%arg11 : memref<128x128xf32, #tpu.memory_space<vmem>>) target(%dma_start3A_71 : memref<10240x128xf32, #tpu.memory_space<vmem_shared>>) offsets(%dma_start3A_68 : memref<128xi32, #tpu.memory_space<vmem>>) semaphore(%run_scoped3A : memref<!tpu.dma_semaphore, #tpu.memory_space<semaphore_mem>>) {add = true}
          %dma_wait3A_72 = arith.constant 0 : i32
          %dma_wait3A_73 = tpu.memref_slice %arg9[%add3A_65, %dma_wait3A_72] : memref<40x128xi32, #tpu.memory_space<vmem>> -> memref<1x128xi32, #tpu.memory_space<vmem>>
          %dma_wait3A_74 = tpu.memref_squeeze %dma_wait3A_73 : memref<1x128xi32, #tpu.memory_space<vmem>> -> memref<128xi32, #tpu.memory_space<vmem>>
          %dma_wait3A_75 = arith.constant 0 : i32
          %dma_wait3A_76 = arith.constant 0 : i32
          %dma_wait3A_77 = tpu.memref_slice %arg7[%dma_wait3A_75, %dma_wait3A_76] : memref<10240x128xf32, #tpu.memory_space<vmem_shared>> -> memref<10240x128xf32, #tpu.memory_space<vmem_shared>>
          tpu.wait_indirect_dma semaphore(%run_scoped3A : memref<!tpu.dma_semaphore, #tpu.memory_space<semaphore_mem>>) src(%arg11 : memref<128x128xf32, #tpu.memory_space<vmem>>) dst(%dma_wait3A_77 : memref<10240x128xf32, #tpu.memory_space<vmem_shared>>)
          tpu.yield
        }) : () -> ()
      }
      %scan3A_33 = arith.constant 20 : i32
    }
    %scan3A_7 = arith.constant 2 : i32
    %barrier3A_8 = arith.constant 0 : index
    tpu.barrier barrier_id(%barrier3A_8)
    %eq3A = arith.constant 0 : i32
    %eq3A_9 = arith.cmpi eq, %arg0, %eq3A : i32
    %convert_element_type3A = arith.extui %eq3A_9 : i1 to i32
    %cond3A = arith.constant 0 : i32
    %cond3A_10 = arith.cmpi ne, %convert_element_type3A, %cond3A : i32
    scf.if %cond3A_10 {
      "tpu.region"() ({
        %run_scoped3A = tpu.sem_alloc : memref<!tpu.dma_semaphore, #tpu.memory_space<semaphore_mem>>
        %dma_start3A = arith.constant 0 : i32
        %dma_start3A_16 = tpu.memref_slice %arg5[%mul3A_2, %dma_start3A] : memref<10240x128xf32, #tpu.memory_space<hbm>> -> memref<640x128xf32, #tpu.memory_space<hbm>>
        %dma_start3A_17 = arith.constant 0 : i32
        %dma_start3A_18 = tpu.memref_slice %arg7[%mul3A_2, %dma_start3A_17] : memref<10240x128xf32, #tpu.memory_space<vmem_shared>> -> memref<640x128xf32, #tpu.memory_space<vmem_shared>>
        tpu.enqueue_dma source(%dma_start3A_18 : memref<640x128xf32, #tpu.memory_space<vmem_shared>>) target(%dma_start3A_16 : memref<640x128xf32, #tpu.memory_space<hbm>>) target_semaphore(%run_scoped3A : memref<!tpu.dma_semaphore, #tpu.memory_space<semaphore_mem>>)
        %dma_wait3A = arith.constant 0 : i32
        %dma_wait3A_19 = tpu.memref_slice %arg5[%mul3A_2, %dma_wait3A] : memref<10240x128xf32, #tpu.memory_space<hbm>> -> memref<640x128xf32, #tpu.memory_space<hbm>>
        %dma_wait3A_20 = arith.constant 0 : i32
        %dma_wait3A_21 = tpu.memref_slice %arg7[%mul3A_2, %dma_wait3A_20] : memref<10240x128xf32, #tpu.memory_space<vmem_shared>> -> memref<640x128xf32, #tpu.memory_space<vmem_shared>>
        tpu.wait_dma2 semaphore(%run_scoped3A : memref<!tpu.dma_semaphore, #tpu.memory_space<semaphore_mem>>) src(%dma_wait3A_21 : memref<640x128xf32, #tpu.memory_space<vmem_shared>>) dst(%dma_wait3A_19 : memref<640x128xf32, #tpu.memory_space<hbm>>)
        tpu.yield
      }) : () -> ()
    } else {
    }
    %eq3A_11 = arith.constant 1 : i32
    %eq3A_12 = arith.cmpi eq, %arg0, %eq3A_11 : i32
    %convert_element_type3A_13 = arith.extui %eq3A_12 : i1 to i32
    %cond3A_14 = arith.constant 0 : i32
    %cond3A_15 = arith.cmpi ne, %convert_element_type3A_13, %cond3A_14 : i32
    scf.if %cond3A_15 {
      "tpu.region"() ({
        %run_scoped3A = tpu.sem_alloc : memref<!tpu.dma_semaphore, #tpu.memory_space<semaphore_mem>>
        %dma_start3A = arith.constant 0 : i32
        %dma_start3A_16 = tpu.memref_slice %arg6[%mul3A_2, %dma_start3A] : memref<10240x128xf32, #tpu.memory_space<hbm>> -> memref<640x128xf32, #tpu.memory_space<hbm>>
        %dma_start3A_17 = arith.constant 0 : i32
        %dma_start3A_18 = tpu.memref_slice %arg7[%mul3A_2, %dma_start3A_17] : memref<10240x128xf32, #tpu.memory_space<vmem_shared>> -> memref<640x128xf32, #tpu.memory_space<vmem_shared>>
        tpu.enqueue_dma source(%dma_start3A_18 : memref<640x128xf32, #tpu.memory_space<vmem_shared>>) target(%dma_start3A_16 : memref<640x128xf32, #tpu.memory_space<hbm>>) target_semaphore(%run_scoped3A : memref<!tpu.dma_semaphore, #tpu.memory_space<semaphore_mem>>)
        %dma_wait3A = arith.constant 0 : i32
        %dma_wait3A_19 = tpu.memref_slice %arg6[%mul3A_2, %dma_wait3A] : memref<10240x128xf32, #tpu.memory_space<hbm>> -> memref<640x128xf32, #tpu.memory_space<hbm>>
        %dma_wait3A_20 = arith.constant 0 : i32
        %dma_wait3A_21 = tpu.memref_slice %arg7[%mul3A_2, %dma_wait3A_20] : memref<10240x128xf32, #tpu.memory_space<vmem_shared>> -> memref<640x128xf32, #tpu.memory_space<vmem_shared>>
        tpu.wait_dma2 semaphore(%run_scoped3A : memref<!tpu.dma_semaphore, #tpu.memory_space<semaphore_mem>>) src(%dma_wait3A_21 : memref<640x128xf32, #tpu.memory_space<vmem_shared>>) dst(%dma_wait3A_19 : memref<640x128xf32, #tpu.memory_space<hbm>>)
        tpu.yield
      }) : () -> ()
    } else {
    }
    return
  }
}

module attributes {stable_mosaic.version = 14 : i64} {
  func.func @_first_body(%arg0: i32, %arg1: memref<1024x128xf32, #tpu.memory_space<vmem>>, %arg2: memref<128x128xf32, #tpu.memory_space<vmem>>, %arg3: memref<1024x1xf32, #tpu.memory_space<vmem>>, %arg4: memref<1024x1xf32, #tpu.memory_space<vmem>>, %arg5: memref<1024x128xf32, #tpu.memory_space<vmem>>, %arg6: memref<1024x1xf32, #tpu.memory_space<vmem>>) attributes {dimension_semantics = [#tpu.dimension_semantics<arbitrary>], iteration_bounds = array<i64: 10>, scalar_prefetch = 0 : i64, scratch_operands = 0 : i64, tpu.core_type = #tpu.core_type<tc>, window_params = [{transform_indices = @transform_0, window_bounds = array<i64: 1024, 128>}, {pipeline_mode = #tpu.pipeline_mode<synchronous>, transform_indices = @transform_1, window_bounds = array<i64: 128, 128>}, {transform_indices = @transform_2, window_bounds = array<i64: 1024, 1>}, {transform_indices = @transform_3, window_bounds = array<i64: 1024, 1>}, {transform_indices = @transform_4, window_bounds = array<i64: 1024, 128>}, {transform_indices = @transform_5, window_bounds = array<i64: 1024, 1>}]} {
    %get3A = arith.constant 0 : index
    %get3A_0 = arith.constant 0 : index
    %get3A_1 = vector.load %arg3[%get3A, %get3A_0] : memref<1024x1xf32, #tpu.memory_space<vmem>>, vector<1024x1xf32>
    %get3A_2 = arith.constant 0 : index
    %get3A_3 = arith.constant 0 : index
    %get3A_4 = vector.load %arg4[%get3A_2, %get3A_3] : memref<1024x1xf32, #tpu.memory_space<vmem>>, vector<1024x1xf32>
    %add3A = arith.addf %get3A_1, %get3A_4 : vector<1024x1xf32>
    %add3A_5 = arith.constant 1.000000e+00 : f32
    %add3A_6 = vector.broadcast %add3A_5 : f32 to vector<1024x1xf32>
    %add3A_7 = arith.addf %add3A, %add3A_6 : vector<1024x1xf32>
    %rsqrt3A = math.rsqrt %add3A_7 : vector<1024x1xf32>
    %get3A_8 = arith.constant 0 : index
    %get3A_9 = arith.constant 0 : index
    %get3A_10 = vector.load %arg1[%get3A_8, %get3A_9] : memref<1024x128xf32, #tpu.memory_space<vmem>>, vector<1024x128xf32>
    %get3A_11 = arith.constant 0 : index
    %get3A_12 = arith.constant 0 : index
    %get3A_13 = vector.load %arg2[%get3A_11, %get3A_12] : memref<128x128xf32, #tpu.memory_space<vmem>>, vector<128x128xf32>
    %dot_general3A = arith.constant dense<0.000000e+00> : vector<1024x128xf32>
    %dot_general3A_14 = tpu.matmul %get3A_10, %get3A_13, %dot_general3A {dimension_numbers = #tpu.dot_dimension_numbers<[1], [0], [0], [1], [0, 0, 1, 1], [], []>, transpose_lhs_hint = false} : vector<1024x128xf32>, vector<128x128xf32>, vector<1024x128xf32> -> vector<1024x128xf32>
    %mul3A = vector.broadcast %rsqrt3A : vector<1024x1xf32> to vector<1024x128xf32>
    %mul3A_15 = arith.mulf %mul3A, %dot_general3A_14 : vector<1024x128xf32>
    %swap3A = arith.constant 0 : index
    %swap3A_16 = arith.constant 0 : index
    %swap3A_17 = vector.load %arg5[%swap3A, %swap3A_16] : memref<1024x128xf32, #tpu.memory_space<vmem>>, vector<1024x128xf32>
    tpu.vector_store %arg5[%swap3A, %swap3A_16], %mul3A_15 {strides = array<i32>} : memref<1024x128xf32, #tpu.memory_space<vmem>>, vector<1024x128xf32>,
    %swap3A_18 = arith.constant 0 : index
    %swap3A_19 = arith.constant 0 : index
    %swap3A_20 = vector.load %arg6[%swap3A_18, %swap3A_19] : memref<1024x1xf32, #tpu.memory_space<vmem>>, vector<1024x1xf32>
    tpu.vector_store %arg6[%swap3A_18, %swap3A_19], %rsqrt3A {strides = array<i32>} : memref<1024x1xf32, #tpu.memory_space<vmem>>, vector<1024x1xf32>,
    return
  }
  func.func @transform_0(%arg0: i32) -> (i32, i32) {
    %c0_i32 = arith.constant 0 : i32
    %c0_i32_0 = arith.constant 0 : i32
    return %arg0, %c0_i32 : i32, i32
  }
  func.func @transform_1(%arg0: i32) -> (i32, i32) {
    %c0_i32 = arith.constant 0 : i32
    %c0_i32_0 = arith.constant 0 : i32
    %c0_i32_1 = arith.constant 0 : i32
    return %c0_i32, %c0_i32_0 : i32, i32
  }
  func.func @transform_2(%arg0: i32) -> (i32, i32) {
    %c0_i32 = arith.constant 0 : i32
    %c0_i32_0 = arith.constant 0 : i32
    return %arg0, %c0_i32 : i32, i32
  }
  func.func @transform_3(%arg0: i32) -> (i32, i32) {
    %c0_i32 = arith.constant 0 : i32
    %c0_i32_0 = arith.constant 0 : i32
    return %arg0, %c0_i32 : i32, i32
  }
  func.func @transform_4(%arg0: i32) -> (i32, i32) {
    %c0_i32 = arith.constant 0 : i32
    %c0_i32_0 = arith.constant 0 : i32
    return %arg0, %c0_i32 : i32, i32
  }
  func.func @transform_5(%arg0: i32) -> (i32, i32) {
    %c0_i32 = arith.constant 0 : i32
    %c0_i32_0 = arith.constant 0 : i32
    return %arg0, %c0_i32 : i32, i32
  }
}

module attributes {stable_mosaic.version = 14 : i64} {
  func.func @_comb1_body(%arg0: i32, %arg1: memref<1024x128xf32, #tpu.memory_space<vmem>>, %arg2: memref<1024x128xf32, #tpu.memory_space<vmem>>, %arg3: memref<1024x128xf32, #tpu.memory_space<vmem>>, %arg4: memref<1024x1xf32, #tpu.memory_space<vmem>>, %arg5: memref<128x256xf32, #tpu.memory_space<vmem>>, %arg6: memref<1x128xf32, #tpu.memory_space<vmem>>, %arg7: memref<1024x256xf32, #tpu.memory_space<vmem>>) attributes {dimension_semantics = [#tpu.dimension_semantics<arbitrary>], iteration_bounds = array<i64: 10>, scalar_prefetch = 0 : i64, scratch_operands = 0 : i64, tpu.core_type = #tpu.core_type<tc>, window_params = [{transform_indices = @transform_0, window_bounds = array<i64: 1024, 128>}, {transform_indices = @transform_1, window_bounds = array<i64: 1024, 128>}, {transform_indices = @transform_2, window_bounds = array<i64: 1024, 128>}, {transform_indices = @transform_3, window_bounds = array<i64: 1024, 1>}, {pipeline_mode = #tpu.pipeline_mode<synchronous>, transform_indices = @transform_4, window_bounds = array<i64: 128, 256>}, {pipeline_mode = #tpu.pipeline_mode<synchronous>, transform_indices = @transform_5, window_bounds = array<i64: 1, 128>}, {transform_indices = @transform_6, window_bounds = array<i64: 1024, 256>}]} {
    %get3A = arith.constant 0 : index
    %get3A_0 = arith.constant 0 : index
    %get3A_1 = vector.load %arg1[%get3A, %get3A_0] : memref<1024x128xf32, #tpu.memory_space<vmem>>, vector<1024x128xf32>
    %get3A_2 = arith.constant 0 : index
    %get3A_3 = arith.constant 0 : index
    %get3A_4 = vector.load %arg2[%get3A_2, %get3A_3] : memref<1024x128xf32, #tpu.memory_space<vmem>>, vector<1024x128xf32>
    %add3A = arith.addf %get3A_1, %get3A_4 : vector<1024x128xf32>
    %get3A_5 = arith.constant 0 : index
    %get3A_6 = arith.constant 0 : index
    %get3A_7 = vector.load %arg3[%get3A_5, %get3A_6] : memref<1024x128xf32, #tpu.memory_space<vmem>>, vector<1024x128xf32>
    %sub3A = arith.subf %add3A, %get3A_7 : vector<1024x128xf32>
    %get3A_8 = arith.constant 0 : index
    %get3A_9 = arith.constant 0 : index
    %get3A_10 = vector.load %arg4[%get3A_8, %get3A_9] : memref<1024x1xf32, #tpu.memory_space<vmem>>, vector<1024x1xf32>
    %mul3A = vector.broadcast %get3A_10 : vector<1024x1xf32> to vector<1024x128xf32>
    %mul3A_11 = arith.mulf %mul3A, %sub3A : vector<1024x128xf32>
    %get3A_12 = arith.constant 0 : index
    %get3A_13 = arith.constant 0 : index
    %get3A_14 = vector.load %arg6[%get3A_12, %get3A_13] : memref<1x128xf32, #tpu.memory_space<vmem>>, vector<1x128xf32>
    %add3A_15 = vector.broadcast %get3A_14 : vector<1x128xf32> to vector<1024x128xf32>
    %add3A_16 = arith.addf %mul3A_11, %add3A_15 : vector<1024x128xf32>
    %max3A = arith.constant 0.000000e+00 : f32
    %max3A_17 = vector.broadcast %max3A : f32 to vector<1024x128xf32>
    %max3A_18 = arith.maximumf %add3A_16, %max3A_17 : vector<1024x128xf32>
    %get3A_19 = arith.constant 0 : index
    %get3A_20 = arith.constant 0 : index
    %get3A_21 = vector.load %arg4[%get3A_19, %get3A_20] : memref<1024x1xf32, #tpu.memory_space<vmem>>, vector<1024x1xf32>
    %get3A_22 = arith.constant 0 : index
    %get3A_23 = arith.constant 0 : index
    %get3A_24 = vector.load %arg5[%get3A_22, %get3A_23] : memref<128x256xf32, #tpu.memory_space<vmem>>, vector<128x256xf32>
    %dot_general3A = arith.constant dense<0.000000e+00> : vector<1024x256xf32>
    %dot_general3A_25 = tpu.matmul %max3A_18, %get3A_24, %dot_general3A {dimension_numbers = #tpu.dot_dimension_numbers<[1], [0], [0], [1], [0, 0, 1, 1], [], []>, transpose_lhs_hint = false} : vector<1024x128xf32>, vector<128x256xf32>, vector<1024x256xf32> -> vector<1024x256xf32>
    %mul3A_26 = vector.broadcast %get3A_21 : vector<1024x1xf32> to vector<1024x256xf32>
    %mul3A_27 = arith.mulf %mul3A_26, %dot_general3A_25 : vector<1024x256xf32>
    %swap3A = arith.constant 0 : index
    %swap3A_28 = arith.constant 0 : index
    %swap3A_29 = vector.load %arg7[%swap3A, %swap3A_28] : memref<1024x256xf32, #tpu.memory_space<vmem>>, vector<1024x256xf32>
    tpu.vector_store %arg7[%swap3A, %swap3A_28], %mul3A_27 {strides = array<i32>} : memref<1024x256xf32, #tpu.memory_space<vmem>>, vector<1024x256xf32>,
    return
  }
  func.func @transform_0(%arg0: i32) -> (i32, i32) {
    %c0_i32 = arith.constant 0 : i32
    %c0_i32_0 = arith.constant 0 : i32
    return %arg0, %c0_i32 : i32, i32
  }
  func.func @transform_1(%arg0: i32) -> (i32, i32) {
    %c0_i32 = arith.constant 0 : i32
    %c0_i32_0 = arith.constant 0 : i32
    return %arg0, %c0_i32 : i32, i32
  }
  func.func @transform_2(%arg0: i32) -> (i32, i32) {
    %c0_i32 = arith.constant 0 : i32
    %c0_i32_0 = arith.constant 0 : i32
    return %arg0, %c0_i32 : i32, i32
  }
  func.func @transform_3(%arg0: i32) -> (i32, i32) {
    %c0_i32 = arith.constant 0 : i32
    %c0_i32_0 = arith.constant 0 : i32
    return %arg0, %c0_i32 : i32, i32
  }
  func.func @transform_4(%arg0: i32) -> (i32, i32) {
    %c0_i32 = arith.constant 0 : i32
    %c0_i32_0 = arith.constant 0 : i32
    %c0_i32_1 = arith.constant 0 : i32
    return %c0_i32, %c0_i32_0 : i32, i32
  }
  func.func @transform_5(%arg0: i32) -> (i32, i32) {
    %c0_i32 = arith.constant 0 : i32
    %c0_i32_0 = arith.constant 0 : i32
    %c0_i32_1 = arith.constant 0 : i32
    return %c0_i32, %c0_i32_0 : i32, i32
  }
  func.func @transform_6(%arg0: i32) -> (i32, i32) {
    %c0_i32 = arith.constant 0 : i32
    %c0_i32_0 = arith.constant 0 : i32
    return %arg0, %c0_i32 : i32, i32
  }
}

module attributes {stable_mosaic.version = 14 : i64} {
  func.func @_comb2_body(%arg0: i32, %arg1: memref<1024x128xf32, #tpu.memory_space<vmem>>, %arg2: memref<1024x128xf32, #tpu.memory_space<vmem>>, %arg3: memref<1024x1xf32, #tpu.memory_space<vmem>>, %arg4: memref<256x128xf32, #tpu.memory_space<vmem>>, %arg5: memref<1x256xf32, #tpu.memory_space<vmem>>, %arg6: memref<1024x128xf32, #tpu.memory_space<vmem>>) attributes {dimension_semantics = [#tpu.dimension_semantics<arbitrary>], iteration_bounds = array<i64: 10>, scalar_prefetch = 0 : i64, scratch_operands = 0 : i64, tpu.core_type = #tpu.core_type<tc>, window_params = [{transform_indices = @transform_0, window_bounds = array<i64: 1024, 128>}, {transform_indices = @transform_1, window_bounds = array<i64: 1024, 128>}, {transform_indices = @transform_2, window_bounds = array<i64: 1024, 1>}, {pipeline_mode = #tpu.pipeline_mode<synchronous>, transform_indices = @transform_3, window_bounds = array<i64: 256, 128>}, {pipeline_mode = #tpu.pipeline_mode<synchronous>, transform_indices = @transform_4, window_bounds = array<i64: 1, 256>}, {transform_indices = @transform_5, window_bounds = array<i64: 1024, 128>}]} {
    %get3A = arith.constant 0 : index
    %get3A_0 = arith.constant 0 : index
    %get3A_1 = vector.load %arg1[%get3A, %get3A_0] : memref<1024x128xf32, #tpu.memory_space<vmem>>, vector<1024x128xf32>
    %get3A_2 = arith.constant 0 : index
    %get3A_3 = arith.constant 0 : index
    %get3A_4 = vector.load %arg2[%get3A_2, %get3A_3] : memref<1024x128xf32, #tpu.memory_space<vmem>>, vector<1024x128xf32>
    %concatenate3A = tpu.concatenate %get3A_1, %get3A_4 in 1 : vector<1024x128xf32>, vector<1024x128xf32> -> vector<1024x256xf32>
    %get3A_5 = arith.constant 0 : index
    %get3A_6 = arith.constant 0 : index
    %get3A_7 = vector.load %arg3[%get3A_5, %get3A_6] : memref<1024x1xf32, #tpu.memory_space<vmem>>, vector<1024x1xf32>
    %mul3A = vector.broadcast %get3A_7 : vector<1024x1xf32> to vector<1024x256xf32>
    %mul3A_8 = arith.mulf %mul3A, %concatenate3A : vector<1024x256xf32>
    %get3A_9 = arith.constant 0 : index
    %get3A_10 = arith.constant 0 : index
    %get3A_11 = vector.load %arg5[%get3A_9, %get3A_10] : memref<1x256xf32, #tpu.memory_space<vmem>>, vector<1x256xf32>
    %add3A = vector.broadcast %get3A_11 : vector<1x256xf32> to vector<1024x256xf32>
    %add3A_12 = arith.addf %mul3A_8, %add3A : vector<1024x256xf32>
    %max3A = arith.constant 0.000000e+00 : f32
    %max3A_13 = vector.broadcast %max3A : f32 to vector<1024x256xf32>
    %max3A_14 = arith.maximumf %add3A_12, %max3A_13 : vector<1024x256xf32>
    %get3A_15 = arith.constant 0 : index
    %get3A_16 = arith.constant 0 : index
    %get3A_17 = vector.load %arg3[%get3A_15, %get3A_16] : memref<1024x1xf32, #tpu.memory_space<vmem>>, vector<1024x1xf32>
    %get3A_18 = arith.constant 0 : index
    %get3A_19 = arith.constant 0 : index
    %get3A_20 = vector.load %arg4[%get3A_18, %get3A_19] : memref<256x128xf32, #tpu.memory_space<vmem>>, vector<256x128xf32>
    %dot_general3A = arith.constant dense<0.000000e+00> : vector<1024x128xf32>
    %dot_general3A_21 = tpu.matmul %max3A_14, %get3A_20, %dot_general3A {dimension_numbers = #tpu.dot_dimension_numbers<[1], [0], [0], [1], [0, 0, 1, 1], [], []>, transpose_lhs_hint = false} : vector<1024x256xf32>, vector<256x128xf32>, vector<1024x128xf32> -> vector<1024x128xf32>
    %mul3A_22 = vector.broadcast %get3A_17 : vector<1024x1xf32> to vector<1024x128xf32>
    %mul3A_23 = arith.mulf %mul3A_22, %dot_general3A_21 : vector<1024x128xf32>
    %swap3A = arith.constant 0 : index
    %swap3A_24 = arith.constant 0 : index
    %swap3A_25 = vector.load %arg6[%swap3A, %swap3A_24] : memref<1024x128xf32, #tpu.memory_space<vmem>>, vector<1024x128xf32>
    tpu.vector_store %arg6[%swap3A, %swap3A_24], %mul3A_23 {strides = array<i32>} : memref<1024x128xf32, #tpu.memory_space<vmem>>, vector<1024x128xf32>,
    return
  }
  func.func @transform_0(%arg0: i32) -> (i32, i32) {
    %c0_i32 = arith.constant 0 : i32
    %c0_i32_0 = arith.constant 0 : i32
    return %arg0, %c0_i32 : i32, i32
  }
  func.func @transform_1(%arg0: i32) -> (i32, i32) {
    %c0_i32 = arith.constant 0 : i32
    %c0_i32_0 = arith.constant 0 : i32
    return %arg0, %c0_i32 : i32, i32
  }
  func.func @transform_2(%arg0: i32) -> (i32, i32) {
    %c0_i32 = arith.constant 0 : i32
    %c0_i32_0 = arith.constant 0 : i32
    return %arg0, %c0_i32 : i32, i32
  }
  func.func @transform_3(%arg0: i32) -> (i32, i32) {
    %c0_i32 = arith.constant 0 : i32
    %c0_i32_0 = arith.constant 0 : i32
    %c0_i32_1 = arith.constant 0 : i32
    return %c0_i32, %c0_i32_0 : i32, i32
  }
  func.func @transform_4(%arg0: i32) -> (i32, i32) {
    %c0_i32 = arith.constant 0 : i32
    %c0_i32_0 = arith.constant 0 : i32
    %c0_i32_1 = arith.constant 0 : i32
    return %c0_i32, %c0_i32_0 : i32, i32
  }
  func.func @transform_5(%arg0: i32) -> (i32, i32) {
    %c0_i32 = arith.constant 0 : i32
    %c0_i32_0 = arith.constant 0 : i32
    return %arg0, %c0_i32 : i32, i32
  }
}

module attributes {stable_mosaic.version = 14 : i64} {
  func.func @_final_body(%arg0: i32, %arg1: memref<1000x128xf32, #tpu.memory_space<vmem>>, %arg2: memref<1000x128xf32, #tpu.memory_space<vmem>>, %arg3: memref<1000x128xf32, #tpu.memory_space<vmem>>, %arg4: memref<1000x1xf32, #tpu.memory_space<vmem>>, %arg5: memref<1x128xf32, #tpu.memory_space<vmem>>, %arg6: memref<1000x128xf32, #tpu.memory_space<vmem>>) attributes {dimension_semantics = [#tpu.dimension_semantics<arbitrary>], iteration_bounds = array<i64: 10>, scalar_prefetch = 0 : i64, scratch_operands = 0 : i64, tpu.core_type = #tpu.core_type<tc>, window_params = [{transform_indices = @transform_0, window_bounds = array<i64: 1000, 128>}, {transform_indices = @transform_1, window_bounds = array<i64: 1000, 128>}, {transform_indices = @transform_2, window_bounds = array<i64: 1000, 128>}, {transform_indices = @transform_3, window_bounds = array<i64: 1000, 1>}, {pipeline_mode = #tpu.pipeline_mode<synchronous>, transform_indices = @transform_4, window_bounds = array<i64: 1, 128>}, {transform_indices = @transform_5, window_bounds = array<i64: 1000, 128>}]} {
    %get3A = arith.constant 0 : index
    %get3A_0 = arith.constant 0 : index
    %get3A_1 = vector.load %arg4[%get3A, %get3A_0] : memref<1000x1xf32, #tpu.memory_space<vmem>>, vector<1000x1xf32>
    %get3A_2 = arith.constant 0 : index
    %get3A_3 = arith.constant 0 : index
    %get3A_4 = vector.load %arg1[%get3A_2, %get3A_3] : memref<1000x128xf32, #tpu.memory_space<vmem>>, vector<1000x128xf32>
    %get3A_5 = arith.constant 0 : index
    %get3A_6 = arith.constant 0 : index
    %get3A_7 = vector.load %arg2[%get3A_5, %get3A_6] : memref<1000x128xf32, #tpu.memory_space<vmem>>, vector<1000x128xf32>
    %add3A = arith.addf %get3A_4, %get3A_7 : vector<1000x128xf32>
    %get3A_8 = arith.constant 0 : index
    %get3A_9 = arith.constant 0 : index
    %get3A_10 = vector.load %arg3[%get3A_8, %get3A_9] : memref<1000x128xf32, #tpu.memory_space<vmem>>, vector<1000x128xf32>
    %sub3A = arith.subf %add3A, %get3A_10 : vector<1000x128xf32>
    %mul3A = vector.broadcast %get3A_1 : vector<1000x1xf32> to vector<1000x128xf32>
    %mul3A_11 = arith.mulf %mul3A, %sub3A : vector<1000x128xf32>
    %get3A_12 = arith.constant 0 : index
    %get3A_13 = arith.constant 0 : index
    %get3A_14 = vector.load %arg5[%get3A_12, %get3A_13] : memref<1x128xf32, #tpu.memory_space<vmem>>, vector<1x128xf32>
    %add3A_15 = vector.broadcast %get3A_14 : vector<1x128xf32> to vector<1000x128xf32>
    %add3A_16 = arith.addf %mul3A_11, %add3A_15 : vector<1000x128xf32>
    %swap3A = arith.constant 0 : index
    %swap3A_17 = arith.constant 0 : index
    %swap3A_18 = vector.load %arg6[%swap3A, %swap3A_17] : memref<1000x128xf32, #tpu.memory_space<vmem>>, vector<1000x128xf32>
    tpu.vector_store %arg6[%swap3A, %swap3A_17], %add3A_16 {strides = array<i32>} : memref<1000x128xf32, #tpu.memory_space<vmem>>, vector<1000x128xf32>,
    return
  }
  func.func @transform_0(%arg0: i32) -> (i32, i32) {
    %c0_i32 = arith.constant 0 : i32
    %c0_i32_0 = arith.constant 0 : i32
    return %arg0, %c0_i32 : i32, i32
  }
  func.func @transform_1(%arg0: i32) -> (i32, i32) {
    %c0_i32 = arith.constant 0 : i32
    %c0_i32_0 = arith.constant 0 : i32
    return %arg0, %c0_i32 : i32, i32
  }
  func.func @transform_2(%arg0: i32) -> (i32, i32) {
    %c0_i32 = arith.constant 0 : i32
    %c0_i32_0 = arith.constant 0 : i32
    return %arg0, %c0_i32 : i32, i32
  }
  func.func @transform_3(%arg0: i32) -> (i32, i32) {
    %c0_i32 = arith.constant 0 : i32
    %c0_i32_0 = arith.constant 0 : i32
    return %arg0, %c0_i32 : i32, i32
  }
  func.func @transform_4(%arg0: i32) -> (i32, i32) {
    %c0_i32 = arith.constant 0 : i32
    %c0_i32_0 = arith.constant 0 : i32
    %c0_i32_1 = arith.constant 0 : i32
    return %c0_i32, %c0_i32_0 : i32, i32
  }
  func.func @transform_5(%arg0: i32) -> (i32, i32) {
    %c0_i32 = arith.constant 0 : i32
    %c0_i32_0 = arith.constant 0 : i32
    return %arg0, %c0_i32 : i32, i32
  }
}

</mosaic_0001>

<sc_bundles>
// kernel: kernel.10.cloned.1.call-start
scs
__scs_entry_jumppad:
0x0: {  	(pc) =	sbr.rel $0x88, $3  }
0x1: {  	(tag) =	ssettag $0x0;
	lr =	simm.s32 $0x1  }
0x2: {  	[smem:$0x3F99] =	sst lr;
	_ =	strace $0xD0000000  }
0x3: {  	_ = 	snop  }
0x4: {  	_ = 	snop  }
0x5: {  	_ = 	snop  }
0x6: {  	_ = 	snop  }
0x7: {  	_ = 	snop  }
__scs_overlays_trampoline_lowered:
0x8: {  	[smem:$0x3FA8] =	sst s0  }
0x9: {  	[smem:$0x3FA9] =	sst s1  }
0xa: {  	[smem:$0x3FAA] =	sst s2  }
0xb: {  	[smem:$0x3FAB] =	sst s3  }
0xc: {  	[smem:$0x3FAC] =	sst s4  }
0xd: {  	[smem:$0x3FAD] =	sst s5  }
0xe: {  	[smem:$0x3FAE] =	sst s6  }
0xf: {  	[smem:$0x3FAF] =	sst s7  }
0x10: {  	[smem:$0x3FB0] =	sst s8  }
0x11: {  	[smem:$0x3FB1] =	sst s9;
	s0 =	simm.s32 @!p0 $0x0  }
0x12: {  	s1 =	sld [smem:$0x3F97];
	s0 =	simm.s32 @p0 $0x1  }
0x13: {  	[smem:$0x3FB2] =	sst s0;
	s0 =	simm.s32 @!p1 $0x0  }
0x14: {  	s2 =	sld [smem:$0x3F96];
	s0 =	simm.s32 @p1 $0x1  }
0x15: {  	[smem:$0x3FB3] =	sst s0;
	s0 =	simm.s32 @!p2 $0x0  }
0x16: {  	s3 =	sld [smem:$0x3FDB];
	s0 =	simm.s32 @p2 $0x1  }
0x17: {  	s4 =	simm.s32 $0x1BF5;
	[smem:$0x3FB5] =	sst s0  }
0x18: {  	s0 =	sld [smem:$0x3F98];
	_ =	swait.ge [sflag:s4], $0x0  }
0x19: {  	s7 =	sld [smem:$0x3F99]  }
0x1a: {  	s8 =	sadd.s32 $0xFFFFE003, lr  }
0x1b: {  	s9 =	sadd.s32 $0xFFFFFEF7, lr;
	s5 =	simm.s32 $0xFFFFFFFF;
	p2 =	slt.u32 s8, $0xFFFFF086  }
0x1c: {  	p1 =	slt.u32 s9, $0xF7A;
	s5 =	simm.s32 @!p2 $0x0  }
0x1d: {  	s5 =	simm.s32 @p1 $0x1;
	p0 =	seq.s32 s7, s2  }
0x1e: {  	s7 =	smul.u32 @!p0 $0xF7A, s2;
	p2 =	seq.s32 @!p0 s5, $0x0  }
0x1f: {  	s9 =	smul.u32 $0xF7A, s1;
	s8 =	simm.s32 @!p0 $0x1BF5;
	p2 =	por !p2, p0  }
0x20: {  	[sflag:s8] =	ssyncset.s32 @!p0 $0xFFFFF086;
	s6 =	sadd.s32 @!p0 s3, s7;
	s7 =	simm.s32 @!p0 $0x108  }
0x21: {  	s3 =	sadd.s32 s3, s9;
	s6 =	sadd.s32 @!p0 $0x88, s6;
	s7 =	simm.s32 @p2 $0x1082  }
0x22: {  	[simem:s7], [sflag:s8] =	dma.local @!p0 [hbm:s6], $0xF7A  }
0x23: {  	s9 =	sor.u32 $0xD0000000, s2;
	s6 =	simm.s32 $0x108;
	_ =	swait.ge @!p0 [sflag:s8], $0x0  }
0x24: {  	s3 =	sadd.s32 $0x88, s3;
	s6 =	simm.s32 @!p1 $0x1082;
	[sflag:s4] =	ssyncset.s32 $0xFFFFF086  }
0x25: {  	[simem:s6], [sflag:s4] =	dma.local [hbm:s3], $0xF7A  }
0x26: {  	[smem:$0x3F99] =	sst s1;
	(tag) =	ssettag s2;
	_ =	strace s9  }
0x27: {  	s1 =	sld [smem:$0x3FA9]  }
0x28: {  	s2 =	sld [smem:$0x3FAA]  }
0x29: {  	s4 =	sld [smem:$0x3FAC]  }
0x2a: {  	p0 =	seq.s32 s5, $0x0;
	s5 =	sld [smem:$0x3FAD]  }
0x2b: {  	s6 =	sld [smem:$0x3FAE]  }
0x2c: {  	s7 =	sld [smem:$0x3FAF]  }
0x2d: {  	s3 =	simm.s32 $0x108;
	s8 =	sld [smem:$0x3FB0]  }
0x2e: {  	s3 =	simm.s32 @!p0 $0x1082;
	s9 =	sld [smem:$0x3FB1]  }
0x2f: {  	lr =	sadd.s32 s0, s3;
	s0 =	sld [smem:$0x3FA8]  }
0x30: {  	s3 =	sld [smem:$0x3FAB]  }
0x31: {  	[smem:$0x3FB4] =	sst s10  }
0x32: {  	s10 =	sld [smem:$0x3FB2];
	_ =	sdelay $0x3  }
0x33: {  	p0 =	seq.s32 s10, $0x1;
	s10 =	sld [smem:$0x3FB4];
	_ =	sdelay $0x3  }
0x34: {  	[smem:$0x3FB4] =	sst s10  }
0x35: {  	s10 =	sld [smem:$0x3FB3];
	_ =	sdelay $0x3  }
0x36: {  	p1 =	seq.s32 s10, $0x1;
	s10 =	sld [smem:$0x3FB4];
	_ =	sdelay $0x3  }
0x37: {  	[smem:$0x3FB4] =	sst s10  }
0x38: {  	s10 =	sld [smem:$0x3FB5]  }
0x39: {  	_ = 	snop;
	(pc) =	sbr.ind lr, $3  }
0x3a: {  	_ = 	snop  }
0x3b: {  	_ = 	snop  }
0x3c: {  	p2 =	seq.s32 s10, $0x1;
	s10 =	sld [smem:$0x3FB4]  }
0x3d: {  	_ =	shalt  }
0x3e: {  	_ =	shalt  }
0x3f: {  	_ =	shalt  }
0x40: {  	_ =	shalt  }
0x41: {  	_ =	shalt  }
0x42: {  	_ =	shalt  }
0x43: {  	_ =	shalt  }
0x44: {  	_ =	shalt  }
0x45: {  	_ =	shalt  }
0x46: {  	_ =	shalt  }
0x47: {  	_ =	shalt  }
0x48: {  	_ =	shalt  }
0x49: {  	_ =	shalt  }
0x4a: {  	_ =	shalt  }
0x4b: {  	_ =	shalt  }
0x4c: {  	_ =	shalt  }
0x4d: {  	_ =	shalt  }
0x4e: {  	_ =	shalt  }
0x4f: {  	_ =	shalt  }
0x50: {  	_ =	shalt  }
0x51: {  	_ =	shalt  }
0x52: {  	_ =	shalt  }
0x53: {  	_ =	shalt  }
0x54: {  	_ =	shalt  }
0x55: {  	_ =	shalt  }
0x56: {  	_ =	shalt  }
0x57: {  	_ =	shalt  }
0x58: {  	_ =	shalt  }
0x59: {  	_ =	shalt  }
0x5a: {  	_ =	shalt  }
0x5b: {  	_ =	shalt  }
0x5c: {  	_ =	shalt  }
0x5d: {  	_ =	shalt  }
0x5e: {  	_ =	shalt  }
0x5f: {  	_ =	shalt  }
0x60: {  	_ =	shalt  }
0x61: {  	_ =	shalt  }
0x62: {  	_ =	shalt  }
0x63: {  	_ =	shalt  }
0x64: {  	_ =	shalt  }
0x65: {  	_ =	shalt  }
0x66: {  	_ =	shalt  }
0x67: {  	_ =	shalt  }
0x68: {  	_ =	shalt  }
0x69: {  	_ =	shalt  }
0x6a: {  	_ =	shalt  }
0x6b: {  	_ =	shalt  }
0x6c: {  	_ =	shalt  }
0x6d: {  	_ =	shalt  }
0x6e: {  	_ =	shalt  }
0x6f: {  	_ =	shalt  }
0x70: {  	_ =	shalt  }
0x71: {  	_ =	shalt  }
0x72: {  	_ =	shalt  }
0x73: {  	_ =	shalt  }
0x74: {  	_ =	shalt  }
0x75: {  	_ =	shalt  }
0x76: {  	_ =	shalt  }
0x77: {  	_ =	shalt  }
0x78: {  	_ =	shalt  }
0x79: {  	_ =	shalt  }
0x7a: {  	_ =	shalt  }
0x7b: {  	_ =	shalt  }
0x7c: {  	_ =	shalt  }
0x7d: {  	_ =	shalt  }
0x7e: {  	_ =	shalt  }
0x7f: {  	_ =	shalt  }
0x80: {  	_ =	shalt  }
0x81: {  	_ =	shalt  }
0x82: {  	_ =	shalt  }
0x83: {  	_ =	shalt  }
0x84: {  	_ =	shalt  }
0x85: {  	_ =	shalt  }
0x86: {  	_ =	shalt  }
0x87: {  	_ =	shalt  }
.Lfunc_end0:
.L_simem_size_0:
called_computation_lowered:
.L_overlay_start_0:
0x88: {  	s2 =	sld [smem:$0x3FD9]  }
0x89: {  	s3 =	sld [smem:$0x3FFE];
	_ =	sdelay $0x1  }
0x8a: {  	s1 =	srdreg.scid  }
0x8b: {  	s0 =	sand.u32 $0x1, s1  }
0x8c: {  	s17 =	sshll.u32 s0, $0xA;
	s2 =	sadd.s32 s3, s2  }
0x8d: {  	s2 =	sadd.s32 s2, s17  }
0x8e: {  	[smem:$0x3FC0] =	sst s2  }
0x8f: {  	_ = 	snop  }
0x90: {  	s2 =	sld [smem:$0x3FD0];
	(tm) =	ssettm $0x1  }
0x91: {  	s18 =	sld [smem:$0x3FFB];
	_ =	sdelay $0x3  }
0x92: {  	_ =	strace s18  }
0x93: {  	s3 =	sld [smem:$0x3FFC];
	_ =	sdelay $0x3  }
0x94: {  	_ =	strace s3  }
0x95: {  	s3 =	sld [smem:$0x3FFD];
	_ =	sdelay $0x3  }
0x96: {  	_ =	strace s3  }
0x97: {  	_ =	strace $0x8FFFFFFF  }
0x98: {  	s19 =	sld [smem:$0x3FDB];
	_ =	sdelay $0x1  }
0x99: {  	s4 =	simm.s32 $_scs_section_size  }
0x9a: {  	s5 =	simm.s32 $_size__tile_overlayer_lowered;
	s6 =	simm.s32 $_tile_overlayer_lowered  }
0x9b: {  	s22 =	simm.s32 $0x1BFF;
	s21 =	sshll.u32 s6, $0x1;
	s3 =	sadd.s32 s4, s19  }
0x9c: {  	s7 =	simm.s32 $0x0;
	s20 =	sshll.u32 s5, $0x1;
	s5 =	sadd.s32 s21, s3  }
0x9d: {  	[timem:s7], [sflag:s22] =	dma.local [hbm:s5], s20  }
0x9e: {  	_ =	swait.ge [sflag:s22], s20  }
0x9f: {  	s4 =	ssub.s32 $0x0, s20;
	[sflag:s22] =	ssyncset.done $0x0  }
0xa0: {  	[sflag:s22] =	ssyncadd.s32 s4;
	_ =	sdelay $0x1  }
0xa1: {  	s23 =	simm.s32 $0x1B8B  }
0xa2: {  	_ =	swait.ge [sflag:s23], $0x1  }
0xa3: {  	[sflag:s23] =	ssyncset.done $0x0  }
0xa4: {  	s25 =	simm.s32 $0x1B8E;
	s24 =	sld [smem:$0x3FFE];
	[sflag:s23] =	ssyncadd.s32 $0xFFFFFFFF  }
0xa5: {  	s26 =	simm.s32 $execute0_lowered;
	[smem:$0x3FD2] =	sst s25  }
0xa6: {  	s5 =	sshll.u32 s26, $0x1;
	_ =	strace $0x80000046;
	[dreg:$0x1] =	wrdreg $0xFFFFFFFF  }
0xa7: {  	s28 =	simm.s32 $_size_execute0_lowered;
	s3 =	sadd.s32 s3, s5;
	[dreg:$0x0] =	wrdreg $0x0  }
0xa8: {  	s5 =	sshll.u32 s28, $0x1;
	[dreg:$0x2] =	wrdreg s3  }
0xa9: {  	[dreg:$0x3] =	wrdreg s5  }
0xaa: {  	[dreg:$0x4] =	wrdreg $0xC0  }
0xab: {  	_ =	task [dreg:s7], $0x5FFFF  }
0xac: {  	[dreg:$0x1] =	wrdreg $0xFFFFFFFF  }
0xad: {  	[dreg:$0x0] =	wrdreg $0x60  }
0xae: {  	[dreg:$0x2] =	wrdreg s2  }
0xaf: {  	[dreg:$0x3] =	wrdreg s24  }
0xb0: {  	[dreg:$0x4] =	wrdreg $0x0  }
0xb1: {  	[dreg:$0x5] =	wrdreg $0x9  }
0xb2: {  	_ =	task.clear_ibuf [dreg:s7], $0x6FFFF;
	_ =	strace $0x90000046  }
0xb3: {  	s29 =	simm.s32 $0x9;
	_ =	strace $0x80000048  }
0xb4: {  	_ =	swait.ge [sflag:s29], $0x1  }
0xb5: {  	[sflag:s29] =	ssyncadd.s32 $0xFFFFFFFF  }
0xb6: {  	_ =	strace $0x90000048  }
0xb7: {  	_ =	sfence  }
0xb8: {  	s30 =	sld [smem:$0x0];
	_ =	sdelay $0x2  }
0xb9: {  	s31 =	sshll.u32 s1, $0xD;
	s1 =	sshrl.u32 s1, $0x2  }
0xba: {  	s3 =	sand.u32 $0x4000, s31;
	s1 =	sadd.s32 s1, s30  }
0xbb: {  	s0 =	sor.u32 s3, s0;
	s1 =	sshll.u32 s1, $0x11  }
0xbc: {  	s0 =	sor.u32 s1, s0  }
0xbd: {  	s0 =	sadd.s32 $0x8F2B, s0  }
0xbe: {  	[sflag:s0] =	ssyncadd.remote.s32 $0x1  }
0xbf: {  	_ =	sfence.sel $0xFFFF  }
0xc0: {  	[dreg:$0x0] =	wrdreg $0xFFFFFFFF;
	(pc) =	sbr.abs _section_cstart, $3  }
0xc1: {  	[dreg:$0x1] =	wrdreg $0xFFFFFFFF  }
0xc2: {  	_ =	task.clear_ibuf [dreg:s7], $0x2FFFF;
	_ =	strace $0x9FFFFFFF  }
0xc3: {  	(tm) =	ssettm $0x7FFFFFFF  }
tec
execute0_lowered:
.L_overlay_start_1:
0x0: {  	(tag) =	ssettag $0x1  }
0x1: {  	s5 =	rddreg [dreg:$0x0]  }
0x2: {  	s6 =	rddreg [dreg:$0x1]  }
0x3: {  	s2 =	rddreg [dreg:$0x2]  }
0x4: {  	s0 =	rddreg [dreg:$0x3];
	s4 =	srdreg.scid  }
0x5: {  	s3 =	simm.s32 $0x0;
	s1 =	stileid.u32;
	s11 =	simm.s32 $0xE800  }
0x6: {  	s12 =	simm.s32 $0x500;
	s15 =	simm.s32 $0x0;
	s4 =	sand.u32 $0x1, s4  }
0x7: {  	[smem:$0x7FF] =	sst s3;
	s8 =	sshll.u32 s1, $0x1;
	s10 =	smul.u32 $0x280, s1  }
0x8: {  	s13 =	sshll.u32 s1, $0x6;
	s7 =	ssub.s32 $0x2, s4;
	_ =	strace $0x80000047  }
0x9: {  	s8 =	sor.u32 s4, s8;
	p0 =	seq.s32 s4, $0x1;
	s13 =	sor.u32 $0x1C01, s13  }
0xa: {  	s9 =	sshrl.u32 s7, $0x1;
	s8 =	smul.u32 $0x500, s8;
	s11 =	simm.s32 @!p0 $0xEE00  }
0xb: {  	s4 =	sadd.s32 s10, s2;
	s30 =	sshrl.u32 s10, $0x3;
	s10 =	simm.s32 $0x580  }
0xc: {  	s7 =	ssub.s32 s7, s9;
	s31 =	sadd.s32 s11, s6;
	s9 =	simm.s32 $0x1  }
0xd: {  	s11 =	simm.s32 $0x80;
	s14 =	sshrl.u32 s4, $0x3;
	s5 =	sadd.s32 s5, s8  }
0xe: {  	v0 =	vimm.f32 $0.0e+00;
	v1 =	vimm.f32 $1.000000000e+00;
	s6 =	smax.u32 s7, $0x1;
	s7 =	sadd.s32 s31, s30;
	s8 =	simm.s32 $0x280  }
.LBB2_1:
0xf: {  	[tilespmem:$0x280] =	vst v0  }
0x10: {  	[tilespmem:$0x290] =	vst v0  }
0x11: {  	[tilespmem:$0x2A0] =	vst v0  }
0x12: {  	[tilespmem:$0x2B0] =	vst v0  }
0x13: {  	[tilespmem:$0x2C0] =	vst v0  }
0x14: {  	[tilespmem:$0x2D0] =	vst v0  }
0x15: {  	[tilespmem:$0x2E0] =	vst v0  }
0x16: {  	[tilespmem:$0x2F0] =	vst v0  }
0x17: {  	[tilespmem:$0x300] =	vst v0  }
0x18: {  	[tilespmem:$0x310] =	vst v0  }
0x19: {  	[tilespmem:$0x320] =	vst v0  }
0x1a: {  	[tilespmem:$0x330] =	vst v0  }
0x1b: {  	[tilespmem:$0x340] =	vst v0  }
0x1c: {  	[tilespmem:$0x350] =	vst v0  }
0x1d: {  	[tilespmem:$0x360] =	vst v0  }
0x1e: {  	[tilespmem:$0x370] =	vst v0  }
0x1f: {  	[tilespmem:$0x380] =	vst v0  }
0x20: {  	[tilespmem:$0x390] =	vst v0  }
0x21: {  	[tilespmem:$0x3A0] =	vst v0  }
0x22: {  	[tilespmem:$0x3B0] =	vst v0  }
0x23: {  	[tilespmem:$0x3C0] =	vst v0  }
0x24: {  	[tilespmem:$0x3D0] =	vst v0  }
0x25: {  	[tilespmem:$0x3E0] =	vst v0  }
0x26: {  	[tilespmem:$0x3F0] =	vst v0  }
0x27: {  	[tilespmem:$0x400] =	vst v0  }
0x28: {  	[tilespmem:$0x410] =	vst v0  }
0x29: {  	[tilespmem:$0x420] =	vst v0  }
0x2a: {  	[tilespmem:$0x430] =	vst v0  }
0x2b: {  	[tilespmem:$0x440] =	vst v0  }
0x2c: {  	[tilespmem:$0x450] =	vst v0  }
0x2d: {  	[tilespmem:$0x460] =	vst v0  }
0x2e: {  	[tilespmem:$0x470] =	vst v0  }
0x2f: {  	[tilespmem:$0x480] =	vst v0  }
0x30: {  	[tilespmem:$0x490] =	vst v0  }
0x31: {  	[tilespmem:$0x4A0] =	vst v0  }
0x32: {  	[tilespmem:$0x4B0] =	vst v0  }
0x33: {  	[tilespmem:$0x4C0] =	vst v0  }
0x34: {  	[tilespmem:$0x4D0] =	vst v0  }
0x35: {  	[tilespmem:$0x4E0] =	vst v0  }
0x36: {  	[tilespmem:$0x4F0] =	vst v0  }
0x37: {  	[tilespmem:$0x500] =	vst v1  }
0x38: {  	[tilespmem:$0x510] =	vst v1  }
0x39: {  	[tilespmem:$0x520] =	vst v1  }
0x3a: {  	[tilespmem:$0x530] =	vst v1  }
0x3b: {  	[tilespmem:$0x540] =	vst v1  }
0x3c: {  	[tilespmem:$0x550] =	vst v1  }
0x3d: {  	[tilespmem:$0x560] =	vst v1  }
0x3e: {  	[tilespmem:$0x570] =	vst v1  }
0x3f: {  	[spmem:s4] =	stream.linear.scatter [tilespmem:s8], [sflag:$0x1], $0x280, $0x38;
	[tilespmem:$0x2D80] =	vst v63  }
0x40: {  	_ =	swait.ge [sflag:s9], $0x280  }
0x41: {  	[sflag:s9] =	ssyncset.done $0x0  }
0x42: {  	[sflag:s9] =	ssyncadd.s32 $0xFFFFFD80  }
0x43: {  	[bflag:$0x0] =	sbarrier.arrive $0xFFFF  }
0x44: {  	[tilespmem:s10], [sflag:$0x1] =	stream.linear.gather [hbm4b:s5+s3], $0x2800, $0x38;
	[tilespmem:$0x2D80] =	vst v63  }
0x45: {  	_ =	swait.ge [sflag:s9], $0x2800  }
0x46: {  	[sflag:s9] =	ssyncset.done $0x0  }
0x47: {  	s16 =	simm.s32 $0x580;
	[sflag:s9] =	ssyncadd.s32 $0xFFFFD800  }
0x48: {  	[spmem:s2] =	stream.indirect.scatter.add.f32 [tilespmem:s12], [sflag:$0x1], $0x1, s16, s11, $0xb8;
	[tilespmem:$0x2D80] =	vst v63  }
0x49: {  	s16 =	simm.s32 $0x200;
	_ =	swait.ge [sflag:s9], $0x80  }
.LBB2_2:
0x4a: {  	s17 =	sshra.s32 s16, $0x2;
	[sflag:s9] =	ssyncset.done $0x0;
	p0 =	sne.s32 s16, $0x9E00  }
.Ltmp0:
0x4b: {  	s17 =	sadd.s32 $0x580, s17;
	[sflag:s9] =	ssyncadd.s32 $0xFFFFFF80;
	(pc) =	sbr.rel @p0 .LBB2_2-.Ltmp0, $3  }
0x4c: {  	[spmem:s2] =	stream.indirect.scatter.add.f32 [tilespmem:s12], [sflag:$0x1], $0x1, s17, s11, $0xb8;
	[tilespmem:$0x2D80] =	vst v63  }
0x4d: {  	s16 =	sadd.s32 $0x200, s16;
	_ =	sdelay $0x1  }
0x4e: {  	_ =	swait.ge [sflag:s9], $0x80  }
0x4f: {  	[sflag:s9] =	ssyncset.done $0x0;
	s15 =	sadd.s32 $0x1, s15  }
0x50: {  	[sflag:s9] =	ssyncadd.s32 $0xFFFFFF80;
	p0 =	sne.s32 s15, s6  }
.Ltmp1:
0x51: {  	[bflag:$0x0] =	sbarrier.arrive $0xFFFF;
	(pc) =	sbr.rel @p0 .LBB2_1-.Ltmp1, $4  }
0x52: {  	[hbm:s7], [sflag:s13] =	dma.local [spmem:s14], $0x50  }
0x53: {  	_ =	swait.ge [sflag:s9], $0x50  }
0x54: {  	[sflag:s9] =	ssyncset.done $0x0  }
0x55: {  	[sflag:s9] =	ssyncadd.s32 $0xFFFFFFB0  }
0x56: {  	_ =	sfence.sel $0x180000  }
0x57: {  	[bflag:$0x0] =	sbarrier.arrive $0xFFFF  }
0x58: {  	p0 =	sne.s32 s1, $0x0;
	_ =	strace $0x90000047  }
0x59: {  	s0 =	sadd.s32 @!p0 $0x100000, s0;
	[bflag:$0x2] =	sbarrier.arrive $0xFFFF  }
0x5a: {  	[sflag:s0] =	ssyncadd.tile.s32 @!p0 $0x1;
	_ =	shalt  }
.Lfunc_end2:
_tile_overlayer_lowered:
.L_overlay_start_2:
0x5b: {  	(tag) =	ssettag $0x2  }
0x5c: {  	s0 =	rddreg [dreg:$0x0];
	s2 =	stileid.u32  }
0x5d: {  	s1 =	rddreg [dreg:$0x1];
	p0 =	sne.s32 s2, $0x0  }
0x5e: {  	s3 =	rddreg [dreg:$0x2];
	[bflag:$0x3] =	sbarrier.arrive $0xFFFF;
	s2 =	simm.s32 @!p0 $0x1C01  }
0x5f: {  	[timem:s3], [sflag:s2] =	dma.local @!p0 [hbm:s0], s1  }
0x60: {  	s0 =	simm.s32 @!p0 $0x1  }
0x61: {  	_ =	swait.ge @!p0 [sflag:s0], s1  }
0x62: {  	s1 =	ssub.s32 @!p0 $0x0, s1;
	[sflag:s0] =	ssyncset.done @!p0 $0x0  }
0x63: {  	[sflag:s0] =	ssyncadd.s32 @!p0 s1  }
0x64: {  	[bflag:$0x3] =	sbarrier.arrive $0xFFFF  }
0x65: {  	_ =	shalt  }

// kernel: kernel.13.cloned.1.call-start
scs
__scs_entry_jumppad:
0x0: {  	(pc) =	sbr.rel $0x88, $3  }
0x1: {  	(tag) =	ssettag $0x0;
	lr =	simm.s32 $0x1  }
0x2: {  	[smem:$0x3F99] =	sst lr;
	_ =	strace $0xD0000000  }
0x3: {  	_ = 	snop  }
0x4: {  	_ = 	snop  }
0x5: {  	_ = 	snop  }
0x6: {  	_ = 	snop  }
0x7: {  	_ = 	snop  }
__scs_overlays_trampoline_lowered:
0x8: {  	[smem:$0x3FA8] =	sst s0  }
0x9: {  	[smem:$0x3FA9] =	sst s1  }
0xa: {  	[smem:$0x3FAA] =	sst s2  }
0xb: {  	[smem:$0x3FAB] =	sst s3  }
0xc: {  	[smem:$0x3FAC] =	sst s4  }
0xd: {  	[smem:$0x3FAD] =	sst s5  }
0xe: {  	[smem:$0x3FAE] =	sst s6  }
0xf: {  	[smem:$0x3FAF] =	sst s7  }
0x10: {  	[smem:$0x3FB0] =	sst s8  }
0x11: {  	[smem:$0x3FB1] =	sst s9;
	s0 =	simm.s32 @!p0 $0x0  }
0x12: {  	s1 =	sld [smem:$0x3F97];
	s0 =	simm.s32 @p0 $0x1  }
0x13: {  	[smem:$0x3FB2] =	sst s0;
	s0 =	simm.s32 @!p1 $0x0  }
0x14: {  	s2 =	sld [smem:$0x3F96];
	s0 =	simm.s32 @p1 $0x1  }
0x15: {  	[smem:$0x3FB3] =	sst s0;
	s0 =	simm.s32 @!p2 $0x0  }
0x16: {  	s3 =	sld [smem:$0x3FDB];
	s0 =	simm.s32 @p2 $0x1  }
0x17: {  	s4 =	simm.s32 $0x1BF5;
	[smem:$0x3FB5] =	sst s0  }
0x18: {  	s0 =	sld [smem:$0x3F98];
	_ =	swait.ge [sflag:s4], $0x0  }
0x19: {  	s7 =	sld [smem:$0x3F99]  }
0x1a: {  	s8 =	sadd.s32 $0xFFFFE003, lr  }
0x1b: {  	s9 =	sadd.s32 $0xFFFFFEF7, lr;
	s5 =	simm.s32 $0xFFFFFFFF;
	p2 =	slt.u32 s8, $0xFFFFF086  }
0x1c: {  	p1 =	slt.u32 s9, $0xF7A;
	s5 =	simm.s32 @!p2 $0x0  }
0x1d: {  	s5 =	simm.s32 @p1 $0x1;
	p0 =	seq.s32 s7, s2  }
0x1e: {  	s7 =	smul.u32 @!p0 $0xF7A, s2;
	p2 =	seq.s32 @!p0 s5, $0x0  }
0x1f: {  	s9 =	smul.u32 $0xF7A, s1;
	s8 =	simm.s32 @!p0 $0x1BF5;
	p2 =	por !p2, p0  }
0x20: {  	[sflag:s8] =	ssyncset.s32 @!p0 $0xFFFFF086;
	s6 =	sadd.s32 @!p0 s3, s7;
	s7 =	simm.s32 @!p0 $0x108  }
0x21: {  	s3 =	sadd.s32 s3, s9;
	s6 =	sadd.s32 @!p0 $0x88, s6;
	s7 =	simm.s32 @p2 $0x1082  }
0x22: {  	[simem:s7], [sflag:s8] =	dma.local @!p0 [hbm:s6], $0xF7A  }
0x23: {  	s9 =	sor.u32 $0xD0000000, s2;
	s6 =	simm.s32 $0x108;
	_ =	swait.ge @!p0 [sflag:s8], $0x0  }
0x24: {  	s3 =	sadd.s32 $0x88, s3;
	s6 =	simm.s32 @!p1 $0x1082;
	[sflag:s4] =	ssyncset.s32 $0xFFFFF086  }
0x25: {  	[simem:s6], [sflag:s4] =	dma.local [hbm:s3], $0xF7A  }
0x26: {  	[smem:$0x3F99] =	sst s1;
	(tag) =	ssettag s2;
	_ =	strace s9  }
0x27: {  	s1 =	sld [smem:$0x3FA9]  }
0x28: {  	s2 =	sld [smem:$0x3FAA]  }
0x29: {  	s4 =	sld [smem:$0x3FAC]  }
0x2a: {  	p0 =	seq.s32 s5, $0x0;
	s5 =	sld [smem:$0x3FAD]  }
0x2b: {  	s6 =	sld [smem:$0x3FAE]  }
0x2c: {  	s7 =	sld [smem:$0x3FAF]  }
0x2d: {  	s3 =	simm.s32 $0x108;
	s8 =	sld [smem:$0x3FB0]  }
0x2e: {  	s3 =	simm.s32 @!p0 $0x1082;
	s9 =	sld [smem:$0x3FB1]  }
0x2f: {  	lr =	sadd.s32 s0, s3;
	s0 =	sld [smem:$0x3FA8]  }
0x30: {  	s3 =	sld [smem:$0x3FAB]  }
0x31: {  	[smem:$0x3FB4] =	sst s10  }
0x32: {  	s10 =	sld [smem:$0x3FB2];
	_ =	sdelay $0x3  }
0x33: {  	p0 =	seq.s32 s10, $0x1;
	s10 =	sld [smem:$0x3FB4];
	_ =	sdelay $0x3  }
0x34: {  	[smem:$0x3FB4] =	sst s10  }
0x35: {  	s10 =	sld [smem:$0x3FB3];
	_ =	sdelay $0x3  }
0x36: {  	p1 =	seq.s32 s10, $0x1;
	s10 =	sld [smem:$0x3FB4];
	_ =	sdelay $0x3  }
0x37: {  	[smem:$0x3FB4] =	sst s10  }
0x38: {  	s10 =	sld [smem:$0x3FB5]  }
0x39: {  	_ = 	snop;
	(pc) =	sbr.ind lr, $3  }
0x3a: {  	_ = 	snop  }
0x3b: {  	_ = 	snop  }
0x3c: {  	p2 =	seq.s32 s10, $0x1;
	s10 =	sld [smem:$0x3FB4]  }
0x3d: {  	_ =	shalt  }
0x3e: {  	_ =	shalt  }
0x3f: {  	_ =	shalt  }
0x40: {  	_ =	shalt  }
0x41: {  	_ =	shalt  }
0x42: {  	_ =	shalt  }
0x43: {  	_ =	shalt  }
0x44: {  	_ =	shalt  }
0x45: {  	_ =	shalt  }
0x46: {  	_ =	shalt  }
0x47: {  	_ =	shalt  }
0x48: {  	_ =	shalt  }
0x49: {  	_ =	shalt  }
0x4a: {  	_ =	shalt  }
0x4b: {  	_ =	shalt  }
0x4c: {  	_ =	shalt  }
0x4d: {  	_ =	shalt  }
0x4e: {  	_ =	shalt  }
0x4f: {  	_ =	shalt  }
0x50: {  	_ =	shalt  }
0x51: {  	_ =	shalt  }
0x52: {  	_ =	shalt  }
0x53: {  	_ =	shalt  }
0x54: {  	_ =	shalt  }
0x55: {  	_ =	shalt  }
0x56: {  	_ =	shalt  }
0x57: {  	_ =	shalt  }
0x58: {  	_ =	shalt  }
0x59: {  	_ =	shalt  }
0x5a: {  	_ =	shalt  }
0x5b: {  	_ =	shalt  }
0x5c: {  	_ =	shalt  }
0x5d: {  	_ =	shalt  }
0x5e: {  	_ =	shalt  }
0x5f: {  	_ =	shalt  }
0x60: {  	_ =	shalt  }
0x61: {  	_ =	shalt  }
0x62: {  	_ =	shalt  }
0x63: {  	_ =	shalt  }
0x64: {  	_ =	shalt  }
0x65: {  	_ =	shalt  }
0x66: {  	_ =	shalt  }
0x67: {  	_ =	shalt  }
0x68: {  	_ =	shalt  }
0x69: {  	_ =	shalt  }
0x6a: {  	_ =	shalt  }
0x6b: {  	_ =	shalt  }
0x6c: {  	_ =	shalt  }
0x6d: {  	_ =	shalt  }
0x6e: {  	_ =	shalt  }
0x6f: {  	_ =	shalt  }
0x70: {  	_ =	shalt  }
0x71: {  	_ =	shalt  }
0x72: {  	_ =	shalt  }
0x73: {  	_ =	shalt  }
0x74: {  	_ =	shalt  }
0x75: {  	_ =	shalt  }
0x76: {  	_ =	shalt  }
0x77: {  	_ =	shalt  }
0x78: {  	_ =	shalt  }
0x79: {  	_ =	shalt  }
0x7a: {  	_ =	shalt  }
0x7b: {  	_ =	shalt  }
0x7c: {  	_ =	shalt  }
0x7d: {  	_ =	shalt  }
0x7e: {  	_ =	shalt  }
0x7f: {  	_ =	shalt  }
0x80: {  	_ =	shalt  }
0x81: {  	_ =	shalt  }
0x82: {  	_ =	shalt  }
0x83: {  	_ =	shalt  }
0x84: {  	_ =	shalt  }
0x85: {  	_ =	shalt  }
0x86: {  	_ =	shalt  }
0x87: {  	_ =	shalt  }
.Lfunc_end0:
.L_simem_size_0:
called_computation.1_lowered:
.L_overlay_start_0:
0x88: {  	s2 =	sld [smem:$0x3FD9]  }
0x89: {  	s3 =	sld [smem:$0x3FFE];
	_ =	sdelay $0x1  }
0x8a: {  	s1 =	srdreg.scid  }
0x8b: {  	s0 =	sand.u32 $0x1, s1  }
0x8c: {  	s17 =	sshll.u32 s0, $0xA;
	s2 =	sadd.s32 s3, s2  }
0x8d: {  	s2 =	sadd.s32 s2, s17  }
0x8e: {  	[smem:$0x3FC0] =	sst s2  }
0x8f: {  	_ = 	snop  }
0x90: {  	s2 =	sld [smem:$0x3FD0];
	(tm) =	ssettm $0x1  }
0x91: {  	s18 =	sld [smem:$0x3FFB];
	_ =	sdelay $0x3  }
0x92: {  	_ =	strace s18  }
0x93: {  	s3 =	sld [smem:$0x3FFC];
	_ =	sdelay $0x3  }
0x94: {  	_ =	strace s3  }
0x95: {  	s3 =	sld [smem:$0x3FFD];
	_ =	sdelay $0x3  }
0x96: {  	_ =	strace s3  }
0x97: {  	_ =	strace $0x8FFFFFFF  }
0x98: {  	s19 =	sld [smem:$0x3FDB];
	_ =	sdelay $0x1  }
0x99: {  	s4 =	simm.s32 $_scs_section_size  }
0x9a: {  	s5 =	simm.s32 $_size__tile_overlayer_lowered;
	s6 =	simm.s32 $_tile_overlayer_lowered  }
0x9b: {  	s22 =	simm.s32 $0x1BFF;
	s21 =	sshll.u32 s6, $0x1;
	s3 =	sadd.s32 s4, s19  }
0x9c: {  	s7 =	simm.s32 $0x0;
	s20 =	sshll.u32 s5, $0x1;
	s5 =	sadd.s32 s21, s3  }
0x9d: {  	[timem:s7], [sflag:s22] =	dma.local [hbm:s5], s20  }
0x9e: {  	_ =	swait.ge [sflag:s22], s20  }
0x9f: {  	s4 =	ssub.s32 $0x0, s20;
	[sflag:s22] =	ssyncset.done $0x0  }
0xa0: {  	[sflag:s22] =	ssyncadd.s32 s4;
	_ =	sdelay $0x1  }
0xa1: {  	s23 =	simm.s32 $0x1B8B  }
0xa2: {  	_ =	swait.ge [sflag:s23], $0x1  }
0xa3: {  	[sflag:s23] =	ssyncset.done $0x0  }
0xa4: {  	s25 =	simm.s32 $0x1B8E;
	s24 =	sld [smem:$0x3FFE];
	[sflag:s23] =	ssyncadd.s32 $0xFFFFFFFF  }
0xa5: {  	s26 =	simm.s32 $execute0_lowered;
	[smem:$0x3FD2] =	sst s25  }
0xa6: {  	s5 =	sshll.u32 s26, $0x1;
	_ =	strace $0x80000049;
	[dreg:$0x1] =	wrdreg $0xFFFFFFFF  }
0xa7: {  	s28 =	simm.s32 $_size_execute0_lowered;
	s3 =	sadd.s32 s3, s5;
	[dreg:$0x0] =	wrdreg $0x0  }
0xa8: {  	s5 =	sshll.u32 s28, $0x1;
	[dreg:$0x2] =	wrdreg s3  }
0xa9: {  	[dreg:$0x3] =	wrdreg s5  }
0xaa: {  	[dreg:$0x4] =	wrdreg $0xC0  }
0xab: {  	_ =	task [dreg:s7], $0x5FFFF  }
0xac: {  	[dreg:$0x1] =	wrdreg $0xFFFFFFFF  }
0xad: {  	[dreg:$0x0] =	wrdreg $0x60  }
0xae: {  	[dreg:$0x2] =	wrdreg s24  }
0xaf: {  	[dreg:$0x3] =	wrdreg s2  }
0xb0: {  	[dreg:$0x4] =	wrdreg $0x0  }
0xb1: {  	[dreg:$0x5] =	wrdreg $0x9  }
0xb2: {  	_ =	task.clear_ibuf [dreg:s7], $0x6FFFF;
	_ =	strace $0x90000049  }
0xb3: {  	s29 =	simm.s32 $0x9;
	_ =	strace $0x8000004B  }
0xb4: {  	_ =	swait.ge [sflag:s29], $0x1  }
0xb5: {  	[sflag:s29] =	ssyncadd.s32 $0xFFFFFFFF  }
0xb6: {  	_ =	strace $0x9000004B  }
0xb7: {  	_ =	sfence  }
0xb8: {  	s30 =	sld [smem:$0x0];
	_ =	sdelay $0x2  }
0xb9: {  	s31 =	sshll.u32 s1, $0xD;
	s1 =	sshrl.u32 s1, $0x2  }
0xba: {  	s3 =	sand.u32 $0x4000, s31;
	s1 =	sadd.s32 s1, s30  }
0xbb: {  	s0 =	sor.u32 s3, s0;
	s1 =	sshll.u32 s1, $0x11  }
0xbc: {  	s0 =	sor.u32 s1, s0  }
0xbd: {  	s0 =	sadd.s32 $0x8F2B, s0  }
0xbe: {  	[sflag:s0] =	ssyncadd.remote.s32 $0x1  }
0xbf: {  	_ =	sfence.sel $0xFFFF  }
0xc0: {  	[dreg:$0x0] =	wrdreg $0xFFFFFFFF;
	(pc) =	sbr.abs _section_cstart, $3  }
0xc1: {  	[dreg:$0x1] =	wrdreg $0xFFFFFFFF  }
0xc2: {  	_ =	task.clear_ibuf [dreg:s7], $0x2FFFF;
	_ =	strace $0x9FFFFFFF  }
0xc3: {  	(tm) =	ssettm $0x7FFFFFFF  }
tec
execute0_lowered:
.L_overlay_start_1:
0x0: {  	(tag) =	ssettag $0x1  }
0x1: {  	s11 =	rddreg [dreg:$0x0]  }
0x2: {  	s12 =	rddreg [dreg:$0x1]  }
0x3: {  	s1 =	rddreg [dreg:$0x2];
	s2 =	srdreg.scid  }
0x4: {  	s0 =	rddreg [dreg:$0x3];
	s3 =	simm.s32 $0x0;
	s16 =	simm.s32 $0x5E800  }
0x5: {  	s18 =	simm.s32 $0x16800;
	s19 =	simm.s32 $0x1;
	s20 =	simm.s32 $0x1A800  }
0x6: {  	s21 =	simm.s32 $0x2;
	s22 =	simm.s32 $0x15380;
	s23 =	simm.s32 $0x16700  }
0x7: {  	s24 =	simm.s32 $0x16780;
	s25 =	simm.s32 $0x0;
	s7 =	sand.u32 $0x1, s2  }
0x8: {  	[smem:$0x7FF] =	sst s3;
	s2 =	stileid.u32;
	s4 =	sadd.s32 $0xE800, s11  }
0x9: {  	s10 =	sadd.s32 $0x4800, s11;
	s5 =	ssub.s32 $0x2, s7;
	s8 =	smul.u32 $0x50000, s2  }
0xa: {  	_ =	strace $0x8000004A;
	s26 =	sshll.u32 s2, $0x1;
	s13 =	smul.u32 $0x2800, s2  }
0xb: {  	s30 =	sshll.u32 s2, $0x6;
	p0 =	seq.s32 s7, $0x1;
	s6 =	sshrl.u32 s5, $0x1  }
0xc: {  	s29 =	sor.u32 s7, s26;
	s16 =	simm.s32 @!p0 $0x36800;
	s9 =	ssub.s32 s5, s6  }
0xd: {  	s28 =	sshrl.u32 s8, $0x2;
	s5 =	sadd.s32 s4, s13;
	s15 =	smul.u32 $0x500, s29  }
0xe: {  	s6 =	sor.u32 $0x1C03, s30;
	s31 =	sadd.s32 s16, s11;
	s16 =	simm.s32 $0x15400  }
0xf: {  	s14 =	sadd.s32 s28, s1;
	s7 =	smax.u32 s9, $0x1;
	s8 =	sadd.s32 s10, s15  }
0x10: {  	s17 =	sadd.s32 $0x280, s15;
	s9 =	sadd.s32 s12, s15;
	s15 =	simm.s32 $0x14000  }
0x11: {  	s10 =	sadd.s32 s10, s17;
	s11 =	sadd.s32 s12, s17;
	s12 =	sadd.s32 s31, s13  }
0x12: {  	s13 =	sshrl.u32 s14, $0x3;
	s14 =	simm.s32 $0x3;
	s17 =	simm.s32 $0x80  }
.LBB2_1:
0x13: {  	[spmem:s13], [sflag:s6] =	dma.local [hbm:s5], $0x2800  }
0x14: {  	_ =	swait.ge [sflag:s14], $0x2800  }
0x15: {  	[sflag:s14] =	ssyncset.done $0x0  }
0x16: {  	[sflag:s14] =	ssyncadd.s32 $0xFFFFD800  }
0x17: {  	[bflag:$0x0] =	sbarrier.arrive $0xFFFF  }
0x18: {  	[tilespmem:s15], [sflag:$0x3] =	stream.linear.gather [hbm4b:s8+s3], $0x1400, $0x38;
	[tilespmem:$0x1E800] =	vst v63  }
0x19: {  	_ =	swait.ge [sflag:s14], $0x1400  }
0x1a: {  	[sflag:s14] =	ssyncset.done $0x0  }
0x1b: {  	[sflag:s14] =	ssyncadd.s32 $0xFFFFEC00  }
0x1c: {  	[tilespmem:s16], [sflag:$0x3] =	stream.linear.gather [hbm4b:s9+s3], $0x1400, $0x38;
	[tilespmem:$0x1E800] =	vst v63  }
0x1d: {  	_ =	swait.ge [sflag:s14], $0x1400  }
0x1e: {  	[sflag:s14] =	ssyncset.done $0x0  }
0x1f: {  	[sflag:s14] =	ssyncadd.s32 $0xFFFFEC00  }
0x20: {  	[tilespmem:s18], [sflag:$0x1] =	stream.indirect.gather [hbm4b:s4+s17], $0x80, s15, s17, $0xb8;
	[tilespmem:$0x1E800] =	vst v63  }
0x21: {  	_ =	swait.ge [sflag:s19], $0x4000  }
0x22: {  	[sflag:s19] =	ssyncset.done $0x0  }
0x23: {  	s26 =	simm.s32 $0x14080;
	[sflag:s19] =	ssyncadd.s32 $0xFFFFC000  }
0x24: {  	[tilespmem:s20], [sflag:$0x2] =	stream.indirect.gather [hbm4b:s4+s17], $0x80, s26, s17, $0xb8;
	[tilespmem:$0x1E800] =	vst v63  }
0x25: {  	s29 =	simm.s32 $0x15400  }
0x26: {  	[spmem:s1] =	stream.indirect.scatter.add.f32 [tilespmem:s18], [sflag:$0x3], $0x80, s29, s17, $0xb8;
	[tilespmem:$0x1E800] =	vst v63  }
0x27: {  	_ =	swait.ge [sflag:s14], $0x4000  }
0x28: {  	[sflag:s14] =	ssyncset.done $0x0  }
0x29: {  	[sflag:s14] =	ssyncadd.s32 $0xFFFFC000  }
0x2a: {  	_ =	swait.ge [sflag:s21], $0x4000  }
0x2b: {  	[sflag:s21] =	ssyncset.done $0x0  }
0x2c: {  	s30 =	simm.s32 $0x14100;
	[sflag:s21] =	ssyncadd.s32 $0xFFFFC000  }
0x2d: {  	[tilespmem:s18], [sflag:$0x1] =	stream.indirect.gather [hbm4b:s4+s17], $0x80, s30, s17, $0xb8;
	[tilespmem:$0x1E800] =	vst v63  }
0x2e: {  	s31 =	simm.s32 $0x15480  }
0x2f: {  	[spmem:s1] =	stream.indirect.scatter.add.f32 [tilespmem:s20], [sflag:$0x3], $0x80, s31, s17, $0xb8;
	[tilespmem:$0x1E800] =	vst v63  }
0x30: {  	_ =	swait.ge [sflag:s14], $0x4000  }
0x31: {  	s26 =	simm.s32 $0x400;
	[sflag:s14] =	ssyncset.done $0x0  }
.LBB2_2:
0x32: {  	p0 =	sne.s32 s26, $0x4800  }
0x33: {  	[sflag:s14] =	ssyncadd.s32 $0xFFFFC000;
	s28 =	smov.u32 s26;
	s26 =	sadd.s32 $0x400, s26  }
0x34: {  	_ = 	snop  }
0x35: {  	_ =	swait.ge [sflag:s19], $0x4000  }
0x36: {  	s28 =	sshra.s32 s28, $0x2;
	[sflag:s19] =	ssyncset.done $0x0  }
0x37: {  	s29 =	sadd.s32 $0x14080, s28;
	[sflag:s19] =	ssyncadd.s32 $0xFFFFC000  }
0x38: {  	[tilespmem:s20], [sflag:$0x2] =	stream.indirect.gather [hbm4b:s4+s17], $0x80, s29, s17, $0xb8;
	[tilespmem:$0x1E800] =	vst v63  }
0x39: {  	s29 =	sadd.s32 $0x15400, s28  }
0x3a: {  	[spmem:s1] =	stream.indirect.scatter.add.f32 [tilespmem:s18], [sflag:$0x3], $0x80, s29, s17, $0xb8;
	[tilespmem:$0x1E800] =	vst v63  }
0x3b: {  	_ =	swait.ge [sflag:s14], $0x4000  }
0x3c: {  	[sflag:s14] =	ssyncset.done $0x0  }
0x3d: {  	[sflag:s14] =	ssyncadd.s32 $0xFFFFC000  }
0x3e: {  	_ =	swait.ge [sflag:s21], $0x4000  }
0x3f: {  	[sflag:s21] =	ssyncset.done $0x0  }
0x40: {  	s29 =	sadd.s32 $0x14100, s28;
	[sflag:s21] =	ssyncadd.s32 $0xFFFFC000  }
0x41: {  	[tilespmem:s18], [sflag:$0x1] =	stream.indirect.gather [hbm4b:s4+s17], $0x80, s29, s17, $0xb8;
	[tilespmem:$0x1E800] =	vst v63  }
.Ltmp0:
0x42: {  	_ = 	snop;
	(pc) =	sbr.rel @p0 .LBB2_2-.Ltmp0, $4  }
0x43: {  	s28 =	sadd.s32 $0x15480, s28  }
0x44: {  	[spmem:s1] =	stream.indirect.scatter.add.f32 [tilespmem:s20], [sflag:$0x3], $0x80, s28, s17, $0xb8;
	[tilespmem:$0x1E800] =	vst v63  }
0x45: {  	_ =	swait.ge [sflag:s14], $0x4000  }
0x46: {  	[sflag:s14] =	ssyncset.done $0x0  }
0x47: {  	[sflag:s14] =	ssyncadd.s32 $0xFFFFC000  }
0x48: {  	_ =	swait.ge [sflag:s19], $0x4000  }
0x49: {  	[sflag:s19] =	ssyncset.done $0x0  }
0x4a: {  	[sflag:s19] =	ssyncadd.s32 $0xFFFFC000  }
0x4b: {  	[tilespmem:s20], [sflag:$0x2] =	stream.indirect.gather [hbm4b:s4+s17], $0x80, s22, s17, $0xb8;
	[tilespmem:$0x1E800] =	vst v63  }
0x4c: {  	_ = 	snop  }
0x4d: {  	[spmem:s1] =	stream.indirect.scatter.add.f32 [tilespmem:s18], [sflag:$0x3], $0x80, s23, s17, $0xb8;
	[tilespmem:$0x1E800] =	vst v63  }
0x4e: {  	_ =	swait.ge [sflag:s14], $0x4000  }
0x4f: {  	[sflag:s14] =	ssyncset.done $0x0  }
0x50: {  	[sflag:s14] =	ssyncadd.s32 $0xFFFFC000  }
0x51: {  	_ =	swait.ge [sflag:s21], $0x4000  }
0x52: {  	[sflag:s21] =	ssyncset.done $0x0  }
0x53: {  	[sflag:s21] =	ssyncadd.s32 $0xFFFFC000  }
0x54: {  	[spmem:s1] =	stream.indirect.scatter.add.f32 [tilespmem:s20], [sflag:$0x3], $0x80, s24, s17, $0xb8;
	[tilespmem:$0x1E800] =	vst v63  }
0x55: {  	_ =	swait.ge [sflag:s14], $0x4000  }
0x56: {  	[sflag:s14] =	ssyncset.done $0x0  }
0x57: {  	s26 =	simm.s32 $0x0;
	[sflag:s14] =	ssyncadd.s32 $0xFFFFC000  }
0x58: {  	[tilespmem:s15], [sflag:$0x3] =	stream.linear.gather [hbm4b:s10+s26], $0x1400, $0x38;
	[tilespmem:$0x1E800] =	vst v63  }
0x59: {  	_ =	swait.ge [sflag:s14], $0x1400  }
0x5a: {  	[sflag:s14] =	ssyncset.done $0x0  }
0x5b: {  	[sflag:s14] =	ssyncadd.s32 $0xFFFFEC00  }
0x5c: {  	[tilespmem:s16], [sflag:$0x3] =	stream.linear.gather [hbm4b:s11+s26], $0x1400, $0x38;
	[tilespmem:$0x1E800] =	vst v63  }
0x5d: {  	_ =	swait.ge [sflag:s14], $0x1400  }
0x5e: {  	[sflag:s14] =	ssyncset.done $0x0  }
0x5f: {  	[sflag:s14] =	ssyncadd.s32 $0xFFFFEC00  }
0x60: {  	[tilespmem:s18], [sflag:$0x1] =	stream.indirect.gather [hbm4b:s4+s17], $0x80, s15, s17, $0xb8;
	[tilespmem:$0x1E800] =	vst v63  }
0x61: {  	_ =	swait.ge [sflag:s19], $0x4000  }
0x62: {  	[sflag:s19] =	ssyncset.done $0x0  }
0x63: {  	s28 =	simm.s32 $0x14080;
	[sflag:s19] =	ssyncadd.s32 $0xFFFFC000  }
0x64: {  	[tilespmem:s20], [sflag:$0x2] =	stream.indirect.gather [hbm4b:s4+s17], $0x80, s28, s17, $0xb8;
	[tilespmem:$0x1E800] =	vst v63  }
0x65: {  	s29 =	simm.s32 $0x15400  }
0x66: {  	[spmem:s1] =	stream.indirect.scatter.add.f32 [tilespmem:s18], [sflag:$0x3], $0x80, s29, s17, $0xb8;
	[tilespmem:$0x1E800] =	vst v63  }
0x67: {  	_ =	swait.ge [sflag:s14], $0x4000  }
0x68: {  	[sflag:s14] =	ssyncset.done $0x0  }
0x69: {  	[sflag:s14] =	ssyncadd.s32 $0xFFFFC000  }
0x6a: {  	_ =	swait.ge [sflag:s21], $0x4000  }
0x6b: {  	[sflag:s21] =	ssyncset.done $0x0  }
0x6c: {  	s30 =	simm.s32 $0x14100;
	[sflag:s21] =	ssyncadd.s32 $0xFFFFC000  }
0x6d: {  	[tilespmem:s18], [sflag:$0x1] =	stream.indirect.gather [hbm4b:s4+s17], $0x80, s30, s17, $0xb8;
	[tilespmem:$0x1E800] =	vst v63  }
0x6e: {  	s31 =	simm.s32 $0x15480  }
0x6f: {  	[spmem:s1] =	stream.indirect.scatter.add.f32 [tilespmem:s20], [sflag:$0x3], $0x80, s31, s17, $0xb8;
	[tilespmem:$0x1E800] =	vst v63  }
0x70: {  	_ =	swait.ge [sflag:s14], $0x4000  }
0x71: {  	s26 =	simm.s32 $0x400;
	[sflag:s14] =	ssyncset.done $0x0  }
.LBB2_4:
0x72: {  	p0 =	sne.s32 s26, $0x4800  }
0x73: {  	[sflag:s14] =	ssyncadd.s32 $0xFFFFC000;
	s28 =	smov.u32 s26;
	s26 =	sadd.s32 $0x400, s26  }
0x74: {  	_ = 	snop  }
0x75: {  	_ =	swait.ge [sflag:s19], $0x4000  }
0x76: {  	s28 =	sshra.s32 s28, $0x2;
	[sflag:s19] =	ssyncset.done $0x0  }
0x77: {  	s29 =	sadd.s32 $0x14080, s28;
	[sflag:s19] =	ssyncadd.s32 $0xFFFFC000  }
0x78: {  	[tilespmem:s20], [sflag:$0x2] =	stream.indirect.gather [hbm4b:s4+s17], $0x80, s29, s17, $0xb8;
	[tilespmem:$0x1E800] =	vst v63  }
0x79: {  	s29 =	sadd.s32 $0x15400, s28  }
0x7a: {  	[spmem:s1] =	stream.indirect.scatter.add.f32 [tilespmem:s18], [sflag:$0x3], $0x80, s29, s17, $0xb8;
	[tilespmem:$0x1E800] =	vst v63  }
0x7b: {  	_ =	swait.ge [sflag:s14], $0x4000  }
0x7c: {  	[sflag:s14] =	ssyncset.done $0x0  }
0x7d: {  	[sflag:s14] =	ssyncadd.s32 $0xFFFFC000  }
0x7e: {  	_ =	swait.ge [sflag:s21], $0x4000  }
0x7f: {  	[sflag:s21] =	ssyncset.done $0x0  }
0x80: {  	s29 =	sadd.s32 $0x14100, s28;
	[sflag:s21] =	ssyncadd.s32 $0xFFFFC000  }
0x81: {  	[tilespmem:s18], [sflag:$0x1] =	stream.indirect.gather [hbm4b:s4+s17], $0x80, s29, s17, $0xb8;
	[tilespmem:$0x1E800] =	vst v63  }
.Ltmp1:
0x82: {  	_ = 	snop;
	(pc) =	sbr.rel @p0 .LBB2_4-.Ltmp1, $4  }
0x83: {  	s28 =	sadd.s32 $0x15480, s28  }
0x84: {  	[spmem:s1] =	stream.indirect.scatter.add.f32 [tilespmem:s20], [sflag:$0x3], $0x80, s28, s17, $0xb8;
	[tilespmem:$0x1E800] =	vst v63  }
0x85: {  	_ =	swait.ge [sflag:s14], $0x4000  }
0x86: {  	[sflag:s14] =	ssyncset.done $0x0  }
0x87: {  	[sflag:s14] =	ssyncadd.s32 $0xFFFFC000  }
0x88: {  	_ =	swait.ge [sflag:s19], $0x4000  }
0x89: {  	[sflag:s19] =	ssyncset.done $0x0  }
0x8a: {  	[sflag:s19] =	ssyncadd.s32 $0xFFFFC000  }
0x8b: {  	[tilespmem:s20], [sflag:$0x2] =	stream.indirect.gather [hbm4b:s4+s17], $0x80, s22, s17, $0xb8;
	[tilespmem:$0x1E800] =	vst v63  }
0x8c: {  	_ = 	snop  }
0x8d: {  	[spmem:s1] =	stream.indirect.scatter.add.f32 [tilespmem:s18], [sflag:$0x3], $0x80, s23, s17, $0xb8;
	[tilespmem:$0x1E800] =	vst v63  }
0x8e: {  	_ =	swait.ge [sflag:s14], $0x4000  }
0x8f: {  	[sflag:s14] =	ssyncset.done $0x0  }
0x90: {  	[sflag:s14] =	ssyncadd.s32 $0xFFFFC000  }
0x91: {  	_ =	swait.ge [sflag:s21], $0x4000  }
0x92: {  	[sflag:s21] =	ssyncset.done $0x0  }
0x93: {  	[sflag:s21] =	ssyncadd.s32 $0xFFFFC000  }
0x94: {  	[spmem:s1] =	stream.indirect.scatter.add.f32 [tilespmem:s20], [sflag:$0x3], $0x80, s24, s17, $0xb8;
	[tilespmem:$0x1E800] =	vst v63  }
0x95: {  	_ =	swait.ge [sflag:s14], $0x4000  }
0x96: {  	s25 =	sadd.s32 $0x1, s25;
	[sflag:s14] =	ssyncset.done $0x0  }
0x97: {  	p0 =	sne.s32 s25, s7;
	[sflag:s14] =	ssyncadd.s32 $0xFFFFC000  }
.Ltmp2:
0x98: {  	[bflag:$0x0] =	sbarrier.arrive $0xFFFF;
	(pc) =	sbr.rel @p0 .LBB2_1-.Ltmp2, $4  }
0x99: {  	[hbm:s12], [sflag:s6] =	dma.local [spmem:s13], $0x2800  }
0x9a: {  	_ =	swait.ge [sflag:s14], $0x2800  }
0x9b: {  	[sflag:s14] =	ssyncset.done $0x0  }
0x9c: {  	[sflag:s14] =	ssyncadd.s32 $0xFFFFD800  }
0x9d: {  	_ =	sfence.sel $0x180000  }
0x9e: {  	[bflag:$0x0] =	sbarrier.arrive $0xFFFF  }
0x9f: {  	p0 =	sne.s32 s2, $0x0;
	_ =	strace $0x9000004A  }
0xa0: {  	s0 =	sadd.s32 @!p0 $0x100000, s0;
	[bflag:$0x2] =	sbarrier.arrive $0xFFFF  }
0xa1: {  	[sflag:s0] =	ssyncadd.tile.s32 @!p0 $0x1;
	_ =	shalt  }
.Lfunc_end2:
_tile_overlayer_lowered:
.L_overlay_start_2:
0xa2: {  	(tag) =	ssettag $0x2  }
0xa3: {  	s0 =	rddreg [dreg:$0x0];
	s2 =	stileid.u32  }
0xa4: {  	s1 =	rddreg [dreg:$0x1];
	p0 =	sne.s32 s2, $0x0  }
0xa5: {  	s3 =	rddreg [dreg:$0x2];
	[bflag:$0x3] =	sbarrier.arrive $0xFFFF;
	s2 =	simm.s32 @!p0 $0x1C03  }
0xa6: {  	[timem:s3], [sflag:s2] =	dma.local @!p0 [hbm:s0], s1  }
0xa7: {  	s0 =	simm.s32 @!p0 $0x3  }
0xa8: {  	_ =	swait.ge @!p0 [sflag:s0], s1  }
0xa9: {  	s1 =	ssub.s32 @!p0 $0x0, s1;
	[sflag:s0] =	ssyncset.done @!p0 $0x0  }
0xaa: {  	[sflag:s0] =	ssyncadd.s32 @!p0 s1  }
0xab: {  	[bflag:$0x3] =	sbarrier.arrive $0xFFFF  }
0xac: {  	_ =	shalt  }

// kernel: kernel.16.cloned.1.call-start
scs
__scs_entry_jumppad:
0x0: {  	(pc) =	sbr.rel $0x88, $3  }
0x1: {  	(tag) =	ssettag $0x0;
	lr =	simm.s32 $0x1  }
0x2: {  	[smem:$0x3F99] =	sst lr;
	_ =	strace $0xD0000000  }
0x3: {  	_ = 	snop  }
0x4: {  	_ = 	snop  }
0x5: {  	_ = 	snop  }
0x6: {  	_ = 	snop  }
0x7: {  	_ = 	snop  }
__scs_overlays_trampoline_lowered:
0x8: {  	[smem:$0x3FA8] =	sst s0  }
0x9: {  	[smem:$0x3FA9] =	sst s1  }
0xa: {  	[smem:$0x3FAA] =	sst s2  }
0xb: {  	[smem:$0x3FAB] =	sst s3  }
0xc: {  	[smem:$0x3FAC] =	sst s4  }
0xd: {  	[smem:$0x3FAD] =	sst s5  }
0xe: {  	[smem:$0x3FAE] =	sst s6  }
0xf: {  	[smem:$0x3FAF] =	sst s7  }
0x10: {  	[smem:$0x3FB0] =	sst s8  }
0x11: {  	[smem:$0x3FB1] =	sst s9;
	s0 =	simm.s32 @!p0 $0x0  }
0x12: {  	s1 =	sld [smem:$0x3F97];
	s0 =	simm.s32 @p0 $0x1  }
0x13: {  	[smem:$0x3FB2] =	sst s0;
	s0 =	simm.s32 @!p1 $0x0  }
0x14: {  	s2 =	sld [smem:$0x3F96];
	s0 =	simm.s32 @p1 $0x1  }
0x15: {  	[smem:$0x3FB3] =	sst s0;
	s0 =	simm.s32 @!p2 $0x0  }
0x16: {  	s3 =	sld [smem:$0x3FDB];
	s0 =	simm.s32 @p2 $0x1  }
0x17: {  	s4 =	simm.s32 $0x1BF5;
	[smem:$0x3FB5] =	sst s0  }
0x18: {  	s0 =	sld [smem:$0x3F98];
	_ =	swait.ge [sflag:s4], $0x0  }
0x19: {  	s7 =	sld [smem:$0x3F99]  }
0x1a: {  	s8 =	sadd.s32 $0xFFFFE003, lr  }
0x1b: {  	s9 =	sadd.s32 $0xFFFFFEF7, lr;
	s5 =	simm.s32 $0xFFFFFFFF;
	p2 =	slt.u32 s8, $0xFFFFF086  }
0x1c: {  	p1 =	slt.u32 s9, $0xF7A;
	s5 =	simm.s32 @!p2 $0x0  }
0x1d: {  	s5 =	simm.s32 @p1 $0x1;
	p0 =	seq.s32 s7, s2  }
0x1e: {  	s7 =	smul.u32 @!p0 $0xF7A, s2;
	p2 =	seq.s32 @!p0 s5, $0x0  }
0x1f: {  	s9 =	smul.u32 $0xF7A, s1;
	s8 =	simm.s32 @!p0 $0x1BF5;
	p2 =	por !p2, p0  }
0x20: {  	[sflag:s8] =	ssyncset.s32 @!p0 $0xFFFFF086;
	s6 =	sadd.s32 @!p0 s3, s7;
	s7 =	simm.s32 @!p0 $0x108  }
0x21: {  	s3 =	sadd.s32 s3, s9;
	s6 =	sadd.s32 @!p0 $0x88, s6;
	s7 =	simm.s32 @p2 $0x1082  }
0x22: {  	[simem:s7], [sflag:s8] =	dma.local @!p0 [hbm:s6], $0xF7A  }
0x23: {  	s9 =	sor.u32 $0xD0000000, s2;
	s6 =	simm.s32 $0x108;
	_ =	swait.ge @!p0 [sflag:s8], $0x0  }
0x24: {  	s3 =	sadd.s32 $0x88, s3;
	s6 =	simm.s32 @!p1 $0x1082;
	[sflag:s4] =	ssyncset.s32 $0xFFFFF086  }
0x25: {  	[simem:s6], [sflag:s4] =	dma.local [hbm:s3], $0xF7A  }
0x26: {  	[smem:$0x3F99] =	sst s1;
	(tag) =	ssettag s2;
	_ =	strace s9  }
0x27: {  	s1 =	sld [smem:$0x3FA9]  }
0x28: {  	s2 =	sld [smem:$0x3FAA]  }
0x29: {  	s4 =	sld [smem:$0x3FAC]  }
0x2a: {  	p0 =	seq.s32 s5, $0x0;
	s5 =	sld [smem:$0x3FAD]  }
0x2b: {  	s6 =	sld [smem:$0x3FAE]  }
0x2c: {  	s7 =	sld [smem:$0x3FAF]  }
0x2d: {  	s3 =	simm.s32 $0x108;
	s8 =	sld [smem:$0x3FB0]  }
0x2e: {  	s3 =	simm.s32 @!p0 $0x1082;
	s9 =	sld [smem:$0x3FB1]  }
0x2f: {  	lr =	sadd.s32 s0, s3;
	s0 =	sld [smem:$0x3FA8]  }
0x30: {  	s3 =	sld [smem:$0x3FAB]  }
0x31: {  	[smem:$0x3FB4] =	sst s10  }
0x32: {  	s10 =	sld [smem:$0x3FB2];
	_ =	sdelay $0x3  }
0x33: {  	p0 =	seq.s32 s10, $0x1;
	s10 =	sld [smem:$0x3FB4];
	_ =	sdelay $0x3  }
0x34: {  	[smem:$0x3FB4] =	sst s10  }
0x35: {  	s10 =	sld [smem:$0x3FB3];
	_ =	sdelay $0x3  }
0x36: {  	p1 =	seq.s32 s10, $0x1;
	s10 =	sld [smem:$0x3FB4];
	_ =	sdelay $0x3  }
0x37: {  	[smem:$0x3FB4] =	sst s10  }
0x38: {  	s10 =	sld [smem:$0x3FB5]  }
0x39: {  	_ = 	snop;
	(pc) =	sbr.ind lr, $3  }
0x3a: {  	_ = 	snop  }
0x3b: {  	_ = 	snop  }
0x3c: {  	p2 =	seq.s32 s10, $0x1;
	s10 =	sld [smem:$0x3FB4]  }
0x3d: {  	_ =	shalt  }
0x3e: {  	_ =	shalt  }
0x3f: {  	_ =	shalt  }
0x40: {  	_ =	shalt  }
0x41: {  	_ =	shalt  }
0x42: {  	_ =	shalt  }
0x43: {  	_ =	shalt  }
0x44: {  	_ =	shalt  }
0x45: {  	_ =	shalt  }
0x46: {  	_ =	shalt  }
0x47: {  	_ =	shalt  }
0x48: {  	_ =	shalt  }
0x49: {  	_ =	shalt  }
0x4a: {  	_ =	shalt  }
0x4b: {  	_ =	shalt  }
0x4c: {  	_ =	shalt  }
0x4d: {  	_ =	shalt  }
0x4e: {  	_ =	shalt  }
0x4f: {  	_ =	shalt  }
0x50: {  	_ =	shalt  }
0x51: {  	_ =	shalt  }
0x52: {  	_ =	shalt  }
0x53: {  	_ =	shalt  }
0x54: {  	_ =	shalt  }
0x55: {  	_ =	shalt  }
0x56: {  	_ =	shalt  }
0x57: {  	_ =	shalt  }
0x58: {  	_ =	shalt  }
0x59: {  	_ =	shalt  }
0x5a: {  	_ =	shalt  }
0x5b: {  	_ =	shalt  }
0x5c: {  	_ =	shalt  }
0x5d: {  	_ =	shalt  }
0x5e: {  	_ =	shalt  }
0x5f: {  	_ =	shalt  }
0x60: {  	_ =	shalt  }
0x61: {  	_ =	shalt  }
0x62: {  	_ =	shalt  }
0x63: {  	_ =	shalt  }
0x64: {  	_ =	shalt  }
0x65: {  	_ =	shalt  }
0x66: {  	_ =	shalt  }
0x67: {  	_ =	shalt  }
0x68: {  	_ =	shalt  }
0x69: {  	_ =	shalt  }
0x6a: {  	_ =	shalt  }
0x6b: {  	_ =	shalt  }
0x6c: {  	_ =	shalt  }
0x6d: {  	_ =	shalt  }
0x6e: {  	_ =	shalt  }
0x6f: {  	_ =	shalt  }
0x70: {  	_ =	shalt  }
0x71: {  	_ =	shalt  }
0x72: {  	_ =	shalt  }
0x73: {  	_ =	shalt  }
0x74: {  	_ =	shalt  }
0x75: {  	_ =	shalt  }
0x76: {  	_ =	shalt  }
0x77: {  	_ =	shalt  }
0x78: {  	_ =	shalt  }
0x79: {  	_ =	shalt  }
0x7a: {  	_ =	shalt  }
0x7b: {  	_ =	shalt  }
0x7c: {  	_ =	shalt  }
0x7d: {  	_ =	shalt  }
0x7e: {  	_ =	shalt  }
0x7f: {  	_ =	shalt  }
0x80: {  	_ =	shalt  }
0x81: {  	_ =	shalt  }
0x82: {  	_ =	shalt  }
0x83: {  	_ =	shalt  }
0x84: {  	_ =	shalt  }
0x85: {  	_ =	shalt  }
0x86: {  	_ =	shalt  }
0x87: {  	_ =	shalt  }
.Lfunc_end0:
.L_simem_size_0:
called_computation.2_lowered:
.L_overlay_start_0:
0x88: {  	s2 =	sld [smem:$0x3FD9]  }
0x89: {  	s3 =	sld [smem:$0x3FFE];
	_ =	sdelay $0x1  }
0x8a: {  	s1 =	srdreg.scid  }
0x8b: {  	s0 =	sand.u32 $0x1, s1  }
0x8c: {  	s17 =	sshll.u32 s0, $0xA;
	s2 =	sadd.s32 s3, s2  }
0x8d: {  	s2 =	sadd.s32 s2, s17  }
0x8e: {  	[smem:$0x3FC0] =	sst s2  }
0x8f: {  	_ = 	snop  }
0x90: {  	s2 =	sld [smem:$0x3FD0];
	(tm) =	ssettm $0x1  }
0x91: {  	s18 =	sld [smem:$0x3FFB];
	_ =	sdelay $0x3  }
0x92: {  	_ =	strace s18  }
0x93: {  	s3 =	sld [smem:$0x3FFC];
	_ =	sdelay $0x3  }
0x94: {  	_ =	strace s3  }
0x95: {  	s3 =	sld [smem:$0x3FFD];
	_ =	sdelay $0x3  }
0x96: {  	_ =	strace s3  }
0x97: {  	_ =	strace $0x8FFFFFFF  }
0x98: {  	s19 =	sld [smem:$0x3FDB];
	_ =	sdelay $0x1  }
0x99: {  	s4 =	simm.s32 $_scs_section_size  }
0x9a: {  	s5 =	simm.s32 $_size__tile_overlayer_lowered;
	s6 =	simm.s32 $_tile_overlayer_lowered  }
0x9b: {  	s22 =	simm.s32 $0x1BFF;
	s21 =	sshll.u32 s6, $0x1;
	s3 =	sadd.s32 s4, s19  }
0x9c: {  	s7 =	simm.s32 $0x0;
	s20 =	sshll.u32 s5, $0x1;
	s5 =	sadd.s32 s21, s3  }
0x9d: {  	[timem:s7], [sflag:s22] =	dma.local [hbm:s5], s20  }
0x9e: {  	_ =	swait.ge [sflag:s22], s20  }
0x9f: {  	s4 =	ssub.s32 $0x0, s20;
	[sflag:s22] =	ssyncset.done $0x0  }
0xa0: {  	[sflag:s22] =	ssyncadd.s32 s4;
	_ =	sdelay $0x1  }
0xa1: {  	s23 =	simm.s32 $0x1B8B  }
0xa2: {  	_ =	swait.ge [sflag:s23], $0x1  }
0xa3: {  	[sflag:s23] =	ssyncset.done $0x0  }
0xa4: {  	s25 =	simm.s32 $0x1B8E;
	s24 =	sld [smem:$0x3FFE];
	[sflag:s23] =	ssyncadd.s32 $0xFFFFFFFF  }
0xa5: {  	s26 =	simm.s32 $execute0_lowered;
	[smem:$0x3FD2] =	sst s25  }
0xa6: {  	s5 =	sshll.u32 s26, $0x1;
	_ =	strace $0x8000004C;
	[dreg:$0x1] =	wrdreg $0xFFFFFFFF  }
0xa7: {  	s28 =	simm.s32 $_size_execute0_lowered;
	s3 =	sadd.s32 s3, s5;
	[dreg:$0x0] =	wrdreg $0x0  }
0xa8: {  	s5 =	sshll.u32 s28, $0x1;
	[dreg:$0x2] =	wrdreg s3  }
0xa9: {  	[dreg:$0x3] =	wrdreg s5  }
0xaa: {  	[dreg:$0x4] =	wrdreg $0xC0  }
0xab: {  	_ =	task [dreg:s7], $0x5FFFF  }
0xac: {  	[dreg:$0x1] =	wrdreg $0xFFFFFFFF  }
0xad: {  	[dreg:$0x0] =	wrdreg $0x60  }
0xae: {  	[dreg:$0x2] =	wrdreg s24  }
0xaf: {  	[dreg:$0x3] =	wrdreg s2  }
0xb0: {  	[dreg:$0x4] =	wrdreg $0x0  }
0xb1: {  	[dreg:$0x5] =	wrdreg $0x9  }
0xb2: {  	_ =	task.clear_ibuf [dreg:s7], $0x6FFFF;
	_ =	strace $0x9000004C  }
0xb3: {  	s29 =	simm.s32 $0x9;
	_ =	strace $0x8000004E  }
0xb4: {  	_ =	swait.ge [sflag:s29], $0x1  }
0xb5: {  	[sflag:s29] =	ssyncadd.s32 $0xFFFFFFFF  }
0xb6: {  	_ =	strace $0x9000004E  }
0xb7: {  	_ =	sfence  }
0xb8: {  	s30 =	sld [smem:$0x0];
	_ =	sdelay $0x2  }
0xb9: {  	s31 =	sshll.u32 s1, $0xD;
	s1 =	sshrl.u32 s1, $0x2  }
0xba: {  	s3 =	sand.u32 $0x4000, s31;
	s1 =	sadd.s32 s1, s30  }
0xbb: {  	s0 =	sor.u32 s3, s0;
	s1 =	sshll.u32 s1, $0x11  }
0xbc: {  	s0 =	sor.u32 s1, s0  }
0xbd: {  	s0 =	sadd.s32 $0x8F2B, s0  }
0xbe: {  	[sflag:s0] =	ssyncadd.remote.s32 $0x1  }
0xbf: {  	_ =	sfence.sel $0xFFFF  }
0xc0: {  	[dreg:$0x0] =	wrdreg $0xFFFFFFFF;
	(pc) =	sbr.abs _section_cstart, $3  }
0xc1: {  	[dreg:$0x1] =	wrdreg $0xFFFFFFFF  }
0xc2: {  	_ =	task.clear_ibuf [dreg:s7], $0x2FFFF;
	_ =	strace $0x9FFFFFFF  }
0xc3: {  	(tm) =	ssettm $0x7FFFFFFF  }
tec
execute0_lowered:
.L_overlay_start_1:
0x0: {  	(tag) =	ssettag $0x1  }
0x1: {  	s0 =	rddreg [dreg:$0x0]  }
0x2: {  	s1 =	rddreg [dreg:$0x1]  }
0x3: {  	s2 =	rddreg [dreg:$0x2];
	s3 =	simm.s32 $0x0;
	s4 =	srdreg.scid  }
0x4: {  	s8 =	stileid.u32;
	s18 =	simm.s32 $0x3;
	s19 =	simm.s32 $0x14000  }
0x5: {  	s20 =	simm.s32 $0x15400;
	s21 =	simm.s32 $0x80;
	s22 =	simm.s32 $0x16800  }
0x6: {  	s23 =	simm.s32 $0x1;
	s24 =	simm.s32 $0x1A800;
	s25 =	simm.s32 $0x2  }
0x7: {  	s28 =	simm.s32 $0x16700;
	s29 =	simm.s32 $0x16780;
	s31 =	simm.s32 $0x0  }
0x8: {  	[smem:$0x7FF] =	sst s3;
	s5 =	sadd.s32 $0x86800, s0;
	s6 =	sadd.s32 $0x5E800, s0  }
0x9: {  	s7 =	sadd.s32 $0x4800, s0;
	s4 =	sand.u32 $0x1, s4;
	s9 =	sadd.s32 $0xE800, s0  }
0xa: {  	s0 =	sadd.s32 $0x36800, s0;
	_ =	strace $0x8000004D;
	[dreg:$0x4] =	wrdreg s9  }
0xb: {  	s10 =	smul.u32 $0x50000, s8;
	s13 =	sshll.u32 s8, $0x6;
	[dreg:$0x5] =	wrdreg s0  }
.Ltmp0:
0xc: {  	s26 =	ssub.s32 $0x2, s4;
	p0 =	seq.s32 s4, $0x1;
	(pc) =	sbr.rel .LBB2_1-.Ltmp0, $4  }
0xd: {  	s11 =	sshrl.u32 s26, $0x1;
	s12 =	sshrl.u32 s10, $0x2;
	s10 =	smul.u32 $0x2800, s8  }
0xe: {  	s16 =	sor.u32 $0x1C03, s13;
	s0 =	ssub.s32 s26, s11;
	s30 =	sadd.s32 s12, s2  }
0xf: {  	s12 =	smul.u32 $0xA0, s8;
	s26 =	simm.s32 $0x15380;
	s11 =	sadd.s32 s5, s10  }
0x10: {  	s14 =	sadd.s32 s6, s10;
	s15 =	smax.u32 s0, $0x1;
	s17 =	sshrl.u32 s30, $0x3  }
.LBB2_12:
0x11: {  	s3 =	sadd.s32 $0x1, s3  }
0x12: {  	p1 =	sne.s32 s3, s15  }
.Ltmp1:
0x13: {  	s0 =	sadd.s32 s0, s10;
	[bflag:$0x0] =	sbarrier.arrive $0xFFFF;
	(pc) =	sbr.rel @!p1 .LBB2_13-.Ltmp1, $4  }
0x14: {  	[hbm:s0], [sflag:s30] =	dma.local [spmem:s17], $0x2800  }
0x15: {  	_ =	swait.ge [sflag:s18], $0x2800  }
0x16: {  	[sflag:s18] =	ssyncset.done $0x0  }
0x17: {  	[sflag:s18] =	ssyncadd.s32 $0xFFFFD800  }
.LBB2_1:
.Ltmp2:
0x18: {  	(pc) =	sbr.rel @!p0 .LBB2_2-.Ltmp2, $1  }
0x19: {  	_ =	sdelay $0x3  }
0x1a: {  	[spmem:s17], [sflag:s16] =	dma.local [hbm:s14], $0x2800  }
0x1b: {  	_ =	swait.ge [sflag:s18], $0x2800  }
0x1c: {  	[sflag:s18] =	ssyncset.done $0x0  }
0x1d: {  	[sflag:s18] =	ssyncadd.s32 $0xFFFFD800  }
0x1e: {  	s30 =	simm.s32 $0x0;
	s0 =	simm.s32 $0x0;
	[bflag:$0x0] =	sbarrier.arrive $0xFFFF  }
.LBB2_8:
0x1f: {  	s4 =	smul.u32 $0x28, s0;
	_ =	sdelay $0x1  }
0x20: {  	s4 =	sadd.s32 s12, s4  }
0x21: {  	s4 =	sshll.u32 s4, $0x4  }
0x22: {  	s8 =	sadd.s32 s7, s4  }
0x23: {  	[tilespmem:s19], [sflag:$0x3] =	stream.linear.gather [hbm4b:s8+s30], $0x1400, $0x38;
	[tilespmem:$0x1E800] =	vst v63  }
0x24: {  	_ =	swait.ge [sflag:s18], $0x1400  }
0x25: {  	[sflag:s18] =	ssyncset.done $0x0  }
0x26: {  	s4 =	sadd.s32 s1, s4;
	[sflag:s18] =	ssyncadd.s32 $0xFFFFEC00  }
0x27: {  	[tilespmem:s20], [sflag:$0x3] =	stream.linear.gather [hbm4b:s4+s30], $0x1400, $0x38;
	[tilespmem:$0x1E800] =	vst v63  }
0x28: {  	_ =	swait.ge [sflag:s18], $0x1400  }
0x29: {  	[sflag:s18] =	ssyncset.done $0x0  }
0x2a: {  	[sflag:s18] =	ssyncadd.s32 $0xFFFFEC00  }
0x2b: {  	[tilespmem:s22], [sflag:$0x1] =	stream.indirect.gather [hbm4b:s6+s21], $0x80, s19, s21, $0xb8;
	[tilespmem:$0x1E800] =	vst v63  }
0x2c: {  	_ =	swait.ge [sflag:s23], $0x4000  }
0x2d: {  	[sflag:s23] =	ssyncset.done $0x0  }
0x2e: {  	s8 =	simm.s32 $0x14080;
	[sflag:s23] =	ssyncadd.s32 $0xFFFFC000  }
0x2f: {  	[tilespmem:s24], [sflag:$0x2] =	stream.indirect.gather [hbm4b:s6+s21], $0x80, s8, s21, $0xb8;
	[tilespmem:$0x1E800] =	vst v63  }
0x30: {  	s9 =	simm.s32 $0x15400  }
0x31: {  	[spmem:s2] =	stream.indirect.scatter.add.f32 [tilespmem:s22], [sflag:$0x3], $0x80, s9, s21, $0xb8;
	[tilespmem:$0x1E800] =	vst v63  }
0x32: {  	_ =	swait.ge [sflag:s18], $0x4000  }
0x33: {  	[sflag:s18] =	ssyncset.done $0x0  }
0x34: {  	[sflag:s18] =	ssyncadd.s32 $0xFFFFC000  }
0x35: {  	_ =	swait.ge [sflag:s25], $0x4000  }
0x36: {  	[sflag:s25] =	ssyncset.done $0x0  }
0x37: {  	s8 =	simm.s32 $0x14100;
	[sflag:s25] =	ssyncadd.s32 $0xFFFFC000  }
0x38: {  	[tilespmem:s22], [sflag:$0x1] =	stream.indirect.gather [hbm4b:s6+s21], $0x80, s8, s21, $0xb8;
	[tilespmem:$0x1E800] =	vst v63  }
0x39: {  	s9 =	simm.s32 $0x15480  }
0x3a: {  	[spmem:s2] =	stream.indirect.scatter.add.f32 [tilespmem:s24], [sflag:$0x3], $0x80, s9, s21, $0xb8;
	[tilespmem:$0x1E800] =	vst v63  }
0x3b: {  	_ =	swait.ge [sflag:s18], $0x4000  }
0x3c: {  	s4 =	simm.s32 $0x400;
	[sflag:s18] =	ssyncset.done $0x0  }
.LBB2_9:
0x3d: {  	p1 =	sne.s32 s4, $0x4800  }
0x3e: {  	[sflag:s18] =	ssyncadd.s32 $0xFFFFC000;
	s8 =	smov.u32 s4;
	s4 =	sadd.s32 $0x400, s4  }
0x3f: {  	_ = 	snop  }
0x40: {  	_ =	swait.ge [sflag:s23], $0x4000  }
0x41: {  	s8 =	sshra.s32 s8, $0x2;
	[sflag:s23] =	ssyncset.done $0x0  }
0x42: {  	s9 =	sadd.s32 $0x14080, s8;
	[sflag:s23] =	ssyncadd.s32 $0xFFFFC000  }
0x43: {  	[tilespmem:s24], [sflag:$0x2] =	stream.indirect.gather [hbm4b:s6+s21], $0x80, s9, s21, $0xb8;
	[tilespmem:$0x1E800] =	vst v63  }
0x44: {  	s9 =	sadd.s32 $0x15400, s8  }
0x45: {  	[spmem:s2] =	stream.indirect.scatter.add.f32 [tilespmem:s22], [sflag:$0x3], $0x80, s9, s21, $0xb8;
	[tilespmem:$0x1E800] =	vst v63  }
0x46: {  	_ =	swait.ge [sflag:s18], $0x4000  }
0x47: {  	[sflag:s18] =	ssyncset.done $0x0  }
0x48: {  	[sflag:s18] =	ssyncadd.s32 $0xFFFFC000  }
0x49: {  	_ =	swait.ge [sflag:s25], $0x4000  }
0x4a: {  	[sflag:s25] =	ssyncset.done $0x0  }
0x4b: {  	s9 =	sadd.s32 $0x14100, s8;
	[sflag:s25] =	ssyncadd.s32 $0xFFFFC000  }
0x4c: {  	[tilespmem:s22], [sflag:$0x1] =	stream.indirect.gather [hbm4b:s6+s21], $0x80, s9, s21, $0xb8;
	[tilespmem:$0x1E800] =	vst v63  }
.Ltmp3:
0x4d: {  	_ = 	snop;
	(pc) =	sbr.rel @p1 .LBB2_9-.Ltmp3, $4  }
0x4e: {  	s8 =	sadd.s32 $0x15480, s8  }
0x4f: {  	[spmem:s2] =	stream.indirect.scatter.add.f32 [tilespmem:s24], [sflag:$0x3], $0x80, s8, s21, $0xb8;
	[tilespmem:$0x1E800] =	vst v63  }
0x50: {  	_ =	swait.ge [sflag:s18], $0x4000  }
0x51: {  	[sflag:s18] =	ssyncset.done $0x0  }
0x52: {  	[sflag:s18] =	ssyncadd.s32 $0xFFFFC000  }
0x53: {  	_ =	swait.ge [sflag:s23], $0x4000  }
0x54: {  	[sflag:s23] =	ssyncset.done $0x0  }
0x55: {  	[sflag:s23] =	ssyncadd.s32 $0xFFFFC000  }
0x56: {  	[tilespmem:s24], [sflag:$0x2] =	stream.indirect.gather [hbm4b:s6+s21], $0x80, s26, s21, $0xb8;
	[tilespmem:$0x1E800] =	vst v63  }
0x57: {  	_ = 	snop  }
0x58: {  	[spmem:s2] =	stream.indirect.scatter.add.f32 [tilespmem:s22], [sflag:$0x3], $0x80, s28, s21, $0xb8;
	[tilespmem:$0x1E800] =	vst v63  }
0x59: {  	_ =	swait.ge [sflag:s18], $0x4000  }
0x5a: {  	[sflag:s18] =	ssyncset.done $0x0  }
0x5b: {  	[sflag:s18] =	ssyncadd.s32 $0xFFFFC000  }
0x5c: {  	s0 =	sadd.s32 $0x1, s0;
	_ =	swait.ge [sflag:s25], $0x4000  }
0x5d: {  	p1 =	sne.s32 s0, $0x4;
	[sflag:s25] =	ssyncset.done $0x0  }
.Ltmp4:
0x5e: {  	[sflag:s25] =	ssyncadd.s32 $0xFFFFC000;
	(pc) =	sbr.rel @p1 .LBB2_8-.Ltmp4, $4  }
0x5f: {  	[spmem:s2] =	stream.indirect.scatter.add.f32 [tilespmem:s24], [sflag:$0x3], $0x80, s29, s21, $0xb8;
	[tilespmem:$0x1E800] =	vst v63  }
0x60: {  	_ =	swait.ge [sflag:s18], $0x4000  }
0x61: {  	[sflag:s18] =	ssyncset.done $0x0  }
0x62: {  	[sflag:s18] =	ssyncadd.s32 $0xFFFFC000  }
.Ltmp5:
0x63: {  	(pc) =	sbr.rel .LBB2_12-.Ltmp5, $2  }
0x64: {  	_ =	sdelay $0x2  }
0x65: {  	s0 =	rddreg [dreg:$0x5];
	s30 =	smov.u32 s16  }
.LBB2_2:
0x66: {  	s30 =	sor.u32 $0x1C03, s13  }
0x67: {  	[spmem:s17], [sflag:s30] =	dma.local [hbm:s11], $0x2800  }
0x68: {  	_ =	swait.ge [sflag:s18], $0x2800  }
0x69: {  	[sflag:s18] =	ssyncset.done $0x0  }
0x6a: {  	[sflag:s18] =	ssyncadd.s32 $0xFFFFD800  }
0x6b: {  	s0 =	simm.s32 $0x0;
	[bflag:$0x0] =	sbarrier.arrive $0xFFFF  }
.LBB2_3:
0x6c: {  	s4 =	smul.u32 $0x28, s0;
	_ =	sdelay $0x1  }
0x6d: {  	s4 =	sadd.s32 s12, s4  }
0x6e: {  	s4 =	sshll.u32 s4, $0x4  }
0x6f: {  	s8 =	sadd.s32 s7, s4  }
0x70: {  	[tilespmem:s19], [sflag:$0x3] =	stream.linear.gather [hbm4b:s8+s31], $0x1400, $0x38;
	[tilespmem:$0x1E800] =	vst v63  }
0x71: {  	_ =	swait.ge [sflag:s18], $0x1400  }
0x72: {  	[sflag:s18] =	ssyncset.done $0x0  }
0x73: {  	s4 =	sadd.s32 s1, s4;
	[sflag:s18] =	ssyncadd.s32 $0xFFFFEC00  }
0x74: {  	[tilespmem:s20], [sflag:$0x3] =	stream.linear.gather [hbm4b:s4+s31], $0x1400, $0x38;
	[tilespmem:$0x1E800] =	vst v63  }
0x75: {  	_ =	swait.ge [sflag:s18], $0x1400  }
0x76: {  	[sflag:s18] =	ssyncset.done $0x0  }
0x77: {  	[sflag:s18] =	ssyncadd.s32 $0xFFFFEC00  }
0x78: {  	[tilespmem:s22], [sflag:$0x1] =	stream.indirect.gather [hbm4b:s5+s21], $0x80, s19, s21, $0xb8;
	[tilespmem:$0x1E800] =	vst v63  }
0x79: {  	_ =	swait.ge [sflag:s23], $0x4000  }
0x7a: {  	[sflag:s23] =	ssyncset.done $0x0  }
0x7b: {  	s8 =	simm.s32 $0x14080;
	[sflag:s23] =	ssyncadd.s32 $0xFFFFC000  }
0x7c: {  	[tilespmem:s24], [sflag:$0x2] =	stream.indirect.gather [hbm4b:s5+s21], $0x80, s8, s21, $0xb8;
	[tilespmem:$0x1E800] =	vst v63  }
0x7d: {  	s9 =	simm.s32 $0x15400  }
0x7e: {  	[spmem:s2] =	stream.indirect.scatter.add.f32 [tilespmem:s22], [sflag:$0x3], $0x80, s9, s21, $0xb8;
	[tilespmem:$0x1E800] =	vst v63  }
0x7f: {  	_ =	swait.ge [sflag:s18], $0x4000  }
0x80: {  	[sflag:s18] =	ssyncset.done $0x0  }
0x81: {  	[sflag:s18] =	ssyncadd.s32 $0xFFFFC000  }
0x82: {  	_ =	swait.ge [sflag:s25], $0x4000  }
0x83: {  	[sflag:s25] =	ssyncset.done $0x0  }
0x84: {  	s8 =	simm.s32 $0x14100;
	[sflag:s25] =	ssyncadd.s32 $0xFFFFC000  }
0x85: {  	[tilespmem:s22], [sflag:$0x1] =	stream.indirect.gather [hbm4b:s5+s21], $0x80, s8, s21, $0xb8;
	[tilespmem:$0x1E800] =	vst v63  }
0x86: {  	s9 =	simm.s32 $0x15480  }
0x87: {  	[spmem:s2] =	stream.indirect.scatter.add.f32 [tilespmem:s24], [sflag:$0x3], $0x80, s9, s21, $0xb8;
	[tilespmem:$0x1E800] =	vst v63  }
0x88: {  	_ =	swait.ge [sflag:s18], $0x4000  }
0x89: {  	s4 =	simm.s32 $0x400;
	[sflag:s18] =	ssyncset.done $0x0  }
.LBB2_4:
0x8a: {  	p1 =	sne.s32 s4, $0x4800  }
0x8b: {  	[sflag:s18] =	ssyncadd.s32 $0xFFFFC000;
	s8 =	smov.u32 s4;
	s4 =	sadd.s32 $0x400, s4  }
0x8c: {  	_ = 	snop  }
0x8d: {  	_ =	swait.ge [sflag:s23], $0x4000  }
0x8e: {  	s8 =	sshra.s32 s8, $0x2;
	[sflag:s23] =	ssyncset.done $0x0  }
0x8f: {  	s9 =	sadd.s32 $0x14080, s8;
	[sflag:s23] =	ssyncadd.s32 $0xFFFFC000  }
0x90: {  	[tilespmem:s24], [sflag:$0x2] =	stream.indirect.gather [hbm4b:s5+s21], $0x80, s9, s21, $0xb8;
	[tilespmem:$0x1E800] =	vst v63  }
0x91: {  	s9 =	sadd.s32 $0x15400, s8  }
0x92: {  	[spmem:s2] =	stream.indirect.scatter.add.f32 [tilespmem:s22], [sflag:$0x3], $0x80, s9, s21, $0xb8;
	[tilespmem:$0x1E800] =	vst v63  }
0x93: {  	_ =	swait.ge [sflag:s18], $0x4000  }
0x94: {  	[sflag:s18] =	ssyncset.done $0x0  }
0x95: {  	[sflag:s18] =	ssyncadd.s32 $0xFFFFC000  }
0x96: {  	_ =	swait.ge [sflag:s25], $0x4000  }
0x97: {  	[sflag:s25] =	ssyncset.done $0x0  }
0x98: {  	s9 =	sadd.s32 $0x14100, s8;
	[sflag:s25] =	ssyncadd.s32 $0xFFFFC000  }
0x99: {  	[tilespmem:s22], [sflag:$0x1] =	stream.indirect.gather [hbm4b:s5+s21], $0x80, s9, s21, $0xb8;
	[tilespmem:$0x1E800] =	vst v63  }
.Ltmp6:
0x9a: {  	_ = 	snop;
	(pc) =	sbr.rel @p1 .LBB2_4-.Ltmp6, $4  }
0x9b: {  	s8 =	sadd.s32 $0x15480, s8  }
0x9c: {  	[spmem:s2] =	stream.indirect.scatter.add.f32 [tilespmem:s24], [sflag:$0x3], $0x80, s8, s21, $0xb8;
	[tilespmem:$0x1E800] =	vst v63  }
0x9d: {  	_ =	swait.ge [sflag:s18], $0x4000  }
0x9e: {  	[sflag:s18] =	ssyncset.done $0x0  }
0x9f: {  	[sflag:s18] =	ssyncadd.s32 $0xFFFFC000  }
0xa0: {  	_ =	swait.ge [sflag:s23], $0x4000  }
0xa1: {  	[sflag:s23] =	ssyncset.done $0x0  }
0xa2: {  	[sflag:s23] =	ssyncadd.s32 $0xFFFFC000  }
0xa3: {  	[tilespmem:s24], [sflag:$0x2] =	stream.indirect.gather [hbm4b:s5+s21], $0x80, s26, s21, $0xb8;
	[tilespmem:$0x1E800] =	vst v63  }
0xa4: {  	_ = 	snop  }
0xa5: {  	[spmem:s2] =	stream.indirect.scatter.add.f32 [tilespmem:s22], [sflag:$0x3], $0x80, s28, s21, $0xb8;
	[tilespmem:$0x1E800] =	vst v63  }
0xa6: {  	_ =	swait.ge [sflag:s18], $0x4000  }
0xa7: {  	[sflag:s18] =	ssyncset.done $0x0  }
0xa8: {  	[sflag:s18] =	ssyncadd.s32 $0xFFFFC000  }
0xa9: {  	s0 =	sadd.s32 $0x1, s0;
	_ =	swait.ge [sflag:s25], $0x4000  }
0xaa: {  	p1 =	seq.s32 s0, $0x4;
	[sflag:s25] =	ssyncset.done $0x0  }
.Ltmp7:
0xab: {  	[sflag:s25] =	ssyncadd.s32 $0xFFFFC000;
	(pc) =	sbr.rel @!p1 .LBB2_3-.Ltmp7, $4  }
0xac: {  	[spmem:s2] =	stream.indirect.scatter.add.f32 [tilespmem:s24], [sflag:$0x3], $0x80, s29, s21, $0xb8;
	[tilespmem:$0x1E800] =	vst v63  }
0xad: {  	_ =	swait.ge [sflag:s18], $0x4000  }
0xae: {  	[sflag:s18] =	ssyncset.done $0x0  }
0xaf: {  	[sflag:s18] =	ssyncadd.s32 $0xFFFFC000  }
.Ltmp8:
0xb0: {  	(pc) =	sbr.rel .LBB2_12-.Ltmp8, $2  }
0xb1: {  	_ =	sdelay $0x2  }
0xb2: {  	s0 =	rddreg [dreg:$0x4]  }
.LBB2_13:
0xb3: {  	_ =	sfence.sel $0x180000  }
0xb4: {  	[bflag:$0x0] =	sbarrier.arrive $0xFFFF  }
0xb5: {  	_ =	strace $0x9000004D  }
0xb6: {  	s0 =	stileid.u32;
	[bflag:$0x2] =	sbarrier.arrive $0xFFFF  }
0xb7: {  	p0 =	sne.s32 s0, $0x0;
	s0 =	rddreg [dreg:$0x3]  }
0xb8: {  	s0 =	sadd.s32 @!p0 $0x100000, s0  }
0xb9: {  	[sflag:s0] =	ssyncadd.tile.s32 @!p0 $0x1;
	_ =	shalt  }
.Lfunc_end2:
_tile_overlayer_lowered:
.L_overlay_start_2:
0xba: {  	(tag) =	ssettag $0x2  }
0xbb: {  	s0 =	rddreg [dreg:$0x0];
	s2 =	stileid.u32  }
0xbc: {  	s1 =	rddreg [dreg:$0x1];
	p0 =	sne.s32 s2, $0x0  }
0xbd: {  	s3 =	rddreg [dreg:$0x2];
	[bflag:$0x3] =	sbarrier.arrive $0xFFFF;
	s2 =	simm.s32 @!p0 $0x1C03  }
0xbe: {  	[timem:s3], [sflag:s2] =	dma.local @!p0 [hbm:s0], s1  }
0xbf: {  	s0 =	simm.s32 @!p0 $0x3  }
0xc0: {  	_ =	swait.ge @!p0 [sflag:s0], s1  }
0xc1: {  	s1 =	ssub.s32 @!p0 $0x0, s1;
	[sflag:s0] =	ssyncset.done @!p0 $0x0  }
0xc2: {  	[sflag:s0] =	ssyncadd.s32 @!p0 s1  }
0xc3: {  	[bflag:$0x3] =	sbarrier.arrive $0xFFFF  }
0xc4: {  	_ =	shalt  }

// kernel: kernel.19.cloned.1.call-start
scs
__scs_entry_jumppad:
0x0: {  	(pc) =	sbr.rel $0x88, $3  }
0x1: {  	(tag) =	ssettag $0x0;
	lr =	simm.s32 $0x1  }
0x2: {  	[smem:$0x3F99] =	sst lr;
	_ =	strace $0xD0000000  }
0x3: {  	_ = 	snop  }
0x4: {  	_ = 	snop  }
0x5: {  	_ = 	snop  }
0x6: {  	_ = 	snop  }
0x7: {  	_ = 	snop  }
__scs_overlays_trampoline_lowered:
0x8: {  	[smem:$0x3FA8] =	sst s0  }
0x9: {  	[smem:$0x3FA9] =	sst s1  }
0xa: {  	[smem:$0x3FAA] =	sst s2  }
0xb: {  	[smem:$0x3FAB] =	sst s3  }
0xc: {  	[smem:$0x3FAC] =	sst s4  }
0xd: {  	[smem:$0x3FAD] =	sst s5  }
0xe: {  	[smem:$0x3FAE] =	sst s6  }
0xf: {  	[smem:$0x3FAF] =	sst s7  }
0x10: {  	[smem:$0x3FB0] =	sst s8  }
0x11: {  	[smem:$0x3FB1] =	sst s9;
	s0 =	simm.s32 @!p0 $0x0  }
0x12: {  	s1 =	sld [smem:$0x3F97];
	s0 =	simm.s32 @p0 $0x1  }
0x13: {  	[smem:$0x3FB2] =	sst s0;
	s0 =	simm.s32 @!p1 $0x0  }
0x14: {  	s2 =	sld [smem:$0x3F96];
	s0 =	simm.s32 @p1 $0x1  }
0x15: {  	[smem:$0x3FB3] =	sst s0;
	s0 =	simm.s32 @!p2 $0x0  }
0x16: {  	s3 =	sld [smem:$0x3FDB];
	s0 =	simm.s32 @p2 $0x1  }
0x17: {  	s4 =	simm.s32 $0x1BF5;
	[smem:$0x3FB5] =	sst s0  }
0x18: {  	s0 =	sld [smem:$0x3F98];
	_ =	swait.ge [sflag:s4], $0x0  }
0x19: {  	s7 =	sld [smem:$0x3F99]  }
0x1a: {  	s8 =	sadd.s32 $0xFFFFE003, lr  }
0x1b: {  	s9 =	sadd.s32 $0xFFFFFEF7, lr;
	s5 =	simm.s32 $0xFFFFFFFF;
	p2 =	slt.u32 s8, $0xFFFFF086  }
0x1c: {  	p1 =	slt.u32 s9, $0xF7A;
	s5 =	simm.s32 @!p2 $0x0  }
0x1d: {  	s5 =	simm.s32 @p1 $0x1;
	p0 =	seq.s32 s7, s2  }
0x1e: {  	s7 =	smul.u32 @!p0 $0xF7A, s2;
	p2 =	seq.s32 @!p0 s5, $0x0  }
0x1f: {  	s9 =	smul.u32 $0xF7A, s1;
	s8 =	simm.s32 @!p0 $0x1BF5;
	p2 =	por !p2, p0  }
0x20: {  	[sflag:s8] =	ssyncset.s32 @!p0 $0xFFFFF086;
	s6 =	sadd.s32 @!p0 s3, s7;
	s7 =	simm.s32 @!p0 $0x108  }
0x21: {  	s3 =	sadd.s32 s3, s9;
	s6 =	sadd.s32 @!p0 $0x88, s6;
	s7 =	simm.s32 @p2 $0x1082  }
0x22: {  	[simem:s7], [sflag:s8] =	dma.local @!p0 [hbm:s6], $0xF7A  }
0x23: {  	s9 =	sor.u32 $0xD0000000, s2;
	s6 =	simm.s32 $0x108;
	_ =	swait.ge @!p0 [sflag:s8], $0x0  }
0x24: {  	s3 =	sadd.s32 $0x88, s3;
	s6 =	simm.s32 @!p1 $0x1082;
	[sflag:s4] =	ssyncset.s32 $0xFFFFF086  }
0x25: {  	[simem:s6], [sflag:s4] =	dma.local [hbm:s3], $0xF7A  }
0x26: {  	[smem:$0x3F99] =	sst s1;
	(tag) =	ssettag s2;
	_ =	strace s9  }
0x27: {  	s1 =	sld [smem:$0x3FA9]  }
0x28: {  	s2 =	sld [smem:$0x3FAA]  }
0x29: {  	s4 =	sld [smem:$0x3FAC]  }
0x2a: {  	p0 =	seq.s32 s5, $0x0;
	s5 =	sld [smem:$0x3FAD]  }
0x2b: {  	s6 =	sld [smem:$0x3FAE]  }
0x2c: {  	s7 =	sld [smem:$0x3FAF]  }
0x2d: {  	s3 =	simm.s32 $0x108;
	s8 =	sld [smem:$0x3FB0]  }
0x2e: {  	s3 =	simm.s32 @!p0 $0x1082;
	s9 =	sld [smem:$0x3FB1]  }
0x2f: {  	lr =	sadd.s32 s0, s3;
	s0 =	sld [smem:$0x3FA8]  }
0x30: {  	s3 =	sld [smem:$0x3FAB]  }
0x31: {  	[smem:$0x3FB4] =	sst s10  }
0x32: {  	s10 =	sld [smem:$0x3FB2];
	_ =	sdelay $0x3  }
0x33: {  	p0 =	seq.s32 s10, $0x1;
	s10 =	sld [smem:$0x3FB4];
	_ =	sdelay $0x3  }
0x34: {  	[smem:$0x3FB4] =	sst s10  }
0x35: {  	s10 =	sld [smem:$0x3FB3];
	_ =	sdelay $0x3  }
0x36: {  	p1 =	seq.s32 s10, $0x1;
	s10 =	sld [smem:$0x3FB4];
	_ =	sdelay $0x3  }
0x37: {  	[smem:$0x3FB4] =	sst s10  }
0x38: {  	s10 =	sld [smem:$0x3FB5]  }
0x39: {  	_ = 	snop;
	(pc) =	sbr.ind lr, $3  }
0x3a: {  	_ = 	snop  }
0x3b: {  	_ = 	snop  }
0x3c: {  	p2 =	seq.s32 s10, $0x1;
	s10 =	sld [smem:$0x3FB4]  }
0x3d: {  	_ =	shalt  }
0x3e: {  	_ =	shalt  }
0x3f: {  	_ =	shalt  }
0x40: {  	_ =	shalt  }
0x41: {  	_ =	shalt  }
0x42: {  	_ =	shalt  }
0x43: {  	_ =	shalt  }
0x44: {  	_ =	shalt  }
0x45: {  	_ =	shalt  }
0x46: {  	_ =	shalt  }
0x47: {  	_ =	shalt  }
0x48: {  	_ =	shalt  }
0x49: {  	_ =	shalt  }
0x4a: {  	_ =	shalt  }
0x4b: {  	_ =	shalt  }
0x4c: {  	_ =	shalt  }
0x4d: {  	_ =	shalt  }
0x4e: {  	_ =	shalt  }
0x4f: {  	_ =	shalt  }
0x50: {  	_ =	shalt  }
0x51: {  	_ =	shalt  }
0x52: {  	_ =	shalt  }
0x53: {  	_ =	shalt  }
0x54: {  	_ =	shalt  }
0x55: {  	_ =	shalt  }
0x56: {  	_ =	shalt  }
0x57: {  	_ =	shalt  }
0x58: {  	_ =	shalt  }
0x59: {  	_ =	shalt  }
0x5a: {  	_ =	shalt  }
0x5b: {  	_ =	shalt  }
0x5c: {  	_ =	shalt  }
0x5d: {  	_ =	shalt  }
0x5e: {  	_ =	shalt  }
0x5f: {  	_ =	shalt  }
0x60: {  	_ =	shalt  }
0x61: {  	_ =	shalt  }
0x62: {  	_ =	shalt  }
0x63: {  	_ =	shalt  }
0x64: {  	_ =	shalt  }
0x65: {  	_ =	shalt  }
0x66: {  	_ =	shalt  }
0x67: {  	_ =	shalt  }
0x68: {  	_ =	shalt  }
0x69: {  	_ =	shalt  }
0x6a: {  	_ =	shalt  }
0x6b: {  	_ =	shalt  }
0x6c: {  	_ =	shalt  }
0x6d: {  	_ =	shalt  }
0x6e: {  	_ =	shalt  }
0x6f: {  	_ =	shalt  }
0x70: {  	_ =	shalt  }
0x71: {  	_ =	shalt  }
0x72: {  	_ =	shalt  }
0x73: {  	_ =	shalt  }
0x74: {  	_ =	shalt  }
0x75: {  	_ =	shalt  }
0x76: {  	_ =	shalt  }
0x77: {  	_ =	shalt  }
0x78: {  	_ =	shalt  }
0x79: {  	_ =	shalt  }
0x7a: {  	_ =	shalt  }
0x7b: {  	_ =	shalt  }
0x7c: {  	_ =	shalt  }
0x7d: {  	_ =	shalt  }
0x7e: {  	_ =	shalt  }
0x7f: {  	_ =	shalt  }
0x80: {  	_ =	shalt  }
0x81: {  	_ =	shalt  }
0x82: {  	_ =	shalt  }
0x83: {  	_ =	shalt  }
0x84: {  	_ =	shalt  }
0x85: {  	_ =	shalt  }
0x86: {  	_ =	shalt  }
0x87: {  	_ =	shalt  }
.Lfunc_end0:
.L_simem_size_0:
called_computation.3_lowered:
.L_overlay_start_0:
0x88: {  	s2 =	sld [smem:$0x3FD9]  }
0x89: {  	s3 =	sld [smem:$0x3FFE];
	_ =	sdelay $0x1  }
0x8a: {  	s1 =	srdreg.scid  }
0x8b: {  	s0 =	sand.u32 $0x1, s1  }
0x8c: {  	s17 =	sshll.u32 s0, $0xA;
	s2 =	sadd.s32 s3, s2  }
0x8d: {  	s2 =	sadd.s32 s2, s17  }
0x8e: {  	[smem:$0x3FC0] =	sst s2  }
0x8f: {  	_ = 	snop  }
0x90: {  	s2 =	sld [smem:$0x3FD0];
	(tm) =	ssettm $0x1  }
0x91: {  	s18 =	sld [smem:$0x3FFB];
	_ =	sdelay $0x3  }
0x92: {  	_ =	strace s18  }
0x93: {  	s3 =	sld [smem:$0x3FFC];
	_ =	sdelay $0x3  }
0x94: {  	_ =	strace s3  }
0x95: {  	s3 =	sld [smem:$0x3FFD];
	_ =	sdelay $0x3  }
0x96: {  	_ =	strace s3  }
0x97: {  	_ =	strace $0x8FFFFFFF  }
0x98: {  	s19 =	sld [smem:$0x3FDB];
	_ =	sdelay $0x1  }
0x99: {  	s4 =	simm.s32 $_scs_section_size  }
0x9a: {  	s5 =	simm.s32 $_size__tile_overlayer_lowered;
	s6 =	simm.s32 $_tile_overlayer_lowered  }
0x9b: {  	s22 =	simm.s32 $0x1BFF;
	s21 =	sshll.u32 s6, $0x1;
	s3 =	sadd.s32 s4, s19  }
0x9c: {  	s7 =	simm.s32 $0x0;
	s20 =	sshll.u32 s5, $0x1;
	s5 =	sadd.s32 s21, s3  }
0x9d: {  	[timem:s7], [sflag:s22] =	dma.local [hbm:s5], s20  }
0x9e: {  	_ =	swait.ge [sflag:s22], s20  }
0x9f: {  	s4 =	ssub.s32 $0x0, s20;
	[sflag:s22] =	ssyncset.done $0x0  }
0xa0: {  	[sflag:s22] =	ssyncadd.s32 s4;
	_ =	sdelay $0x1  }
0xa1: {  	s23 =	simm.s32 $0x1B8B  }
0xa2: {  	_ =	swait.ge [sflag:s23], $0x1  }
0xa3: {  	[sflag:s23] =	ssyncset.done $0x0  }
0xa4: {  	s25 =	simm.s32 $0x1B8E;
	s24 =	sld [smem:$0x3FFE];
	[sflag:s23] =	ssyncadd.s32 $0xFFFFFFFF  }
0xa5: {  	s26 =	simm.s32 $execute0_lowered;
	[smem:$0x3FD2] =	sst s25  }
0xa6: {  	s5 =	sshll.u32 s26, $0x1;
	_ =	strace $0x8000004F;
	[dreg:$0x1] =	wrdreg $0xFFFFFFFF  }
0xa7: {  	s28 =	simm.s32 $_size_execute0_lowered;
	s3 =	sadd.s32 s3, s5;
	[dreg:$0x0] =	wrdreg $0x0  }
0xa8: {  	s5 =	sshll.u32 s28, $0x1;
	[dreg:$0x2] =	wrdreg s3  }
0xa9: {  	[dreg:$0x3] =	wrdreg s5  }
0xaa: {  	[dreg:$0x4] =	wrdreg $0xC0  }
0xab: {  	_ =	task [dreg:s7], $0x5FFFF  }
0xac: {  	[dreg:$0x1] =	wrdreg $0xFFFFFFFF  }
0xad: {  	[dreg:$0x0] =	wrdreg $0x60  }
0xae: {  	[dreg:$0x2] =	wrdreg s24  }
0xaf: {  	[dreg:$0x3] =	wrdreg s2  }
0xb0: {  	[dreg:$0x4] =	wrdreg $0x0  }
0xb1: {  	[dreg:$0x5] =	wrdreg $0x9  }
0xb2: {  	_ =	task.clear_ibuf [dreg:s7], $0x6FFFF;
	_ =	strace $0x9000004F  }
0xb3: {  	s29 =	simm.s32 $0x9;
	_ =	strace $0x80000051  }
0xb4: {  	_ =	swait.ge [sflag:s29], $0x1  }
0xb5: {  	[sflag:s29] =	ssyncadd.s32 $0xFFFFFFFF  }
0xb6: {  	_ =	strace $0x90000051  }
0xb7: {  	_ =	sfence  }
0xb8: {  	s30 =	sld [smem:$0x0];
	_ =	sdelay $0x2  }
0xb9: {  	s31 =	sshll.u32 s1, $0xD;
	s1 =	sshrl.u32 s1, $0x2  }
0xba: {  	s3 =	sand.u32 $0x4000, s31;
	s1 =	sadd.s32 s1, s30  }
0xbb: {  	s0 =	sor.u32 s3, s0;
	s1 =	sshll.u32 s1, $0x11  }
0xbc: {  	s0 =	sor.u32 s1, s0  }
0xbd: {  	s0 =	sadd.s32 $0x8F2B, s0  }
0xbe: {  	[sflag:s0] =	ssyncadd.remote.s32 $0x1  }
0xbf: {  	_ =	sfence.sel $0xFFFF  }
0xc0: {  	[dreg:$0x0] =	wrdreg $0xFFFFFFFF;
	(pc) =	sbr.abs _section_cstart, $3  }
0xc1: {  	[dreg:$0x1] =	wrdreg $0xFFFFFFFF  }
0xc2: {  	_ =	task.clear_ibuf [dreg:s7], $0x2FFFF;
	_ =	strace $0x9FFFFFFF  }
0xc3: {  	(tm) =	ssettm $0x7FFFFFFF  }
tec
execute0_lowered:
.L_overlay_start_1:
0x0: {  	(tag) =	ssettag $0x1  }
0x1: {  	s11 =	rddreg [dreg:$0x0]  }
0x2: {  	s12 =	rddreg [dreg:$0x1]  }
0x3: {  	s1 =	rddreg [dreg:$0x2];
	s2 =	srdreg.scid  }
0x4: {  	s0 =	rddreg [dreg:$0x3];
	s3 =	simm.s32 $0x0;
	s16 =	simm.s32 $0x5E800  }
0x5: {  	s18 =	simm.s32 $0x16800;
	s19 =	simm.s32 $0x1;
	s20 =	simm.s32 $0x1A800  }
0x6: {  	s21 =	simm.s32 $0x2;
	s22 =	simm.s32 $0x15380;
	s23 =	simm.s32 $0x16700  }
0x7: {  	s24 =	simm.s32 $0x16780;
	s25 =	simm.s32 $0x0;
	s7 =	sand.u32 $0x1, s2  }
0x8: {  	[smem:$0x7FF] =	sst s3;
	s2 =	stileid.u32;
	s4 =	sadd.s32 $0xE800, s11  }
0x9: {  	s10 =	sadd.s32 $0x4800, s11;
	s5 =	ssub.s32 $0x2, s7;
	s8 =	smul.u32 $0x50000, s2  }
0xa: {  	_ =	strace $0x80000050;
	s26 =	sshll.u32 s2, $0x1;
	s13 =	smul.u32 $0x2800, s2  }
0xb: {  	s30 =	sshll.u32 s2, $0x6;
	p0 =	seq.s32 s7, $0x1;
	s6 =	sshrl.u32 s5, $0x1  }
0xc: {  	s29 =	sor.u32 s7, s26;
	s16 =	simm.s32 @!p0 $0x36800;
	s9 =	ssub.s32 s5, s6  }
0xd: {  	s28 =	sshrl.u32 s8, $0x2;
	s5 =	sadd.s32 s4, s13;
	s15 =	smul.u32 $0x500, s29  }
0xe: {  	s6 =	sor.u32 $0x1C03, s30;
	s31 =	sadd.s32 s16, s11;
	s16 =	simm.s32 $0x15400  }
0xf: {  	s14 =	sadd.s32 s28, s1;
	s7 =	smax.u32 s9, $0x1;
	s8 =	sadd.s32 s10, s15  }
0x10: {  	s17 =	sadd.s32 $0x280, s15;
	s9 =	sadd.s32 s12, s15;
	s15 =	simm.s32 $0x14000  }
0x11: {  	s10 =	sadd.s32 s10, s17;
	s11 =	sadd.s32 s12, s17;
	s12 =	sadd.s32 s31, s13  }
0x12: {  	s13 =	sshrl.u32 s14, $0x3;
	s14 =	simm.s32 $0x3;
	s17 =	simm.s32 $0x80  }
.LBB2_1:
0x13: {  	[spmem:s13], [sflag:s6] =	dma.local [hbm:s5], $0x2800  }
0x14: {  	_ =	swait.ge [sflag:s14], $0x2800  }
0x15: {  	[sflag:s14] =	ssyncset.done $0x0  }
0x16: {  	[sflag:s14] =	ssyncadd.s32 $0xFFFFD800  }
0x17: {  	[bflag:$0x0] =	sbarrier.arrive $0xFFFF  }
0x18: {  	[tilespmem:s15], [sflag:$0x3] =	stream.linear.gather [hbm4b:s8+s3], $0x1400, $0x38;
	[tilespmem:$0x1E800] =	vst v63  }
0x19: {  	_ =	swait.ge [sflag:s14], $0x1400  }
0x1a: {  	[sflag:s14] =	ssyncset.done $0x0  }
0x1b: {  	[sflag:s14] =	ssyncadd.s32 $0xFFFFEC00  }
0x1c: {  	[tilespmem:s16], [sflag:$0x3] =	stream.linear.gather [hbm4b:s9+s3], $0x1400, $0x38;
	[tilespmem:$0x1E800] =	vst v63  }
0x1d: {  	_ =	swait.ge [sflag:s14], $0x1400  }
0x1e: {  	[sflag:s14] =	ssyncset.done $0x0  }
0x1f: {  	[sflag:s14] =	ssyncadd.s32 $0xFFFFEC00  }
0x20: {  	[tilespmem:s18], [sflag:$0x1] =	stream.indirect.gather [hbm4b:s4+s17], $0x80, s15, s17, $0xb8;
	[tilespmem:$0x1E800] =	vst v63  }
0x21: {  	_ =	swait.ge [sflag:s19], $0x4000  }
0x22: {  	[sflag:s19] =	ssyncset.done $0x0  }
0x23: {  	s26 =	simm.s32 $0x14080;
	[sflag:s19] =	ssyncadd.s32 $0xFFFFC000  }
0x24: {  	[tilespmem:s20], [sflag:$0x2] =	stream.indirect.gather [hbm4b:s4+s17], $0x80, s26, s17, $0xb8;
	[tilespmem:$0x1E800] =	vst v63  }
0x25: {  	s29 =	simm.s32 $0x15400  }
0x26: {  	[spmem:s1] =	stream.indirect.scatter.add.f32 [tilespmem:s18], [sflag:$0x3], $0x80, s29, s17, $0xb8;
	[tilespmem:$0x1E800] =	vst v63  }
0x27: {  	_ =	swait.ge [sflag:s14], $0x4000  }
0x28: {  	[sflag:s14] =	ssyncset.done $0x0  }
0x29: {  	[sflag:s14] =	ssyncadd.s32 $0xFFFFC000  }
0x2a: {  	_ =	swait.ge [sflag:s21], $0x4000  }
0x2b: {  	[sflag:s21] =	ssyncset.done $0x0  }
0x2c: {  	s30 =	simm.s32 $0x14100;
	[sflag:s21] =	ssyncadd.s32 $0xFFFFC000  }
0x2d: {  	[tilespmem:s18], [sflag:$0x1] =	stream.indirect.gather [hbm4b:s4+s17], $0x80, s30, s17, $0xb8;
	[tilespmem:$0x1E800] =	vst v63  }
0x2e: {  	s31 =	simm.s32 $0x15480  }
0x2f: {  	[spmem:s1] =	stream.indirect.scatter.add.f32 [tilespmem:s20], [sflag:$0x3], $0x80, s31, s17, $0xb8;
	[tilespmem:$0x1E800] =	vst v63  }
0x30: {  	_ =	swait.ge [sflag:s14], $0x4000  }
0x31: {  	s26 =	simm.s32 $0x400;
	[sflag:s14] =	ssyncset.done $0x0  }
.LBB2_2:
0x32: {  	p0 =	sne.s32 s26, $0x4800  }
0x33: {  	[sflag:s14] =	ssyncadd.s32 $0xFFFFC000;
	s28 =	smov.u32 s26;
	s26 =	sadd.s32 $0x400, s26  }
0x34: {  	_ = 	snop  }
0x35: {  	_ =	swait.ge [sflag:s19], $0x4000  }
0x36: {  	s28 =	sshra.s32 s28, $0x2;
	[sflag:s19] =	ssyncset.done $0x0  }
0x37: {  	s29 =	sadd.s32 $0x14080, s28;
	[sflag:s19] =	ssyncadd.s32 $0xFFFFC000  }
0x38: {  	[tilespmem:s20], [sflag:$0x2] =	stream.indirect.gather [hbm4b:s4+s17], $0x80, s29, s17, $0xb8;
	[tilespmem:$0x1E800] =	vst v63  }
0x39: {  	s29 =	sadd.s32 $0x15400, s28  }
0x3a: {  	[spmem:s1] =	stream.indirect.scatter.add.f32 [tilespmem:s18], [sflag:$0x3], $0x80, s29, s17, $0xb8;
	[tilespmem:$0x1E800] =	vst v63  }
0x3b: {  	_ =	swait.ge [sflag:s14], $0x4000  }
0x3c: {  	[sflag:s14] =	ssyncset.done $0x0  }
0x3d: {  	[sflag:s14] =	ssyncadd.s32 $0xFFFFC000  }
0x3e: {  	_ =	swait.ge [sflag:s21], $0x4000  }
0x3f: {  	[sflag:s21] =	ssyncset.done $0x0  }
0x40: {  	s29 =	sadd.s32 $0x14100, s28;
	[sflag:s21] =	ssyncadd.s32 $0xFFFFC000  }
0x41: {  	[tilespmem:s18], [sflag:$0x1] =	stream.indirect.gather [hbm4b:s4+s17], $0x80, s29, s17, $0xb8;
	[tilespmem:$0x1E800] =	vst v63  }
.Ltmp0:
0x42: {  	_ = 	snop;
	(pc) =	sbr.rel @p0 .LBB2_2-.Ltmp0, $4  }
0x43: {  	s28 =	sadd.s32 $0x15480, s28  }
0x44: {  	[spmem:s1] =	stream.indirect.scatter.add.f32 [tilespmem:s20], [sflag:$0x3], $0x80, s28, s17, $0xb8;
	[tilespmem:$0x1E800] =	vst v63  }
0x45: {  	_ =	swait.ge [sflag:s14], $0x4000  }
0x46: {  	[sflag:s14] =	ssyncset.done $0x0  }
0x47: {  	[sflag:s14] =	ssyncadd.s32 $0xFFFFC000  }
0x48: {  	_ =	swait.ge [sflag:s19], $0x4000  }
0x49: {  	[sflag:s19] =	ssyncset.done $0x0  }
0x4a: {  	[sflag:s19] =	ssyncadd.s32 $0xFFFFC000  }
0x4b: {  	[tilespmem:s20], [sflag:$0x2] =	stream.indirect.gather [hbm4b:s4+s17], $0x80, s22, s17, $0xb8;
	[tilespmem:$0x1E800] =	vst v63  }
0x4c: {  	_ = 	snop  }
0x4d: {  	[spmem:s1] =	stream.indirect.scatter.add.f32 [tilespmem:s18], [sflag:$0x3], $0x80, s23, s17, $0xb8;
	[tilespmem:$0x1E800] =	vst v63  }
0x4e: {  	_ =	swait.ge [sflag:s14], $0x4000  }
0x4f: {  	[sflag:s14] =	ssyncset.done $0x0  }
0x50: {  	[sflag:s14] =	ssyncadd.s32 $0xFFFFC000  }
0x51: {  	_ =	swait.ge [sflag:s21], $0x4000  }
0x52: {  	[sflag:s21] =	ssyncset.done $0x0  }
0x53: {  	[sflag:s21] =	ssyncadd.s32 $0xFFFFC000  }
0x54: {  	[spmem:s1] =	stream.indirect.scatter.add.f32 [tilespmem:s20], [sflag:$0x3], $0x80, s24, s17, $0xb8;
	[tilespmem:$0x1E800] =	vst v63  }
0x55: {  	_ =	swait.ge [sflag:s14], $0x4000  }
0x56: {  	[sflag:s14] =	ssyncset.done $0x0  }
0x57: {  	s26 =	simm.s32 $0x0;
	[sflag:s14] =	ssyncadd.s32 $0xFFFFC000  }
0x58: {  	[tilespmem:s15], [sflag:$0x3] =	stream.linear.gather [hbm4b:s10+s26], $0x1400, $0x38;
	[tilespmem:$0x1E800] =	vst v63  }
0x59: {  	_ =	swait.ge [sflag:s14], $0x1400  }
0x5a: {  	[sflag:s14] =	ssyncset.done $0x0  }
0x5b: {  	[sflag:s14] =	ssyncadd.s32 $0xFFFFEC00  }
0x5c: {  	[tilespmem:s16], [sflag:$0x3] =	stream.linear.gather [hbm4b:s11+s26], $0x1400, $0x38;
	[tilespmem:$0x1E800] =	vst v63  }
0x5d: {  	_ =	swait.ge [sflag:s14], $0x1400  }
0x5e: {  	[sflag:s14] =	ssyncset.done $0x0  }
0x5f: {  	[sflag:s14] =	ssyncadd.s32 $0xFFFFEC00  }
0x60: {  	[tilespmem:s18], [sflag:$0x1] =	stream.indirect.gather [hbm4b:s4+s17], $0x80, s15, s17, $0xb8;
	[tilespmem:$0x1E800] =	vst v63  }
0x61: {  	_ =	swait.ge [sflag:s19], $0x4000  }
0x62: {  	[sflag:s19] =	ssyncset.done $0x0  }
0x63: {  	s28 =	simm.s32 $0x14080;
	[sflag:s19] =	ssyncadd.s32 $0xFFFFC000  }
0x64: {  	[tilespmem:s20], [sflag:$0x2] =	stream.indirect.gather [hbm4b:s4+s17], $0x80, s28, s17, $0xb8;
	[tilespmem:$0x1E800] =	vst v63  }
0x65: {  	s29 =	simm.s32 $0x15400  }
0x66: {  	[spmem:s1] =	stream.indirect.scatter.add.f32 [tilespmem:s18], [sflag:$0x3], $0x80, s29, s17, $0xb8;
	[tilespmem:$0x1E800] =	vst v63  }
0x67: {  	_ =	swait.ge [sflag:s14], $0x4000  }
0x68: {  	[sflag:s14] =	ssyncset.done $0x0  }
0x69: {  	[sflag:s14] =	ssyncadd.s32 $0xFFFFC000  }
0x6a: {  	_ =	swait.ge [sflag:s21], $0x4000  }
0x6b: {  	[sflag:s21] =	ssyncset.done $0x0  }
0x6c: {  	s30 =	simm.s32 $0x14100;
	[sflag:s21] =	ssyncadd.s32 $0xFFFFC000  }
0x6d: {  	[tilespmem:s18], [sflag:$0x1] =	stream.indirect.gather [hbm4b:s4+s17], $0x80, s30, s17, $0xb8;
	[tilespmem:$0x1E800] =	vst v63  }
0x6e: {  	s31 =	simm.s32 $0x15480  }
0x6f: {  	[spmem:s1] =	stream.indirect.scatter.add.f32 [tilespmem:s20], [sflag:$0x3], $0x80, s31, s17, $0xb8;
	[tilespmem:$0x1E800] =	vst v63  }
0x70: {  	_ =	swait.ge [sflag:s14], $0x4000  }
0x71: {  	s26 =	simm.s32 $0x400;
	[sflag:s14] =	ssyncset.done $0x0  }
.LBB2_4:
0x72: {  	p0 =	sne.s32 s26, $0x4800  }
0x73: {  	[sflag:s14] =	ssyncadd.s32 $0xFFFFC000;
	s28 =	smov.u32 s26;
	s26 =	sadd.s32 $0x400, s26  }
0x74: {  	_ = 	snop  }
0x75: {  	_ =	swait.ge [sflag:s19], $0x4000  }
0x76: {  	s28 =	sshra.s32 s28, $0x2;
	[sflag:s19] =	ssyncset.done $0x0  }
0x77: {  	s29 =	sadd.s32 $0x14080, s28;
	[sflag:s19] =	ssyncadd.s32 $0xFFFFC000  }
0x78: {  	[tilespmem:s20], [sflag:$0x2] =	stream.indirect.gather [hbm4b:s4+s17], $0x80, s29, s17, $0xb8;
	[tilespmem:$0x1E800] =	vst v63  }
0x79: {  	s29 =	sadd.s32 $0x15400, s28  }
0x7a: {  	[spmem:s1] =	stream.indirect.scatter.add.f32 [tilespmem:s18], [sflag:$0x3], $0x80, s29, s17, $0xb8;
	[tilespmem:$0x1E800] =	vst v63  }
0x7b: {  	_ =	swait.ge [sflag:s14], $0x4000  }
0x7c: {  	[sflag:s14] =	ssyncset.done $0x0  }
0x7d: {  	[sflag:s14] =	ssyncadd.s32 $0xFFFFC000  }
0x7e: {  	_ =	swait.ge [sflag:s21], $0x4000  }
0x7f: {  	[sflag:s21] =	ssyncset.done $0x0  }
0x80: {  	s29 =	sadd.s32 $0x14100, s28;
	[sflag:s21] =	ssyncadd.s32 $0xFFFFC000  }
0x81: {  	[tilespmem:s18], [sflag:$0x1] =	stream.indirect.gather [hbm4b:s4+s17], $0x80, s29, s17, $0xb8;
	[tilespmem:$0x1E800] =	vst v63  }
.Ltmp1:
0x82: {  	_ = 	snop;
	(pc) =	sbr.rel @p0 .LBB2_4-.Ltmp1, $4  }
0x83: {  	s28 =	sadd.s32 $0x15480, s28  }
0x84: {  	[spmem:s1] =	stream.indirect.scatter.add.f32 [tilespmem:s20], [sflag:$0x3], $0x80, s28, s17, $0xb8;
	[tilespmem:$0x1E800] =	vst v63  }
0x85: {  	_ =	swait.ge [sflag:s14], $0x4000  }
0x86: {  	[sflag:s14] =	ssyncset.done $0x0  }
0x87: {  	[sflag:s14] =	ssyncadd.s32 $0xFFFFC000  }
0x88: {  	_ =	swait.ge [sflag:s19], $0x4000  }
0x89: {  	[sflag:s19] =	ssyncset.done $0x0  }
0x8a: {  	[sflag:s19] =	ssyncadd.s32 $0xFFFFC000  }
0x8b: {  	[tilespmem:s20], [sflag:$0x2] =	stream.indirect.gather [hbm4b:s4+s17], $0x80, s22, s17, $0xb8;
	[tilespmem:$0x1E800] =	vst v63  }
0x8c: {  	_ = 	snop  }
0x8d: {  	[spmem:s1] =	stream.indirect.scatter.add.f32 [tilespmem:s18], [sflag:$0x3], $0x80, s23, s17, $0xb8;
	[tilespmem:$0x1E800] =	vst v63  }
0x8e: {  	_ =	swait.ge [sflag:s14], $0x4000  }
0x8f: {  	[sflag:s14] =	ssyncset.done $0x0  }
0x90: {  	[sflag:s14] =	ssyncadd.s32 $0xFFFFC000  }
0x91: {  	_ =	swait.ge [sflag:s21], $0x4000  }
0x92: {  	[sflag:s21] =	ssyncset.done $0x0  }
0x93: {  	[sflag:s21] =	ssyncadd.s32 $0xFFFFC000  }
0x94: {  	[spmem:s1] =	stream.indirect.scatter.add.f32 [tilespmem:s20], [sflag:$0x3], $0x80, s24, s17, $0xb8;
	[tilespmem:$0x1E800] =	vst v63  }
0x95: {  	_ =	swait.ge [sflag:s14], $0x4000  }
0x96: {  	s25 =	sadd.s32 $0x1, s25;
	[sflag:s14] =	ssyncset.done $0x0  }
0x97: {  	p0 =	sne.s32 s25, s7;
	[sflag:s14] =	ssyncadd.s32 $0xFFFFC000  }
.Ltmp2:
0x98: {  	[bflag:$0x0] =	sbarrier.arrive $0xFFFF;
	(pc) =	sbr.rel @p0 .LBB2_1-.Ltmp2, $4  }
0x99: {  	[hbm:s12], [sflag:s6] =	dma.local [spmem:s13], $0x2800  }
0x9a: {  	_ =	swait.ge [sflag:s14], $0x2800  }
0x9b: {  	[sflag:s14] =	ssyncset.done $0x0  }
0x9c: {  	[sflag:s14] =	ssyncadd.s32 $0xFFFFD800  }
0x9d: {  	_ =	sfence.sel $0x180000  }
0x9e: {  	[bflag:$0x0] =	sbarrier.arrive $0xFFFF  }
0x9f: {  	p0 =	sne.s32 s2, $0x0;
	_ =	strace $0x90000050  }
0xa0: {  	s0 =	sadd.s32 @!p0 $0x100000, s0;
	[bflag:$0x2] =	sbarrier.arrive $0xFFFF  }
0xa1: {  	[sflag:s0] =	ssyncadd.tile.s32 @!p0 $0x1;
	_ =	shalt  }
.Lfunc_end2:
_tile_overlayer_lowered:
.L_overlay_start_2:
0xa2: {  	(tag) =	ssettag $0x2  }
0xa3: {  	s0 =	rddreg [dreg:$0x0];
	s2 =	stileid.u32  }
0xa4: {  	s1 =	rddreg [dreg:$0x1];
	p0 =	sne.s32 s2, $0x0  }
0xa5: {  	s3 =	rddreg [dreg:$0x2];
	[bflag:$0x3] =	sbarrier.arrive $0xFFFF;
	s2 =	simm.s32 @!p0 $0x1C03  }
0xa6: {  	[timem:s3], [sflag:s2] =	dma.local @!p0 [hbm:s0], s1  }
0xa7: {  	s0 =	simm.s32 @!p0 $0x3  }
0xa8: {  	_ =	swait.ge @!p0 [sflag:s0], s1  }
0xa9: {  	s1 =	ssub.s32 @!p0 $0x0, s1;
	[sflag:s0] =	ssyncset.done @!p0 $0x0  }
0xaa: {  	[sflag:s0] =	ssyncadd.s32 @!p0 s1  }
0xab: {  	[bflag:$0x3] =	sbarrier.arrive $0xFFFF  }
0xac: {  	_ =	shalt  }

</sc_bundles>
